<compile_context>
chip_gen: v7x
topology: tpu7x:2x2x1
jax: 0.10.2.dev20260603
libtpu: 0.0.44.dev20260713+nightly
codegen_flags: <defaults>
</compile_context>

<pallas_src>
import jax
import jax.numpy as jnp
from jax import lax
from jax.experimental import pallas as pl
from jax.experimental.pallas import tpu as pltpu
from jax.experimental.pallas import tpu_sc as plsc

B = 16384
D = 32
N = 1000000
RPB = 4
W = 128
NC = 2
NS = 16
NW = NC * NS
BPW = B // NW
GRP = 16
ICH = 128
NCH = BPW // ICH
SROWS = 256
NSTG = BPW // SROWS
GPS = SROWS // GRP


def _cmf_body(users_hbm, items_hbm, uembr_hbm, iembr_hbm, out_hbm,
              uidx_v, iidx_v,
              ublk0, ublk1, ublk2, ublk3,
              iblk0, iblk1, iblk2, iblk3,
              urows_v, irows_v, out_v, sem):
    wid = lax.axis_index("s") * NC + lax.axis_index("c")
    base = wid * BPW

    pltpu.sync_copy(users_hbm.at[pl.ds(base, BPW)], uidx_v)
    pltpu.sync_copy(items_hbm.at[pl.ds(base, BPW)], iidx_v)

    ublks = [ublk0, ublk1, ublk2, ublk3]
    iblks = [iblk0, iblk1, iblk2, iblk3]
    for j in range(NCH):
        for k in range(ICH // GRP):
            src = pl.ds(j * ICH + k * GRP, GRP)
            dst = pl.ds(k * GRP, GRP)
            ublks[j][dst] = uidx_v[src] >> 2
            iblks[j][dst] = iidx_v[src] >> 2

    lane = lax.iota(jnp.int32, GRP)

    for s in range(NSTG):
        copies = []
        for c in range(SROWS // ICH):
            j = s * (SROWS // ICH) + c
            copies.append(pltpu.async_copy(
                uembr_hbm.at[ublks[j]],
                urows_v.at[pl.ds(c * ICH, ICH)], sem))
            copies.append(pltpu.async_copy(
                iembr_hbm.at[iblks[j]],
                irows_v.at[pl.ds(c * ICH, ICH)], sem))
        for cp in copies:
            cp.wait()

        def group(g, carry):
            row = g * GRP + lane
            uvec = uidx_v[pl.ds(s * SROWS + g * GRP, GRP)]
            ivec = iidx_v[pl.ds(s * SROWS + g * GRP, GRP)]
            uoff = (uvec & (RPB - 1)) * D
            ioff = (ivec & (RPB - 1)) * D
            acc = (plsc.load_gather(urows_v, [row, uoff + lane])
                   * plsc.load_gather(irows_v, [row, ioff + lane]))
            for t in range(1, D):
                dcol = (lane + t) & (D - 1)
                acc = acc + (plsc.load_gather(urows_v, [row, uoff + dcol])
                             * plsc.load_gather(irows_v, [row, ioff + dcol]))
            out_v[pl.ds(s * SROWS + g * GRP, GRP)] = acc
            return carry

        lax.fori_loop(0, GPS, group, 0)

    pltpu.sync_copy(out_v, out_hbm.at[pl.ds(base, BPW)])


@jax.jit
def kernel(users, items, user_emb, item_emb):
    users1 = users.astype(jnp.int32)
    items1 = items.astype(jnp.int32)
    uembr = user_emb.reshape(N // RPB, W)
    iembr = item_emb.reshape(N // RPB, W)
    mesh = plsc.VectorSubcoreMesh(core_axis_name="c", subcore_axis_name="s")
    run = pl.kernel(
        _cmf_body,
        out_type=jax.ShapeDtypeStruct((B,), jnp.float32),
        mesh=mesh,
        compiler_params=pltpu.CompilerParams(needs_layout_passes=False),
        scratch_types=[
            pltpu.VMEM((BPW,), jnp.int32),
            pltpu.VMEM((BPW,), jnp.int32),
            pltpu.VMEM((ICH,), jnp.int32),
            pltpu.VMEM((ICH,), jnp.int32),
            pltpu.VMEM((ICH,), jnp.int32),
            pltpu.VMEM((ICH,), jnp.int32),
            pltpu.VMEM((ICH,), jnp.int32),
            pltpu.VMEM((ICH,), jnp.int32),
            pltpu.VMEM((ICH,), jnp.int32),
            pltpu.VMEM((ICH,), jnp.int32),
            pltpu.VMEM((SROWS, W), jnp.float32),
            pltpu.VMEM((SROWS, W), jnp.float32),
            pltpu.VMEM((BPW,), jnp.float32),
            pltpu.SemaphoreType.DMA,
        ],
    )
    return run(users1, items1, uembr, iembr)

# --- scband reference (transcript-rebuilt; emitter-appended) ---
"""Pipeline reference for scband-cmf-61624190763192 (READ-ONLY COPY).

The authoritative reference and input builder live on the scoring server;
editing this copy changes nothing except your own understanding.
"""

import jax, jax.numpy as jnp
import numpy as np

N_USERS = 1000000
N_ITEMS = 1000000
EMBED_DIM = 32
BATCH = 16384

def setup_inputs(seed: int = 0) -> dict:
    key = jax.random.key(seed)
    k1, k2, k3, k4 = jax.random.split(key, 4)
    users = jax.random.randint(k1, (BATCH,), 0, N_USERS, dtype=jnp.int64 if jax.config.jax_enable_x64 else jnp.int32)
    items = jax.random.randint(k2, (BATCH,), 0, N_ITEMS, dtype=jnp.int64 if jax.config.jax_enable_x64 else jnp.int32)
    user_emb = jax.random.normal(k3, (N_USERS, EMBED_DIM), dtype=jnp.float32) * 0.1
    item_emb = jax.random.normal(k4, (N_ITEMS, EMBED_DIM), dtype=jnp.float32) * 0.1
    return {"users": users, "items": items, "user_emb": user_emb, "item_emb": item_emb}

def reference(users, items, user_emb, item_emb):
    # CMF.forward -> predict: gather user/item embeddings, elementwise mul, sum over dim
    user_embedding = jnp.take(user_emb, users, axis=0)
    item_embedding = jnp.take(item_emb, items, axis=0)
    dot = jnp.sum(user_embedding * item_embedding, axis=-1)
    return dot

if __name__ == "__main__":
    import jax
    _d = setup_inputs()
    print(jax.jit(kernel)(*tuple(_d.values())))

</pallas_src>

<mosaic_0001>
#map = affine_map<(d0, d1) -> (0)>
#map1 = affine_map<(d0, d1) -> (0, 0)>
module attributes {stable_mosaic.version = 14 : i64} {
  func.func @_cmf_body(%arg0: i32, %arg1: i32, %arg2: memref<16384xi32, #tpu.memory_space<hbm>>, %arg3: memref<16384xi32, #tpu.memory_space<hbm>>, %arg4: memref<250000x128xf32, #tpu.memory_space<hbm>>, %arg5: memref<250000x128xf32, #tpu.memory_space<hbm>>, %arg6: memref<16384xf32, #tpu.memory_space<hbm>>, %arg7: memref<512xi32, #tpu.memory_space<vmem>>, %arg8: memref<512xi32, #tpu.memory_space<vmem>>, %arg9: memref<128xi32, #tpu.memory_space<vmem>>, %arg10: memref<128xi32, #tpu.memory_space<vmem>>, %arg11: memref<128xi32, #tpu.memory_space<vmem>>, %arg12: memref<128xi32, #tpu.memory_space<vmem>>, %arg13: memref<128xi32, #tpu.memory_space<vmem>>, %arg14: memref<128xi32, #tpu.memory_space<vmem>>, %arg15: memref<128xi32, #tpu.memory_space<vmem>>, %arg16: memref<128xi32, #tpu.memory_space<vmem>>, %arg17: memref<256x128xf32, #tpu.memory_space<vmem>>, %arg18: memref<256x128xf32, #tpu.memory_space<vmem>>, %arg19: memref<512xf32, #tpu.memory_space<vmem>>, %arg20: memref<!tpu.dma_semaphore, #tpu.memory_space<semaphore_mem>>) attributes {dimension_semantics = [#tpu.dimension_semantics<core_parallel>, #tpu.dimension_semantics<subcore_parallel>], iteration_bounds = array<i64: 2, 16>, scalar_prefetch = 0 : i64, scratch_operands = 14 : i64, tpu.core_type = #tpu.core_type<sc_vector_subcore>, window_params = [{transform_indices = #map}, {transform_indices = #map}, {transform_indices = #map1}, {transform_indices = #map1}, {transform_indices = #map}]} {
    %mul3A = arith.constant 2 : i32
    %mul3A_0 = arith.muli %arg1, %mul3A : i32
    %add3A = arith.addi %mul3A_0, %arg0 : i32
    %mul3A_1 = arith.constant 512 : i32
    %mul3A_2 = arith.muli %add3A, %mul3A_1 : i32
    "tpu.region"() ({
      %run_scoped3A = tpu.sem_alloc : memref<!tpu.dma_semaphore, #tpu.memory_space<semaphore_mem>>
      %dma_start3A_553 = tpu.memref_slice %arg2[%mul3A_2] : memref<16384xi32, #tpu.memory_space<hbm>> -> memref<512xi32, #tpu.memory_space<hbm>>
      %dma_start3A_554 = tpu.memref_slice %arg2[%mul3A_2] : memref<16384xi32, #tpu.memory_space<hbm>> -> memref<512xi32, #tpu.memory_space<hbm>>
      tpu.enqueue_dma source(%dma_start3A_554 : memref<512xi32, #tpu.memory_space<hbm>>) target(%arg7 : memref<512xi32, #tpu.memory_space<vmem>>) target_semaphore(%run_scoped3A : memref<!tpu.dma_semaphore, #tpu.memory_space<semaphore_mem>>)
      %dma_wait3A_555 = tpu.memref_slice %arg2[%mul3A_2] : memref<16384xi32, #tpu.memory_space<hbm>> -> memref<512xi32, #tpu.memory_space<hbm>>
      %dma_wait3A_556 = tpu.memref_slice %arg2[%mul3A_2] : memref<16384xi32, #tpu.memory_space<hbm>> -> memref<512xi32, #tpu.memory_space<hbm>>
      tpu.wait_dma2 semaphore(%run_scoped3A : memref<!tpu.dma_semaphore, #tpu.memory_space<semaphore_mem>>) src(%dma_wait3A_556 : memref<512xi32, #tpu.memory_space<hbm>>) dst(%arg7 : memref<512xi32, #tpu.memory_space<vmem>>)
      tpu.yield
    }) : () -> ()
    "tpu.region"() ({
      %run_scoped3A = tpu.sem_alloc : memref<!tpu.dma_semaphore, #tpu.memory_space<semaphore_mem>>
      %dma_start3A_553 = tpu.memref_slice %arg3[%mul3A_2] : memref<16384xi32, #tpu.memory_space<hbm>> -> memref<512xi32, #tpu.memory_space<hbm>>
      %dma_start3A_554 = tpu.memref_slice %arg3[%mul3A_2] : memref<16384xi32, #tpu.memory_space<hbm>> -> memref<512xi32, #tpu.memory_space<hbm>>
      tpu.enqueue_dma source(%dma_start3A_554 : memref<512xi32, #tpu.memory_space<hbm>>) target(%arg8 : memref<512xi32, #tpu.memory_space<vmem>>) target_semaphore(%run_scoped3A : memref<!tpu.dma_semaphore, #tpu.memory_space<semaphore_mem>>)
      %dma_wait3A_555 = tpu.memref_slice %arg3[%mul3A_2] : memref<16384xi32, #tpu.memory_space<hbm>> -> memref<512xi32, #tpu.memory_space<hbm>>
      %dma_wait3A_556 = tpu.memref_slice %arg3[%mul3A_2] : memref<16384xi32, #tpu.memory_space<hbm>> -> memref<512xi32, #tpu.memory_space<hbm>>
      tpu.wait_dma2 semaphore(%run_scoped3A : memref<!tpu.dma_semaphore, #tpu.memory_space<semaphore_mem>>) src(%dma_wait3A_556 : memref<512xi32, #tpu.memory_space<hbm>>) dst(%arg8 : memref<512xi32, #tpu.memory_space<vmem>>)
      tpu.yield
    }) : () -> ()
    %get3A = arith.constant 0 : index
    %get3A_3 = tpu.vector_load %arg7[%get3A] {strides = array<i32>} : memref<512xi32, #tpu.memory_space<vmem>>, vector<16xi32>,
    %shift_right_arithmetic3A = arith.constant 2 : i32
    %shift_right_arithmetic3A_4 = vector.broadcast %shift_right_arithmetic3A : i32 to vector<16xi32>
    %shift_right_arithmetic3A_5 = arith.shrsi %get3A_3, %shift_right_arithmetic3A_4 : vector<16xi32>
    %swap3A = arith.constant 0 : index
    %swap3A_6 = tpu.vector_load %arg9[%swap3A] {strides = array<i32>} : memref<128xi32, #tpu.memory_space<vmem>>, vector<16xi32>,
    tpu.vector_store %arg9[%swap3A], %shift_right_arithmetic3A_5 {strides = array<i32>} : memref<128xi32, #tpu.memory_space<vmem>>, vector<16xi32>,
    %get3A_7 = arith.constant 0 : index
    %get3A_8 = tpu.vector_load %arg8[%get3A_7] {strides = array<i32>} : memref<512xi32, #tpu.memory_space<vmem>>, vector<16xi32>,
    %shift_right_arithmetic3A_9 = arith.constant 2 : i32
    %shift_right_arithmetic3A_10 = vector.broadcast %shift_right_arithmetic3A_9 : i32 to vector<16xi32>
    %shift_right_arithmetic3A_11 = arith.shrsi %get3A_8, %shift_right_arithmetic3A_10 : vector<16xi32>
    %swap3A_12 = arith.constant 0 : index
    %swap3A_13 = tpu.vector_load %arg13[%swap3A_12] {strides = array<i32>} : memref<128xi32, #tpu.memory_space<vmem>>, vector<16xi32>,
    tpu.vector_store %arg13[%swap3A_12], %shift_right_arithmetic3A_11 {strides = array<i32>} : memref<128xi32, #tpu.memory_space<vmem>>, vector<16xi32>,
    %get3A_14 = arith.constant 16 : index
    %get3A_15 = tpu.vector_load %arg7[%get3A_14] {strides = array<i32>} : memref<512xi32, #tpu.memory_space<vmem>>, vector<16xi32>,
    %shift_right_arithmetic3A_16 = arith.constant 2 : i32
    %shift_right_arithmetic3A_17 = vector.broadcast %shift_right_arithmetic3A_16 : i32 to vector<16xi32>
    %shift_right_arithmetic3A_18 = arith.shrsi %get3A_15, %shift_right_arithmetic3A_17 : vector<16xi32>
    %swap3A_19 = arith.constant 16 : index
    %swap3A_20 = tpu.vector_load %arg9[%swap3A_19] {strides = array<i32>} : memref<128xi32, #tpu.memory_space<vmem>>, vector<16xi32>,
    tpu.vector_store %arg9[%swap3A_19], %shift_right_arithmetic3A_18 {strides = array<i32>} : memref<128xi32, #tpu.memory_space<vmem>>, vector<16xi32>,
    %get3A_21 = arith.constant 16 : index
    %get3A_22 = tpu.vector_load %arg8[%get3A_21] {strides = array<i32>} : memref<512xi32, #tpu.memory_space<vmem>>, vector<16xi32>,
    %shift_right_arithmetic3A_23 = arith.constant 2 : i32
    %shift_right_arithmetic3A_24 = vector.broadcast %shift_right_arithmetic3A_23 : i32 to vector<16xi32>
    %shift_right_arithmetic3A_25 = arith.shrsi %get3A_22, %shift_right_arithmetic3A_24 : vector<16xi32>
    %swap3A_26 = arith.constant 16 : index
    %swap3A_27 = tpu.vector_load %arg13[%swap3A_26] {strides = array<i32>} : memref<128xi32, #tpu.memory_space<vmem>>, vector<16xi32>,
    tpu.vector_store %arg13[%swap3A_26], %shift_right_arithmetic3A_25 {strides = array<i32>} : memref<128xi32, #tpu.memory_space<vmem>>, vector<16xi32>,
    %get3A_28 = arith.constant 32 : index
    %get3A_29 = tpu.vector_load %arg7[%get3A_28] {strides = array<i32>} : memref<512xi32, #tpu.memory_space<vmem>>, vector<16xi32>,
    %shift_right_arithmetic3A_30 = arith.constant 2 : i32
    %shift_right_arithmetic3A_31 = vector.broadcast %shift_right_arithmetic3A_30 : i32 to vector<16xi32>
    %shift_right_arithmetic3A_32 = arith.shrsi %get3A_29, %shift_right_arithmetic3A_31 : vector<16xi32>
    %swap3A_33 = arith.constant 32 : index
    %swap3A_34 = tpu.vector_load %arg9[%swap3A_33] {strides = array<i32>} : memref<128xi32, #tpu.memory_space<vmem>>, vector<16xi32>,
    tpu.vector_store %arg9[%swap3A_33], %shift_right_arithmetic3A_32 {strides = array<i32>} : memref<128xi32, #tpu.memory_space<vmem>>, vector<16xi32>,
    %get3A_35 = arith.constant 32 : index
    %get3A_36 = tpu.vector_load %arg8[%get3A_35] {strides = array<i32>} : memref<512xi32, #tpu.memory_space<vmem>>, vector<16xi32>,
    %shift_right_arithmetic3A_37 = arith.constant 2 : i32
    %shift_right_arithmetic3A_38 = vector.broadcast %shift_right_arithmetic3A_37 : i32 to vector<16xi32>
    %shift_right_arithmetic3A_39 = arith.shrsi %get3A_36, %shift_right_arithmetic3A_38 : vector<16xi32>
    %swap3A_40 = arith.constant 32 : index
    %swap3A_41 = tpu.vector_load %arg13[%swap3A_40] {strides = array<i32>} : memref<128xi32, #tpu.memory_space<vmem>>, vector<16xi32>,
    tpu.vector_store %arg13[%swap3A_40], %shift_right_arithmetic3A_39 {strides = array<i32>} : memref<128xi32, #tpu.memory_space<vmem>>, vector<16xi32>,
    %get3A_42 = arith.constant 48 : index
    %get3A_43 = tpu.vector_load %arg7[%get3A_42] {strides = array<i32>} : memref<512xi32, #tpu.memory_space<vmem>>, vector<16xi32>,
    %shift_right_arithmetic3A_44 = arith.constant 2 : i32
    %shift_right_arithmetic3A_45 = vector.broadcast %shift_right_arithmetic3A_44 : i32 to vector<16xi32>
    %shift_right_arithmetic3A_46 = arith.shrsi %get3A_43, %shift_right_arithmetic3A_45 : vector<16xi32>
    %swap3A_47 = arith.constant 48 : index
    %swap3A_48 = tpu.vector_load %arg9[%swap3A_47] {strides = array<i32>} : memref<128xi32, #tpu.memory_space<vmem>>, vector<16xi32>,
    tpu.vector_store %arg9[%swap3A_47], %shift_right_arithmetic3A_46 {strides = array<i32>} : memref<128xi32, #tpu.memory_space<vmem>>, vector<16xi32>,
    %get3A_49 = arith.constant 48 : index
    %get3A_50 = tpu.vector_load %arg8[%get3A_49] {strides = array<i32>} : memref<512xi32, #tpu.memory_space<vmem>>, vector<16xi32>,
    %shift_right_arithmetic3A_51 = arith.constant 2 : i32
    %shift_right_arithmetic3A_52 = vector.broadcast %shift_right_arithmetic3A_51 : i32 to vector<16xi32>
    %shift_right_arithmetic3A_53 = arith.shrsi %get3A_50, %shift_right_arithmetic3A_52 : vector<16xi32>
    %swap3A_54 = arith.constant 48 : index
    %swap3A_55 = tpu.vector_load %arg13[%swap3A_54] {strides = array<i32>} : memref<128xi32, #tpu.memory_space<vmem>>, vector<16xi32>,
    tpu.vector_store %arg13[%swap3A_54], %shift_right_arithmetic3A_53 {strides = array<i32>} : memref<128xi32, #tpu.memory_space<vmem>>, vector<16xi32>,
    %get3A_56 = arith.constant 64 : index
    %get3A_57 = tpu.vector_load %arg7[%get3A_56] {strides = array<i32>} : memref<512xi32, #tpu.memory_space<vmem>>, vector<16xi32>,
    %shift_right_arithmetic3A_58 = arith.constant 2 : i32
    %shift_right_arithmetic3A_59 = vector.broadcast %shift_right_arithmetic3A_58 : i32 to vector<16xi32>
    %shift_right_arithmetic3A_60 = arith.shrsi %get3A_57, %shift_right_arithmetic3A_59 : vector<16xi32>
    %swap3A_61 = arith.constant 64 : index
    %swap3A_62 = tpu.vector_load %arg9[%swap3A_61] {strides = array<i32>} : memref<128xi32, #tpu.memory_space<vmem>>, vector<16xi32>,
    tpu.vector_store %arg9[%swap3A_61], %shift_right_arithmetic3A_60 {strides = array<i32>} : memref<128xi32, #tpu.memory_space<vmem>>, vector<16xi32>,
    %get3A_63 = arith.constant 64 : index
    %get3A_64 = tpu.vector_load %arg8[%get3A_63] {strides = array<i32>} : memref<512xi32, #tpu.memory_space<vmem>>, vector<16xi32>,
    %shift_right_arithmetic3A_65 = arith.constant 2 : i32
    %shift_right_arithmetic3A_66 = vector.broadcast %shift_right_arithmetic3A_65 : i32 to vector<16xi32>
    %shift_right_arithmetic3A_67 = arith.shrsi %get3A_64, %shift_right_arithmetic3A_66 : vector<16xi32>
    %swap3A_68 = arith.constant 64 : index
    %swap3A_69 = tpu.vector_load %arg13[%swap3A_68] {strides = array<i32>} : memref<128xi32, #tpu.memory_space<vmem>>, vector<16xi32>,
    tpu.vector_store %arg13[%swap3A_68], %shift_right_arithmetic3A_67 {strides = array<i32>} : memref<128xi32, #tpu.memory_space<vmem>>, vector<16xi32>,
    %get3A_70 = arith.constant 80 : index
    %get3A_71 = tpu.vector_load %arg7[%get3A_70] {strides = array<i32>} : memref<512xi32, #tpu.memory_space<vmem>>, vector<16xi32>,
    %shift_right_arithmetic3A_72 = arith.constant 2 : i32
    %shift_right_arithmetic3A_73 = vector.broadcast %shift_right_arithmetic3A_72 : i32 to vector<16xi32>
    %shift_right_arithmetic3A_74 = arith.shrsi %get3A_71, %shift_right_arithmetic3A_73 : vector<16xi32>
    %swap3A_75 = arith.constant 80 : index
    %swap3A_76 = tpu.vector_load %arg9[%swap3A_75] {strides = array<i32>} : memref<128xi32, #tpu.memory_space<vmem>>, vector<16xi32>,
    tpu.vector_store %arg9[%swap3A_75], %shift_right_arithmetic3A_74 {strides = array<i32>} : memref<128xi32, #tpu.memory_space<vmem>>, vector<16xi32>,
    %get3A_77 = arith.constant 80 : index
    %get3A_78 = tpu.vector_load %arg8[%get3A_77] {strides = array<i32>} : memref<512xi32, #tpu.memory_space<vmem>>, vector<16xi32>,
    %shift_right_arithmetic3A_79 = arith.constant 2 : i32
    %shift_right_arithmetic3A_80 = vector.broadcast %shift_right_arithmetic3A_79 : i32 to vector<16xi32>
    %shift_right_arithmetic3A_81 = arith.shrsi %get3A_78, %shift_right_arithmetic3A_80 : vector<16xi32>
    %swap3A_82 = arith.constant 80 : index
    %swap3A_83 = tpu.vector_load %arg13[%swap3A_82] {strides = array<i32>} : memref<128xi32, #tpu.memory_space<vmem>>, vector<16xi32>,
    tpu.vector_store %arg13[%swap3A_82], %shift_right_arithmetic3A_81 {strides = array<i32>} : memref<128xi32, #tpu.memory_space<vmem>>, vector<16xi32>,
    %get3A_84 = arith.constant 96 : index
    %get3A_85 = tpu.vector_load %arg7[%get3A_84] {strides = array<i32>} : memref<512xi32, #tpu.memory_space<vmem>>, vector<16xi32>,
    %shift_right_arithmetic3A_86 = arith.constant 2 : i32
    %shift_right_arithmetic3A_87 = vector.broadcast %shift_right_arithmetic3A_86 : i32 to vector<16xi32>
    %shift_right_arithmetic3A_88 = arith.shrsi %get3A_85, %shift_right_arithmetic3A_87 : vector<16xi32>
    %swap3A_89 = arith.constant 96 : index
    %swap3A_90 = tpu.vector_load %arg9[%swap3A_89] {strides = array<i32>} : memref<128xi32, #tpu.memory_space<vmem>>, vector<16xi32>,
    tpu.vector_store %arg9[%swap3A_89], %shift_right_arithmetic3A_88 {strides = array<i32>} : memref<128xi32, #tpu.memory_space<vmem>>, vector<16xi32>,
    %get3A_91 = arith.constant 96 : index
    %get3A_92 = tpu.vector_load %arg8[%get3A_91] {strides = array<i32>} : memref<512xi32, #tpu.memory_space<vmem>>, vector<16xi32>,
    %shift_right_arithmetic3A_93 = arith.constant 2 : i32
    %shift_right_arithmetic3A_94 = vector.broadcast %shift_right_arithmetic3A_93 : i32 to vector<16xi32>
    %shift_right_arithmetic3A_95 = arith.shrsi %get3A_92, %shift_right_arithmetic3A_94 : vector<16xi32>
    %swap3A_96 = arith.constant 96 : index
    %swap3A_97 = tpu.vector_load %arg13[%swap3A_96] {strides = array<i32>} : memref<128xi32, #tpu.memory_space<vmem>>, vector<16xi32>,
    tpu.vector_store %arg13[%swap3A_96], %shift_right_arithmetic3A_95 {strides = array<i32>} : memref<128xi32, #tpu.memory_space<vmem>>, vector<16xi32>,
    %get3A_98 = arith.constant 112 : index
    %get3A_99 = tpu.vector_load %arg7[%get3A_98] {strides = array<i32>} : memref<512xi32, #tpu.memory_space<vmem>>, vector<16xi32>,
    %shift_right_arithmetic3A_100 = arith.constant 2 : i32
    %shift_right_arithmetic3A_101 = vector.broadcast %shift_right_arithmetic3A_100 : i32 to vector<16xi32>
    %shift_right_arithmetic3A_102 = arith.shrsi %get3A_99, %shift_right_arithmetic3A_101 : vector<16xi32>
    %swap3A_103 = arith.constant 112 : index
    %swap3A_104 = tpu.vector_load %arg9[%swap3A_103] {strides = array<i32>} : memref<128xi32, #tpu.memory_space<vmem>>, vector<16xi32>,
    tpu.vector_store %arg9[%swap3A_103], %shift_right_arithmetic3A_102 {strides = array<i32>} : memref<128xi32, #tpu.memory_space<vmem>>, vector<16xi32>,
    %get3A_105 = arith.constant 112 : index
    %get3A_106 = tpu.vector_load %arg8[%get3A_105] {strides = array<i32>} : memref<512xi32, #tpu.memory_space<vmem>>, vector<16xi32>,
    %shift_right_arithmetic3A_107 = arith.constant 2 : i32
    %shift_right_arithmetic3A_108 = vector.broadcast %shift_right_arithmetic3A_107 : i32 to vector<16xi32>
    %shift_right_arithmetic3A_109 = arith.shrsi %get3A_106, %shift_right_arithmetic3A_108 : vector<16xi32>
    %swap3A_110 = arith.constant 112 : index
    %swap3A_111 = tpu.vector_load %arg13[%swap3A_110] {strides = array<i32>} : memref<128xi32, #tpu.memory_space<vmem>>, vector<16xi32>,
    tpu.vector_store %arg13[%swap3A_110], %shift_right_arithmetic3A_109 {strides = array<i32>} : memref<128xi32, #tpu.memory_space<vmem>>, vector<16xi32>,
    %get3A_112 = arith.constant 128 : index
    %get3A_113 = tpu.vector_load %arg7[%get3A_112] {strides = array<i32>} : memref<512xi32, #tpu.memory_space<vmem>>, vector<16xi32>,
    %shift_right_arithmetic3A_114 = arith.constant 2 : i32
    %shift_right_arithmetic3A_115 = vector.broadcast %shift_right_arithmetic3A_114 : i32 to vector<16xi32>
    %shift_right_arithmetic3A_116 = arith.shrsi %get3A_113, %shift_right_arithmetic3A_115 : vector<16xi32>
    %swap3A_117 = arith.constant 0 : index
    %swap3A_118 = tpu.vector_load %arg10[%swap3A_117] {strides = array<i32>} : memref<128xi32, #tpu.memory_space<vmem>>, vector<16xi32>,
    tpu.vector_store %arg10[%swap3A_117], %shift_right_arithmetic3A_116 {strides = array<i32>} : memref<128xi32, #tpu.memory_space<vmem>>, vector<16xi32>,
    %get3A_119 = arith.constant 128 : index
    %get3A_120 = tpu.vector_load %arg8[%get3A_119] {strides = array<i32>} : memref<512xi32, #tpu.memory_space<vmem>>, vector<16xi32>,
    %shift_right_arithmetic3A_121 = arith.constant 2 : i32
    %shift_right_arithmetic3A_122 = vector.broadcast %shift_right_arithmetic3A_121 : i32 to vector<16xi32>
    %shift_right_arithmetic3A_123 = arith.shrsi %get3A_120, %shift_right_arithmetic3A_122 : vector<16xi32>
    %swap3A_124 = arith.constant 0 : index
    %swap3A_125 = tpu.vector_load %arg14[%swap3A_124] {strides = array<i32>} : memref<128xi32, #tpu.memory_space<vmem>>, vector<16xi32>,
    tpu.vector_store %arg14[%swap3A_124], %shift_right_arithmetic3A_123 {strides = array<i32>} : memref<128xi32, #tpu.memory_space<vmem>>, vector<16xi32>,
    %get3A_126 = arith.constant 144 : index
    %get3A_127 = tpu.vector_load %arg7[%get3A_126] {strides = array<i32>} : memref<512xi32, #tpu.memory_space<vmem>>, vector<16xi32>,
    %shift_right_arithmetic3A_128 = arith.constant 2 : i32
    %shift_right_arithmetic3A_129 = vector.broadcast %shift_right_arithmetic3A_128 : i32 to vector<16xi32>
    %shift_right_arithmetic3A_130 = arith.shrsi %get3A_127, %shift_right_arithmetic3A_129 : vector<16xi32>
    %swap3A_131 = arith.constant 16 : index
    %swap3A_132 = tpu.vector_load %arg10[%swap3A_131] {strides = array<i32>} : memref<128xi32, #tpu.memory_space<vmem>>, vector<16xi32>,
    tpu.vector_store %arg10[%swap3A_131], %shift_right_arithmetic3A_130 {strides = array<i32>} : memref<128xi32, #tpu.memory_space<vmem>>, vector<16xi32>,
    %get3A_133 = arith.constant 144 : index
    %get3A_134 = tpu.vector_load %arg8[%get3A_133] {strides = array<i32>} : memref<512xi32, #tpu.memory_space<vmem>>, vector<16xi32>,
    %shift_right_arithmetic3A_135 = arith.constant 2 : i32
    %shift_right_arithmetic3A_136 = vector.broadcast %shift_right_arithmetic3A_135 : i32 to vector<16xi32>
    %shift_right_arithmetic3A_137 = arith.shrsi %get3A_134, %shift_right_arithmetic3A_136 : vector<16xi32>
    %swap3A_138 = arith.constant 16 : index
    %swap3A_139 = tpu.vector_load %arg14[%swap3A_138] {strides = array<i32>} : memref<128xi32, #tpu.memory_space<vmem>>, vector<16xi32>,
    tpu.vector_store %arg14[%swap3A_138], %shift_right_arithmetic3A_137 {strides = array<i32>} : memref<128xi32, #tpu.memory_space<vmem>>, vector<16xi32>,
    %get3A_140 = arith.constant 160 : index
    %get3A_141 = tpu.vector_load %arg7[%get3A_140] {strides = array<i32>} : memref<512xi32, #tpu.memory_space<vmem>>, vector<16xi32>,
    %shift_right_arithmetic3A_142 = arith.constant 2 : i32
    %shift_right_arithmetic3A_143 = vector.broadcast %shift_right_arithmetic3A_142 : i32 to vector<16xi32>
    %shift_right_arithmetic3A_144 = arith.shrsi %get3A_141, %shift_right_arithmetic3A_143 : vector<16xi32>
    %swap3A_145 = arith.constant 32 : index
    %swap3A_146 = tpu.vector_load %arg10[%swap3A_145] {strides = array<i32>} : memref<128xi32, #tpu.memory_space<vmem>>, vector<16xi32>,
    tpu.vector_store %arg10[%swap3A_145], %shift_right_arithmetic3A_144 {strides = array<i32>} : memref<128xi32, #tpu.memory_space<vmem>>, vector<16xi32>,
    %get3A_147 = arith.constant 160 : index
    %get3A_148 = tpu.vector_load %arg8[%get3A_147] {strides = array<i32>} : memref<512xi32, #tpu.memory_space<vmem>>, vector<16xi32>,
    %shift_right_arithmetic3A_149 = arith.constant 2 : i32
    %shift_right_arithmetic3A_150 = vector.broadcast %shift_right_arithmetic3A_149 : i32 to vector<16xi32>
    %shift_right_arithmetic3A_151 = arith.shrsi %get3A_148, %shift_right_arithmetic3A_150 : vector<16xi32>
    %swap3A_152 = arith.constant 32 : index
    %swap3A_153 = tpu.vector_load %arg14[%swap3A_152] {strides = array<i32>} : memref<128xi32, #tpu.memory_space<vmem>>, vector<16xi32>,
    tpu.vector_store %arg14[%swap3A_152], %shift_right_arithmetic3A_151 {strides = array<i32>} : memref<128xi32, #tpu.memory_space<vmem>>, vector<16xi32>,
    %get3A_154 = arith.constant 176 : index
    %get3A_155 = tpu.vector_load %arg7[%get3A_154] {strides = array<i32>} : memref<512xi32, #tpu.memory_space<vmem>>, vector<16xi32>,
    %shift_right_arithmetic3A_156 = arith.constant 2 : i32
    %shift_right_arithmetic3A_157 = vector.broadcast %shift_right_arithmetic3A_156 : i32 to vector<16xi32>
    %shift_right_arithmetic3A_158 = arith.shrsi %get3A_155, %shift_right_arithmetic3A_157 : vector<16xi32>
    %swap3A_159 = arith.constant 48 : index
    %swap3A_160 = tpu.vector_load %arg10[%swap3A_159] {strides = array<i32>} : memref<128xi32, #tpu.memory_space<vmem>>, vector<16xi32>,
    tpu.vector_store %arg10[%swap3A_159], %shift_right_arithmetic3A_158 {strides = array<i32>} : memref<128xi32, #tpu.memory_space<vmem>>, vector<16xi32>,
    %get3A_161 = arith.constant 176 : index
    %get3A_162 = tpu.vector_load %arg8[%get3A_161] {strides = array<i32>} : memref<512xi32, #tpu.memory_space<vmem>>, vector<16xi32>,
    %shift_right_arithmetic3A_163 = arith.constant 2 : i32
    %shift_right_arithmetic3A_164 = vector.broadcast %shift_right_arithmetic3A_163 : i32 to vector<16xi32>
    %shift_right_arithmetic3A_165 = arith.shrsi %get3A_162, %shift_right_arithmetic3A_164 : vector<16xi32>
    %swap3A_166 = arith.constant 48 : index
    %swap3A_167 = tpu.vector_load %arg14[%swap3A_166] {strides = array<i32>} : memref<128xi32, #tpu.memory_space<vmem>>, vector<16xi32>,
    tpu.vector_store %arg14[%swap3A_166], %shift_right_arithmetic3A_165 {strides = array<i32>} : memref<128xi32, #tpu.memory_space<vmem>>, vector<16xi32>,
    %get3A_168 = arith.constant 192 : index
    %get3A_169 = tpu.vector_load %arg7[%get3A_168] {strides = array<i32>} : memref<512xi32, #tpu.memory_space<vmem>>, vector<16xi32>,
    %shift_right_arithmetic3A_170 = arith.constant 2 : i32
    %shift_right_arithmetic3A_171 = vector.broadcast %shift_right_arithmetic3A_170 : i32 to vector<16xi32>
    %shift_right_arithmetic3A_172 = arith.shrsi %get3A_169, %shift_right_arithmetic3A_171 : vector<16xi32>
    %swap3A_173 = arith.constant 64 : index
    %swap3A_174 = tpu.vector_load %arg10[%swap3A_173] {strides = array<i32>} : memref<128xi32, #tpu.memory_space<vmem>>, vector<16xi32>,
    tpu.vector_store %arg10[%swap3A_173], %shift_right_arithmetic3A_172 {strides = array<i32>} : memref<128xi32, #tpu.memory_space<vmem>>, vector<16xi32>,
    %get3A_175 = arith.constant 192 : index
    %get3A_176 = tpu.vector_load %arg8[%get3A_175] {strides = array<i32>} : memref<512xi32, #tpu.memory_space<vmem>>, vector<16xi32>,
    %shift_right_arithmetic3A_177 = arith.constant 2 : i32
    %shift_right_arithmetic3A_178 = vector.broadcast %shift_right_arithmetic3A_177 : i32 to vector<16xi32>
    %shift_right_arithmetic3A_179 = arith.shrsi %get3A_176, %shift_right_arithmetic3A_178 : vector<16xi32>
    %swap3A_180 = arith.constant 64 : index
    %swap3A_181 = tpu.vector_load %arg14[%swap3A_180] {strides = array<i32>} : memref<128xi32, #tpu.memory_space<vmem>>, vector<16xi32>,
    tpu.vector_store %arg14[%swap3A_180], %shift_right_arithmetic3A_179 {strides = array<i32>} : memref<128xi32, #tpu.memory_space<vmem>>, vector<16xi32>,
    %get3A_182 = arith.constant 208 : index
    %get3A_183 = tpu.vector_load %arg7[%get3A_182] {strides = array<i32>} : memref<512xi32, #tpu.memory_space<vmem>>, vector<16xi32>,
    %shift_right_arithmetic3A_184 = arith.constant 2 : i32
    %shift_right_arithmetic3A_185 = vector.broadcast %shift_right_arithmetic3A_184 : i32 to vector<16xi32>
    %shift_right_arithmetic3A_186 = arith.shrsi %get3A_183, %shift_right_arithmetic3A_185 : vector<16xi32>
    %swap3A_187 = arith.constant 80 : index
    %swap3A_188 = tpu.vector_load %arg10[%swap3A_187] {strides = array<i32>} : memref<128xi32, #tpu.memory_space<vmem>>, vector<16xi32>,
    tpu.vector_store %arg10[%swap3A_187], %shift_right_arithmetic3A_186 {strides = array<i32>} : memref<128xi32, #tpu.memory_space<vmem>>, vector<16xi32>,
    %get3A_189 = arith.constant 208 : index
    %get3A_190 = tpu.vector_load %arg8[%get3A_189] {strides = array<i32>} : memref<512xi32, #tpu.memory_space<vmem>>, vector<16xi32>,
    %shift_right_arithmetic3A_191 = arith.constant 2 : i32
    %shift_right_arithmetic3A_192 = vector.broadcast %shift_right_arithmetic3A_191 : i32 to vector<16xi32>
    %shift_right_arithmetic3A_193 = arith.shrsi %get3A_190, %shift_right_arithmetic3A_192 : vector<16xi32>
    %swap3A_194 = arith.constant 80 : index
    %swap3A_195 = tpu.vector_load %arg14[%swap3A_194] {strides = array<i32>} : memref<128xi32, #tpu.memory_space<vmem>>, vector<16xi32>,
    tpu.vector_store %arg14[%swap3A_194], %shift_right_arithmetic3A_193 {strides = array<i32>} : memref<128xi32, #tpu.memory_space<vmem>>, vector<16xi32>,
    %get3A_196 = arith.constant 224 : index
    %get3A_197 = tpu.vector_load %arg7[%get3A_196] {strides = array<i32>} : memref<512xi32, #tpu.memory_space<vmem>>, vector<16xi32>,
    %shift_right_arithmetic3A_198 = arith.constant 2 : i32
    %shift_right_arithmetic3A_199 = vector.broadcast %shift_right_arithmetic3A_198 : i32 to vector<16xi32>
    %shift_right_arithmetic3A_200 = arith.shrsi %get3A_197, %shift_right_arithmetic3A_199 : vector<16xi32>
    %swap3A_201 = arith.constant 96 : index
    %swap3A_202 = tpu.vector_load %arg10[%swap3A_201] {strides = array<i32>} : memref<128xi32, #tpu.memory_space<vmem>>, vector<16xi32>,
    tpu.vector_store %arg10[%swap3A_201], %shift_right_arithmetic3A_200 {strides = array<i32>} : memref<128xi32, #tpu.memory_space<vmem>>, vector<16xi32>,
    %get3A_203 = arith.constant 224 : index
    %get3A_204 = tpu.vector_load %arg8[%get3A_203] {strides = array<i32>} : memref<512xi32, #tpu.memory_space<vmem>>, vector<16xi32>,
    %shift_right_arithmetic3A_205 = arith.constant 2 : i32
    %shift_right_arithmetic3A_206 = vector.broadcast %shift_right_arithmetic3A_205 : i32 to vector<16xi32>
    %shift_right_arithmetic3A_207 = arith.shrsi %get3A_204, %shift_right_arithmetic3A_206 : vector<16xi32>
    %swap3A_208 = arith.constant 96 : index
    %swap3A_209 = tpu.vector_load %arg14[%swap3A_208] {strides = array<i32>} : memref<128xi32, #tpu.memory_space<vmem>>, vector<16xi32>,
    tpu.vector_store %arg14[%swap3A_208], %shift_right_arithmetic3A_207 {strides = array<i32>} : memref<128xi32, #tpu.memory_space<vmem>>, vector<16xi32>,
    %get3A_210 = arith.constant 240 : index
    %get3A_211 = tpu.vector_load %arg7[%get3A_210] {strides = array<i32>} : memref<512xi32, #tpu.memory_space<vmem>>, vector<16xi32>,
    %shift_right_arithmetic3A_212 = arith.constant 2 : i32
    %shift_right_arithmetic3A_213 = vector.broadcast %shift_right_arithmetic3A_212 : i32 to vector<16xi32>
    %shift_right_arithmetic3A_214 = arith.shrsi %get3A_211, %shift_right_arithmetic3A_213 : vector<16xi32>
    %swap3A_215 = arith.constant 112 : index
    %swap3A_216 = tpu.vector_load %arg10[%swap3A_215] {strides = array<i32>} : memref<128xi32, #tpu.memory_space<vmem>>, vector<16xi32>,
    tpu.vector_store %arg10[%swap3A_215], %shift_right_arithmetic3A_214 {strides = array<i32>} : memref<128xi32, #tpu.memory_space<vmem>>, vector<16xi32>,
    %get3A_217 = arith.constant 240 : index
    %get3A_218 = tpu.vector_load %arg8[%get3A_217] {strides = array<i32>} : memref<512xi32, #tpu.memory_space<vmem>>, vector<16xi32>,
    %shift_right_arithmetic3A_219 = arith.constant 2 : i32
    %shift_right_arithmetic3A_220 = vector.broadcast %shift_right_arithmetic3A_219 : i32 to vector<16xi32>
    %shift_right_arithmetic3A_221 = arith.shrsi %get3A_218, %shift_right_arithmetic3A_220 : vector<16xi32>
    %swap3A_222 = arith.constant 112 : index
    %swap3A_223 = tpu.vector_load %arg14[%swap3A_222] {strides = array<i32>} : memref<128xi32, #tpu.memory_space<vmem>>, vector<16xi32>,
    tpu.vector_store %arg14[%swap3A_222], %shift_right_arithmetic3A_221 {strides = array<i32>} : memref<128xi32, #tpu.memory_space<vmem>>, vector<16xi32>,
    %get3A_224 = arith.constant 256 : index
    %get3A_225 = tpu.vector_load %arg7[%get3A_224] {strides = array<i32>} : memref<512xi32, #tpu.memory_space<vmem>>, vector<16xi32>,
    %shift_right_arithmetic3A_226 = arith.constant 2 : i32
    %shift_right_arithmetic3A_227 = vector.broadcast %shift_right_arithmetic3A_226 : i32 to vector<16xi32>
    %shift_right_arithmetic3A_228 = arith.shrsi %get3A_225, %shift_right_arithmetic3A_227 : vector<16xi32>
    %swap3A_229 = arith.constant 0 : index
    %swap3A_230 = tpu.vector_load %arg11[%swap3A_229] {strides = array<i32>} : memref<128xi32, #tpu.memory_space<vmem>>, vector<16xi32>,
    tpu.vector_store %arg11[%swap3A_229], %shift_right_arithmetic3A_228 {strides = array<i32>} : memref<128xi32, #tpu.memory_space<vmem>>, vector<16xi32>,
    %get3A_231 = arith.constant 256 : index
    %get3A_232 = tpu.vector_load %arg8[%get3A_231] {strides = array<i32>} : memref<512xi32, #tpu.memory_space<vmem>>, vector<16xi32>,
    %shift_right_arithmetic3A_233 = arith.constant 2 : i32
    %shift_right_arithmetic3A_234 = vector.broadcast %shift_right_arithmetic3A_233 : i32 to vector<16xi32>
    %shift_right_arithmetic3A_235 = arith.shrsi %get3A_232, %shift_right_arithmetic3A_234 : vector<16xi32>
    %swap3A_236 = arith.constant 0 : index
    %swap3A_237 = tpu.vector_load %arg15[%swap3A_236] {strides = array<i32>} : memref<128xi32, #tpu.memory_space<vmem>>, vector<16xi32>,
    tpu.vector_store %arg15[%swap3A_236], %shift_right_arithmetic3A_235 {strides = array<i32>} : memref<128xi32, #tpu.memory_space<vmem>>, vector<16xi32>,
    %get3A_238 = arith.constant 272 : index
    %get3A_239 = tpu.vector_load %arg7[%get3A_238] {strides = array<i32>} : memref<512xi32, #tpu.memory_space<vmem>>, vector<16xi32>,
    %shift_right_arithmetic3A_240 = arith.constant 2 : i32
    %shift_right_arithmetic3A_241 = vector.broadcast %shift_right_arithmetic3A_240 : i32 to vector<16xi32>
    %shift_right_arithmetic3A_242 = arith.shrsi %get3A_239, %shift_right_arithmetic3A_241 : vector<16xi32>
    %swap3A_243 = arith.constant 16 : index
    %swap3A_244 = tpu.vector_load %arg11[%swap3A_243] {strides = array<i32>} : memref<128xi32, #tpu.memory_space<vmem>>, vector<16xi32>,
    tpu.vector_store %arg11[%swap3A_243], %shift_right_arithmetic3A_242 {strides = array<i32>} : memref<128xi32, #tpu.memory_space<vmem>>, vector<16xi32>,
    %get3A_245 = arith.constant 272 : index
    %get3A_246 = tpu.vector_load %arg8[%get3A_245] {strides = array<i32>} : memref<512xi32, #tpu.memory_space<vmem>>, vector<16xi32>,
    %shift_right_arithmetic3A_247 = arith.constant 2 : i32
    %shift_right_arithmetic3A_248 = vector.broadcast %shift_right_arithmetic3A_247 : i32 to vector<16xi32>
    %shift_right_arithmetic3A_249 = arith.shrsi %get3A_246, %shift_right_arithmetic3A_248 : vector<16xi32>
    %swap3A_250 = arith.constant 16 : index
    %swap3A_251 = tpu.vector_load %arg15[%swap3A_250] {strides = array<i32>} : memref<128xi32, #tpu.memory_space<vmem>>, vector<16xi32>,
    tpu.vector_store %arg15[%swap3A_250], %shift_right_arithmetic3A_249 {strides = array<i32>} : memref<128xi32, #tpu.memory_space<vmem>>, vector<16xi32>,
    %get3A_252 = arith.constant 288 : index
    %get3A_253 = tpu.vector_load %arg7[%get3A_252] {strides = array<i32>} : memref<512xi32, #tpu.memory_space<vmem>>, vector<16xi32>,
    %shift_right_arithmetic3A_254 = arith.constant 2 : i32
    %shift_right_arithmetic3A_255 = vector.broadcast %shift_right_arithmetic3A_254 : i32 to vector<16xi32>
    %shift_right_arithmetic3A_256 = arith.shrsi %get3A_253, %shift_right_arithmetic3A_255 : vector<16xi32>
    %swap3A_257 = arith.constant 32 : index
    %swap3A_258 = tpu.vector_load %arg11[%swap3A_257] {strides = array<i32>} : memref<128xi32, #tpu.memory_space<vmem>>, vector<16xi32>,
    tpu.vector_store %arg11[%swap3A_257], %shift_right_arithmetic3A_256 {strides = array<i32>} : memref<128xi32, #tpu.memory_space<vmem>>, vector<16xi32>,
    %get3A_259 = arith.constant 288 : index
    %get3A_260 = tpu.vector_load %arg8[%get3A_259] {strides = array<i32>} : memref<512xi32, #tpu.memory_space<vmem>>, vector<16xi32>,
    %shift_right_arithmetic3A_261 = arith.constant 2 : i32
    %shift_right_arithmetic3A_262 = vector.broadcast %shift_right_arithmetic3A_261 : i32 to vector<16xi32>
    %shift_right_arithmetic3A_263 = arith.shrsi %get3A_260, %shift_right_arithmetic3A_262 : vector<16xi32>
    %swap3A_264 = arith.constant 32 : index
    %swap3A_265 = tpu.vector_load %arg15[%swap3A_264] {strides = array<i32>} : memref<128xi32, #tpu.memory_space<vmem>>, vector<16xi32>,
    tpu.vector_store %arg15[%swap3A_264], %shift_right_arithmetic3A_263 {strides = array<i32>} : memref<128xi32, #tpu.memory_space<vmem>>, vector<16xi32>,
    %get3A_266 = arith.constant 304 : index
    %get3A_267 = tpu.vector_load %arg7[%get3A_266] {strides = array<i32>} : memref<512xi32, #tpu.memory_space<vmem>>, vector<16xi32>,
    %shift_right_arithmetic3A_268 = arith.constant 2 : i32
    %shift_right_arithmetic3A_269 = vector.broadcast %shift_right_arithmetic3A_268 : i32 to vector<16xi32>
    %shift_right_arithmetic3A_270 = arith.shrsi %get3A_267, %shift_right_arithmetic3A_269 : vector<16xi32>
    %swap3A_271 = arith.constant 48 : index
    %swap3A_272 = tpu.vector_load %arg11[%swap3A_271] {strides = array<i32>} : memref<128xi32, #tpu.memory_space<vmem>>, vector<16xi32>,
    tpu.vector_store %arg11[%swap3A_271], %shift_right_arithmetic3A_270 {strides = array<i32>} : memref<128xi32, #tpu.memory_space<vmem>>, vector<16xi32>,
    %get3A_273 = arith.constant 304 : index
    %get3A_274 = tpu.vector_load %arg8[%get3A_273] {strides = array<i32>} : memref<512xi32, #tpu.memory_space<vmem>>, vector<16xi32>,
    %shift_right_arithmetic3A_275 = arith.constant 2 : i32
    %shift_right_arithmetic3A_276 = vector.broadcast %shift_right_arithmetic3A_275 : i32 to vector<16xi32>
    %shift_right_arithmetic3A_277 = arith.shrsi %get3A_274, %shift_right_arithmetic3A_276 : vector<16xi32>
    %swap3A_278 = arith.constant 48 : index
    %swap3A_279 = tpu.vector_load %arg15[%swap3A_278] {strides = array<i32>} : memref<128xi32, #tpu.memory_space<vmem>>, vector<16xi32>,
    tpu.vector_store %arg15[%swap3A_278], %shift_right_arithmetic3A_277 {strides = array<i32>} : memref<128xi32, #tpu.memory_space<vmem>>, vector<16xi32>,
    %get3A_280 = arith.constant 320 : index
    %get3A_281 = tpu.vector_load %arg7[%get3A_280] {strides = array<i32>} : memref<512xi32, #tpu.memory_space<vmem>>, vector<16xi32>,
    %shift_right_arithmetic3A_282 = arith.constant 2 : i32
    %shift_right_arithmetic3A_283 = vector.broadcast %shift_right_arithmetic3A_282 : i32 to vector<16xi32>
    %shift_right_arithmetic3A_284 = arith.shrsi %get3A_281, %shift_right_arithmetic3A_283 : vector<16xi32>
    %swap3A_285 = arith.constant 64 : index
    %swap3A_286 = tpu.vector_load %arg11[%swap3A_285] {strides = array<i32>} : memref<128xi32, #tpu.memory_space<vmem>>, vector<16xi32>,
    tpu.vector_store %arg11[%swap3A_285], %shift_right_arithmetic3A_284 {strides = array<i32>} : memref<128xi32, #tpu.memory_space<vmem>>, vector<16xi32>,
    %get3A_287 = arith.constant 320 : index
    %get3A_288 = tpu.vector_load %arg8[%get3A_287] {strides = array<i32>} : memref<512xi32, #tpu.memory_space<vmem>>, vector<16xi32>,
    %shift_right_arithmetic3A_289 = arith.constant 2 : i32
    %shift_right_arithmetic3A_290 = vector.broadcast %shift_right_arithmetic3A_289 : i32 to vector<16xi32>
    %shift_right_arithmetic3A_291 = arith.shrsi %get3A_288, %shift_right_arithmetic3A_290 : vector<16xi32>
    %swap3A_292 = arith.constant 64 : index
    %swap3A_293 = tpu.vector_load %arg15[%swap3A_292] {strides = array<i32>} : memref<128xi32, #tpu.memory_space<vmem>>, vector<16xi32>,
    tpu.vector_store %arg15[%swap3A_292], %shift_right_arithmetic3A_291 {strides = array<i32>} : memref<128xi32, #tpu.memory_space<vmem>>, vector<16xi32>,
    %get3A_294 = arith.constant 336 : index
    %get3A_295 = tpu.vector_load %arg7[%get3A_294] {strides = array<i32>} : memref<512xi32, #tpu.memory_space<vmem>>, vector<16xi32>,
    %shift_right_arithmetic3A_296 = arith.constant 2 : i32
    %shift_right_arithmetic3A_297 = vector.broadcast %shift_right_arithmetic3A_296 : i32 to vector<16xi32>
    %shift_right_arithmetic3A_298 = arith.shrsi %get3A_295, %shift_right_arithmetic3A_297 : vector<16xi32>
    %swap3A_299 = arith.constant 80 : index
    %swap3A_300 = tpu.vector_load %arg11[%swap3A_299] {strides = array<i32>} : memref<128xi32, #tpu.memory_space<vmem>>, vector<16xi32>,
    tpu.vector_store %arg11[%swap3A_299], %shift_right_arithmetic3A_298 {strides = array<i32>} : memref<128xi32, #tpu.memory_space<vmem>>, vector<16xi32>,
    %get3A_301 = arith.constant 336 : index
    %get3A_302 = tpu.vector_load %arg8[%get3A_301] {strides = array<i32>} : memref<512xi32, #tpu.memory_space<vmem>>, vector<16xi32>,
    %shift_right_arithmetic3A_303 = arith.constant 2 : i32
    %shift_right_arithmetic3A_304 = vector.broadcast %shift_right_arithmetic3A_303 : i32 to vector<16xi32>
    %shift_right_arithmetic3A_305 = arith.shrsi %get3A_302, %shift_right_arithmetic3A_304 : vector<16xi32>
    %swap3A_306 = arith.constant 80 : index
    %swap3A_307 = tpu.vector_load %arg15[%swap3A_306] {strides = array<i32>} : memref<128xi32, #tpu.memory_space<vmem>>, vector<16xi32>,
    tpu.vector_store %arg15[%swap3A_306], %shift_right_arithmetic3A_305 {strides = array<i32>} : memref<128xi32, #tpu.memory_space<vmem>>, vector<16xi32>,
    %get3A_308 = arith.constant 352 : index
    %get3A_309 = tpu.vector_load %arg7[%get3A_308] {strides = array<i32>} : memref<512xi32, #tpu.memory_space<vmem>>, vector<16xi32>,
    %shift_right_arithmetic3A_310 = arith.constant 2 : i32
    %shift_right_arithmetic3A_311 = vector.broadcast %shift_right_arithmetic3A_310 : i32 to vector<16xi32>
    %shift_right_arithmetic3A_312 = arith.shrsi %get3A_309, %shift_right_arithmetic3A_311 : vector<16xi32>
    %swap3A_313 = arith.constant 96 : index
    %swap3A_314 = tpu.vector_load %arg11[%swap3A_313] {strides = array<i32>} : memref<128xi32, #tpu.memory_space<vmem>>, vector<16xi32>,
    tpu.vector_store %arg11[%swap3A_313], %shift_right_arithmetic3A_312 {strides = array<i32>} : memref<128xi32, #tpu.memory_space<vmem>>, vector<16xi32>,
    %get3A_315 = arith.constant 352 : index
    %get3A_316 = tpu.vector_load %arg8[%get3A_315] {strides = array<i32>} : memref<512xi32, #tpu.memory_space<vmem>>, vector<16xi32>,
    %shift_right_arithmetic3A_317 = arith.constant 2 : i32
    %shift_right_arithmetic3A_318 = vector.broadcast %shift_right_arithmetic3A_317 : i32 to vector<16xi32>
    %shift_right_arithmetic3A_319 = arith.shrsi %get3A_316, %shift_right_arithmetic3A_318 : vector<16xi32>
    %swap3A_320 = arith.constant 96 : index
    %swap3A_321 = tpu.vector_load %arg15[%swap3A_320] {strides = array<i32>} : memref<128xi32, #tpu.memory_space<vmem>>, vector<16xi32>,
    tpu.vector_store %arg15[%swap3A_320], %shift_right_arithmetic3A_319 {strides = array<i32>} : memref<128xi32, #tpu.memory_space<vmem>>, vector<16xi32>,
    %get3A_322 = arith.constant 368 : index
    %get3A_323 = tpu.vector_load %arg7[%get3A_322] {strides = array<i32>} : memref<512xi32, #tpu.memory_space<vmem>>, vector<16xi32>,
    %shift_right_arithmetic3A_324 = arith.constant 2 : i32
    %shift_right_arithmetic3A_325 = vector.broadcast %shift_right_arithmetic3A_324 : i32 to vector<16xi32>
    %shift_right_arithmetic3A_326 = arith.shrsi %get3A_323, %shift_right_arithmetic3A_325 : vector<16xi32>
    %swap3A_327 = arith.constant 112 : index
    %swap3A_328 = tpu.vector_load %arg11[%swap3A_327] {strides = array<i32>} : memref<128xi32, #tpu.memory_space<vmem>>, vector<16xi32>,
    tpu.vector_store %arg11[%swap3A_327], %shift_right_arithmetic3A_326 {strides = array<i32>} : memref<128xi32, #tpu.memory_space<vmem>>, vector<16xi32>,
    %get3A_329 = arith.constant 368 : index
    %get3A_330 = tpu.vector_load %arg8[%get3A_329] {strides = array<i32>} : memref<512xi32, #tpu.memory_space<vmem>>, vector<16xi32>,
    %shift_right_arithmetic3A_331 = arith.constant 2 : i32
    %shift_right_arithmetic3A_332 = vector.broadcast %shift_right_arithmetic3A_331 : i32 to vector<16xi32>
    %shift_right_arithmetic3A_333 = arith.shrsi %get3A_330, %shift_right_arithmetic3A_332 : vector<16xi32>
    %swap3A_334 = arith.constant 112 : index
    %swap3A_335 = tpu.vector_load %arg15[%swap3A_334] {strides = array<i32>} : memref<128xi32, #tpu.memory_space<vmem>>, vector<16xi32>,
    tpu.vector_store %arg15[%swap3A_334], %shift_right_arithmetic3A_333 {strides = array<i32>} : memref<128xi32, #tpu.memory_space<vmem>>, vector<16xi32>,
    %get3A_336 = arith.constant 384 : index
    %get3A_337 = tpu.vector_load %arg7[%get3A_336] {strides = array<i32>} : memref<512xi32, #tpu.memory_space<vmem>>, vector<16xi32>,
    %shift_right_arithmetic3A_338 = arith.constant 2 : i32
    %shift_right_arithmetic3A_339 = vector.broadcast %shift_right_arithmetic3A_338 : i32 to vector<16xi32>
    %shift_right_arithmetic3A_340 = arith.shrsi %get3A_337, %shift_right_arithmetic3A_339 : vector<16xi32>
    %swap3A_341 = arith.constant 0 : index
    %swap3A_342 = tpu.vector_load %arg12[%swap3A_341] {strides = array<i32>} : memref<128xi32, #tpu.memory_space<vmem>>, vector<16xi32>,
    tpu.vector_store %arg12[%swap3A_341], %shift_right_arithmetic3A_340 {strides = array<i32>} : memref<128xi32, #tpu.memory_space<vmem>>, vector<16xi32>,
    %get3A_343 = arith.constant 384 : index
    %get3A_344 = tpu.vector_load %arg8[%get3A_343] {strides = array<i32>} : memref<512xi32, #tpu.memory_space<vmem>>, vector<16xi32>,
    %shift_right_arithmetic3A_345 = arith.constant 2 : i32
    %shift_right_arithmetic3A_346 = vector.broadcast %shift_right_arithmetic3A_345 : i32 to vector<16xi32>
    %shift_right_arithmetic3A_347 = arith.shrsi %get3A_344, %shift_right_arithmetic3A_346 : vector<16xi32>
    %swap3A_348 = arith.constant 0 : index
    %swap3A_349 = tpu.vector_load %arg16[%swap3A_348] {strides = array<i32>} : memref<128xi32, #tpu.memory_space<vmem>>, vector<16xi32>,
    tpu.vector_store %arg16[%swap3A_348], %shift_right_arithmetic3A_347 {strides = array<i32>} : memref<128xi32, #tpu.memory_space<vmem>>, vector<16xi32>,
    %get3A_350 = arith.constant 400 : index
    %get3A_351 = tpu.vector_load %arg7[%get3A_350] {strides = array<i32>} : memref<512xi32, #tpu.memory_space<vmem>>, vector<16xi32>,
    %shift_right_arithmetic3A_352 = arith.constant 2 : i32
    %shift_right_arithmetic3A_353 = vector.broadcast %shift_right_arithmetic3A_352 : i32 to vector<16xi32>
    %shift_right_arithmetic3A_354 = arith.shrsi %get3A_351, %shift_right_arithmetic3A_353 : vector<16xi32>
    %swap3A_355 = arith.constant 16 : index
    %swap3A_356 = tpu.vector_load %arg12[%swap3A_355] {strides = array<i32>} : memref<128xi32, #tpu.memory_space<vmem>>, vector<16xi32>,
    tpu.vector_store %arg12[%swap3A_355], %shift_right_arithmetic3A_354 {strides = array<i32>} : memref<128xi32, #tpu.memory_space<vmem>>, vector<16xi32>,
    %get3A_357 = arith.constant 400 : index
    %get3A_358 = tpu.vector_load %arg8[%get3A_357] {strides = array<i32>} : memref<512xi32, #tpu.memory_space<vmem>>, vector<16xi32>,
    %shift_right_arithmetic3A_359 = arith.constant 2 : i32
    %shift_right_arithmetic3A_360 = vector.broadcast %shift_right_arithmetic3A_359 : i32 to vector<16xi32>
    %shift_right_arithmetic3A_361 = arith.shrsi %get3A_358, %shift_right_arithmetic3A_360 : vector<16xi32>
    %swap3A_362 = arith.constant 16 : index
    %swap3A_363 = tpu.vector_load %arg16[%swap3A_362] {strides = array<i32>} : memref<128xi32, #tpu.memory_space<vmem>>, vector<16xi32>,
    tpu.vector_store %arg16[%swap3A_362], %shift_right_arithmetic3A_361 {strides = array<i32>} : memref<128xi32, #tpu.memory_space<vmem>>, vector<16xi32>,
    %get3A_364 = arith.constant 416 : index
    %get3A_365 = tpu.vector_load %arg7[%get3A_364] {strides = array<i32>} : memref<512xi32, #tpu.memory_space<vmem>>, vector<16xi32>,
    %shift_right_arithmetic3A_366 = arith.constant 2 : i32
    %shift_right_arithmetic3A_367 = vector.broadcast %shift_right_arithmetic3A_366 : i32 to vector<16xi32>
    %shift_right_arithmetic3A_368 = arith.shrsi %get3A_365, %shift_right_arithmetic3A_367 : vector<16xi32>
    %swap3A_369 = arith.constant 32 : index
    %swap3A_370 = tpu.vector_load %arg12[%swap3A_369] {strides = array<i32>} : memref<128xi32, #tpu.memory_space<vmem>>, vector<16xi32>,
    tpu.vector_store %arg12[%swap3A_369], %shift_right_arithmetic3A_368 {strides = array<i32>} : memref<128xi32, #tpu.memory_space<vmem>>, vector<16xi32>,
    %get3A_371 = arith.constant 416 : index
    %get3A_372 = tpu.vector_load %arg8[%get3A_371] {strides = array<i32>} : memref<512xi32, #tpu.memory_space<vmem>>, vector<16xi32>,
    %shift_right_arithmetic3A_373 = arith.constant 2 : i32
    %shift_right_arithmetic3A_374 = vector.broadcast %shift_right_arithmetic3A_373 : i32 to vector<16xi32>
    %shift_right_arithmetic3A_375 = arith.shrsi %get3A_372, %shift_right_arithmetic3A_374 : vector<16xi32>
    %swap3A_376 = arith.constant 32 : index
    %swap3A_377 = tpu.vector_load %arg16[%swap3A_376] {strides = array<i32>} : memref<128xi32, #tpu.memory_space<vmem>>, vector<16xi32>,
    tpu.vector_store %arg16[%swap3A_376], %shift_right_arithmetic3A_375 {strides = array<i32>} : memref<128xi32, #tpu.memory_space<vmem>>, vector<16xi32>,
    %get3A_378 = arith.constant 432 : index
    %get3A_379 = tpu.vector_load %arg7[%get3A_378] {strides = array<i32>} : memref<512xi32, #tpu.memory_space<vmem>>, vector<16xi32>,
    %shift_right_arithmetic3A_380 = arith.constant 2 : i32
    %shift_right_arithmetic3A_381 = vector.broadcast %shift_right_arithmetic3A_380 : i32 to vector<16xi32>
    %shift_right_arithmetic3A_382 = arith.shrsi %get3A_379, %shift_right_arithmetic3A_381 : vector<16xi32>
    %swap3A_383 = arith.constant 48 : index
    %swap3A_384 = tpu.vector_load %arg12[%swap3A_383] {strides = array<i32>} : memref<128xi32, #tpu.memory_space<vmem>>, vector<16xi32>,
    tpu.vector_store %arg12[%swap3A_383], %shift_right_arithmetic3A_382 {strides = array<i32>} : memref<128xi32, #tpu.memory_space<vmem>>, vector<16xi32>,
    %get3A_385 = arith.constant 432 : index
    %get3A_386 = tpu.vector_load %arg8[%get3A_385] {strides = array<i32>} : memref<512xi32, #tpu.memory_space<vmem>>, vector<16xi32>,
    %shift_right_arithmetic3A_387 = arith.constant 2 : i32
    %shift_right_arithmetic3A_388 = vector.broadcast %shift_right_arithmetic3A_387 : i32 to vector<16xi32>
    %shift_right_arithmetic3A_389 = arith.shrsi %get3A_386, %shift_right_arithmetic3A_388 : vector<16xi32>
    %swap3A_390 = arith.constant 48 : index
    %swap3A_391 = tpu.vector_load %arg16[%swap3A_390] {strides = array<i32>} : memref<128xi32, #tpu.memory_space<vmem>>, vector<16xi32>,
    tpu.vector_store %arg16[%swap3A_390], %shift_right_arithmetic3A_389 {strides = array<i32>} : memref<128xi32, #tpu.memory_space<vmem>>, vector<16xi32>,
    %get3A_392 = arith.constant 448 : index
    %get3A_393 = tpu.vector_load %arg7[%get3A_392] {strides = array<i32>} : memref<512xi32, #tpu.memory_space<vmem>>, vector<16xi32>,
    %shift_right_arithmetic3A_394 = arith.constant 2 : i32
    %shift_right_arithmetic3A_395 = vector.broadcast %shift_right_arithmetic3A_394 : i32 to vector<16xi32>
    %shift_right_arithmetic3A_396 = arith.shrsi %get3A_393, %shift_right_arithmetic3A_395 : vector<16xi32>
    %swap3A_397 = arith.constant 64 : index
    %swap3A_398 = tpu.vector_load %arg12[%swap3A_397] {strides = array<i32>} : memref<128xi32, #tpu.memory_space<vmem>>, vector<16xi32>,
    tpu.vector_store %arg12[%swap3A_397], %shift_right_arithmetic3A_396 {strides = array<i32>} : memref<128xi32, #tpu.memory_space<vmem>>, vector<16xi32>,
    %get3A_399 = arith.constant 448 : index
    %get3A_400 = tpu.vector_load %arg8[%get3A_399] {strides = array<i32>} : memref<512xi32, #tpu.memory_space<vmem>>, vector<16xi32>,
    %shift_right_arithmetic3A_401 = arith.constant 2 : i32
    %shift_right_arithmetic3A_402 = vector.broadcast %shift_right_arithmetic3A_401 : i32 to vector<16xi32>
    %shift_right_arithmetic3A_403 = arith.shrsi %get3A_400, %shift_right_arithmetic3A_402 : vector<16xi32>
    %swap3A_404 = arith.constant 64 : index
    %swap3A_405 = tpu.vector_load %arg16[%swap3A_404] {strides = array<i32>} : memref<128xi32, #tpu.memory_space<vmem>>, vector<16xi32>,
    tpu.vector_store %arg16[%swap3A_404], %shift_right_arithmetic3A_403 {strides = array<i32>} : memref<128xi32, #tpu.memory_space<vmem>>, vector<16xi32>,
    %get3A_406 = arith.constant 464 : index
    %get3A_407 = tpu.vector_load %arg7[%get3A_406] {strides = array<i32>} : memref<512xi32, #tpu.memory_space<vmem>>, vector<16xi32>,
    %shift_right_arithmetic3A_408 = arith.constant 2 : i32
    %shift_right_arithmetic3A_409 = vector.broadcast %shift_right_arithmetic3A_408 : i32 to vector<16xi32>
    %shift_right_arithmetic3A_410 = arith.shrsi %get3A_407, %shift_right_arithmetic3A_409 : vector<16xi32>
    %swap3A_411 = arith.constant 80 : index
    %swap3A_412 = tpu.vector_load %arg12[%swap3A_411] {strides = array<i32>} : memref<128xi32, #tpu.memory_space<vmem>>, vector<16xi32>,
    tpu.vector_store %arg12[%swap3A_411], %shift_right_arithmetic3A_410 {strides = array<i32>} : memref<128xi32, #tpu.memory_space<vmem>>, vector<16xi32>,
    %get3A_413 = arith.constant 464 : index
    %get3A_414 = tpu.vector_load %arg8[%get3A_413] {strides = array<i32>} : memref<512xi32, #tpu.memory_space<vmem>>, vector<16xi32>,
    %shift_right_arithmetic3A_415 = arith.constant 2 : i32
    %shift_right_arithmetic3A_416 = vector.broadcast %shift_right_arithmetic3A_415 : i32 to vector<16xi32>
    %shift_right_arithmetic3A_417 = arith.shrsi %get3A_414, %shift_right_arithmetic3A_416 : vector<16xi32>
    %swap3A_418 = arith.constant 80 : index
    %swap3A_419 = tpu.vector_load %arg16[%swap3A_418] {strides = array<i32>} : memref<128xi32, #tpu.memory_space<vmem>>, vector<16xi32>,
    tpu.vector_store %arg16[%swap3A_418], %shift_right_arithmetic3A_417 {strides = array<i32>} : memref<128xi32, #tpu.memory_space<vmem>>, vector<16xi32>,
    %get3A_420 = arith.constant 480 : index
    %get3A_421 = tpu.vector_load %arg7[%get3A_420] {strides = array<i32>} : memref<512xi32, #tpu.memory_space<vmem>>, vector<16xi32>,
    %shift_right_arithmetic3A_422 = arith.constant 2 : i32
    %shift_right_arithmetic3A_423 = vector.broadcast %shift_right_arithmetic3A_422 : i32 to vector<16xi32>
    %shift_right_arithmetic3A_424 = arith.shrsi %get3A_421, %shift_right_arithmetic3A_423 : vector<16xi32>
    %swap3A_425 = arith.constant 96 : index
    %swap3A_426 = tpu.vector_load %arg12[%swap3A_425] {strides = array<i32>} : memref<128xi32, #tpu.memory_space<vmem>>, vector<16xi32>,
    tpu.vector_store %arg12[%swap3A_425], %shift_right_arithmetic3A_424 {strides = array<i32>} : memref<128xi32, #tpu.memory_space<vmem>>, vector<16xi32>,
    %get3A_427 = arith.constant 480 : index
    %get3A_428 = tpu.vector_load %arg8[%get3A_427] {strides = array<i32>} : memref<512xi32, #tpu.memory_space<vmem>>, vector<16xi32>,
    %shift_right_arithmetic3A_429 = arith.constant 2 : i32
    %shift_right_arithmetic3A_430 = vector.broadcast %shift_right_arithmetic3A_429 : i32 to vector<16xi32>
    %shift_right_arithmetic3A_431 = arith.shrsi %get3A_428, %shift_right_arithmetic3A_430 : vector<16xi32>
    %swap3A_432 = arith.constant 96 : index
    %swap3A_433 = tpu.vector_load %arg16[%swap3A_432] {strides = array<i32>} : memref<128xi32, #tpu.memory_space<vmem>>, vector<16xi32>,
    tpu.vector_store %arg16[%swap3A_432], %shift_right_arithmetic3A_431 {strides = array<i32>} : memref<128xi32, #tpu.memory_space<vmem>>, vector<16xi32>,
    %get3A_434 = arith.constant 496 : index
    %get3A_435 = tpu.vector_load %arg7[%get3A_434] {strides = array<i32>} : memref<512xi32, #tpu.memory_space<vmem>>, vector<16xi32>,
    %shift_right_arithmetic3A_436 = arith.constant 2 : i32
    %shift_right_arithmetic3A_437 = vector.broadcast %shift_right_arithmetic3A_436 : i32 to vector<16xi32>
    %shift_right_arithmetic3A_438 = arith.shrsi %get3A_435, %shift_right_arithmetic3A_437 : vector<16xi32>
    %swap3A_439 = arith.constant 112 : index
    %swap3A_440 = tpu.vector_load %arg12[%swap3A_439] {strides = array<i32>} : memref<128xi32, #tpu.memory_space<vmem>>, vector<16xi32>,
    tpu.vector_store %arg12[%swap3A_439], %shift_right_arithmetic3A_438 {strides = array<i32>} : memref<128xi32, #tpu.memory_space<vmem>>, vector<16xi32>,
    %get3A_441 = arith.constant 496 : index
    %get3A_442 = tpu.vector_load %arg8[%get3A_441] {strides = array<i32>} : memref<512xi32, #tpu.memory_space<vmem>>, vector<16xi32>,
    %shift_right_arithmetic3A_443 = arith.constant 2 : i32
    %shift_right_arithmetic3A_444 = vector.broadcast %shift_right_arithmetic3A_443 : i32 to vector<16xi32>
    %shift_right_arithmetic3A_445 = arith.shrsi %get3A_442, %shift_right_arithmetic3A_444 : vector<16xi32>
    %swap3A_446 = arith.constant 112 : index
    %swap3A_447 = tpu.vector_load %arg16[%swap3A_446] {strides = array<i32>} : memref<128xi32, #tpu.memory_space<vmem>>, vector<16xi32>,
    tpu.vector_store %arg16[%swap3A_446], %shift_right_arithmetic3A_445 {strides = array<i32>} : memref<128xi32, #tpu.memory_space<vmem>>, vector<16xi32>,
    %iota3A = tpu.iota {dimensions = array<i32: 0>} : vector<16xi32>
    %dma_start3A = arith.constant 0 : i32
    %dma_start3A_448 = arith.constant 0 : i32
    %dma_start3A_449 = tpu.memref_slice %arg17[%dma_start3A, %dma_start3A_448] : memref<256x128xf32, #tpu.memory_space<vmem>> -> memref<128x128xf32, #tpu.memory_space<vmem>>
    %dma_start3A_450 = arith.constant 0 : i32
    %dma_start3A_451 = arith.constant 0 : i32
    %dma_start3A_452 = tpu.memref_slice %arg4[%dma_start3A_450, %dma_start3A_451] : memref<250000x128xf32, #tpu.memory_space<hbm>> -> memref<250000x128xf32, #tpu.memory_space<hbm>>
    tpu.enqueue_indirect_dma source(%dma_start3A_452 : memref<250000x128xf32, #tpu.memory_space<hbm>>) target(%dma_start3A_449 : memref<128x128xf32, #tpu.memory_space<vmem>>) offsets(%arg9 : memref<128xi32, #tpu.memory_space<vmem>>) semaphore(%arg20 : memref<!tpu.dma_semaphore, #tpu.memory_space<semaphore_mem>>)
    %dma_start3A_453 = arith.constant 0 : i32
    %dma_start3A_454 = arith.constant 0 : i32
    %dma_start3A_455 = tpu.memref_slice %arg18[%dma_start3A_453, %dma_start3A_454] : memref<256x128xf32, #tpu.memory_space<vmem>> -> memref<128x128xf32, #tpu.memory_space<vmem>>
    %dma_start3A_456 = arith.constant 0 : i32
    %dma_start3A_457 = arith.constant 0 : i32
    %dma_start3A_458 = tpu.memref_slice %arg5[%dma_start3A_456, %dma_start3A_457] : memref<250000x128xf32, #tpu.memory_space<hbm>> -> memref<250000x128xf32, #tpu.memory_space<hbm>>
    tpu.enqueue_indirect_dma source(%dma_start3A_458 : memref<250000x128xf32, #tpu.memory_space<hbm>>) target(%dma_start3A_455 : memref<128x128xf32, #tpu.memory_space<vmem>>) offsets(%arg13 : memref<128xi32, #tpu.memory_space<vmem>>) semaphore(%arg20 : memref<!tpu.dma_semaphore, #tpu.memory_space<semaphore_mem>>)
    %dma_start3A_459 = arith.constant 128 : i32
    %dma_start3A_460 = arith.constant 0 : i32
    %dma_start3A_461 = tpu.memref_slice %arg17[%dma_start3A_459, %dma_start3A_460] : memref<256x128xf32, #tpu.memory_space<vmem>> -> memref<128x128xf32, #tpu.memory_space<vmem>>
    %dma_start3A_462 = arith.constant 0 : i32
    %dma_start3A_463 = arith.constant 0 : i32
    %dma_start3A_464 = tpu.memref_slice %arg4[%dma_start3A_462, %dma_start3A_463] : memref<250000x128xf32, #tpu.memory_space<hbm>> -> memref<250000x128xf32, #tpu.memory_space<hbm>>
    tpu.enqueue_indirect_dma source(%dma_start3A_464 : memref<250000x128xf32, #tpu.memory_space<hbm>>) target(%dma_start3A_461 : memref<128x128xf32, #tpu.memory_space<vmem>>) offsets(%arg10 : memref<128xi32, #tpu.memory_space<vmem>>) semaphore(%arg20 : memref<!tpu.dma_semaphore, #tpu.memory_space<semaphore_mem>>)
    %dma_start3A_465 = arith.constant 128 : i32
    %dma_start3A_466 = arith.constant 0 : i32
    %dma_start3A_467 = tpu.memref_slice %arg18[%dma_start3A_465, %dma_start3A_466] : memref<256x128xf32, #tpu.memory_space<vmem>> -> memref<128x128xf32, #tpu.memory_space<vmem>>
    %dma_start3A_468 = arith.constant 0 : i32
    %dma_start3A_469 = arith.constant 0 : i32
    %dma_start3A_470 = tpu.memref_slice %arg5[%dma_start3A_468, %dma_start3A_469] : memref<250000x128xf32, #tpu.memory_space<hbm>> -> memref<250000x128xf32, #tpu.memory_space<hbm>>
    tpu.enqueue_indirect_dma source(%dma_start3A_470 : memref<250000x128xf32, #tpu.memory_space<hbm>>) target(%dma_start3A_467 : memref<128x128xf32, #tpu.memory_space<vmem>>) offsets(%arg14 : memref<128xi32, #tpu.memory_space<vmem>>) semaphore(%arg20 : memref<!tpu.dma_semaphore, #tpu.memory_space<semaphore_mem>>)
    %dma_wait3A = arith.constant 0 : i32
    %dma_wait3A_471 = arith.constant 0 : i32
    %dma_wait3A_472 = tpu.memref_slice %arg17[%dma_wait3A, %dma_wait3A_471] : memref<256x128xf32, #tpu.memory_space<vmem>> -> memref<128x128xf32, #tpu.memory_space<vmem>>
    %dma_wait3A_473 = arith.constant 0 : i32
    %dma_wait3A_474 = arith.constant 0 : i32
    %dma_wait3A_475 = tpu.memref_slice %arg4[%dma_wait3A_473, %dma_wait3A_474] : memref<250000x128xf32, #tpu.memory_space<hbm>> -> memref<250000x128xf32, #tpu.memory_space<hbm>>
    tpu.wait_indirect_dma semaphore(%arg20 : memref<!tpu.dma_semaphore, #tpu.memory_space<semaphore_mem>>) src(%dma_wait3A_475 : memref<250000x128xf32, #tpu.memory_space<hbm>>) dst(%dma_wait3A_472 : memref<128x128xf32, #tpu.memory_space<vmem>>)
    %dma_wait3A_476 = arith.constant 0 : i32
    %dma_wait3A_477 = arith.constant 0 : i32
    %dma_wait3A_478 = tpu.memref_slice %arg18[%dma_wait3A_476, %dma_wait3A_477] : memref<256x128xf32, #tpu.memory_space<vmem>> -> memref<128x128xf32, #tpu.memory_space<vmem>>
    %dma_wait3A_479 = arith.constant 0 : i32
    %dma_wait3A_480 = arith.constant 0 : i32
    %dma_wait3A_481 = tpu.memref_slice %arg5[%dma_wait3A_479, %dma_wait3A_480] : memref<250000x128xf32, #tpu.memory_space<hbm>> -> memref<250000x128xf32, #tpu.memory_space<hbm>>
    tpu.wait_indirect_dma semaphore(%arg20 : memref<!tpu.dma_semaphore, #tpu.memory_space<semaphore_mem>>) src(%dma_wait3A_481 : memref<250000x128xf32, #tpu.memory_space<hbm>>) dst(%dma_wait3A_478 : memref<128x128xf32, #tpu.memory_space<vmem>>)
    %dma_wait3A_482 = arith.constant 128 : i32
    %dma_wait3A_483 = arith.constant 0 : i32
    %dma_wait3A_484 = tpu.memref_slice %arg17[%dma_wait3A_482, %dma_wait3A_483] : memref<256x128xf32, #tpu.memory_space<vmem>> -> memref<128x128xf32, #tpu.memory_space<vmem>>
    %dma_wait3A_485 = arith.constant 0 : i32
    %dma_wait3A_486 = arith.constant 0 : i32
    %dma_wait3A_487 = tpu.memref_slice %arg4[%dma_wait3A_485, %dma_wait3A_486] : memref<250000x128xf32, #tpu.memory_space<hbm>> -> memref<250000x128xf32, #tpu.memory_space<hbm>>
    tpu.wait_indirect_dma semaphore(%arg20 : memref<!tpu.dma_semaphore, #tpu.memory_space<semaphore_mem>>) src(%dma_wait3A_487 : memref<250000x128xf32, #tpu.memory_space<hbm>>) dst(%dma_wait3A_484 : memref<128x128xf32, #tpu.memory_space<vmem>>)
    %dma_wait3A_488 = arith.constant 128 : i32
    %dma_wait3A_489 = arith.constant 0 : i32
    %dma_wait3A_490 = tpu.memref_slice %arg18[%dma_wait3A_488, %dma_wait3A_489] : memref<256x128xf32, #tpu.memory_space<vmem>> -> memref<128x128xf32, #tpu.memory_space<vmem>>
    %dma_wait3A_491 = arith.constant 0 : i32
    %dma_wait3A_492 = arith.constant 0 : i32
    %dma_wait3A_493 = tpu.memref_slice %arg5[%dma_wait3A_491, %dma_wait3A_492] : memref<250000x128xf32, #tpu.memory_space<hbm>> -> memref<250000x128xf32, #tpu.memory_space<hbm>>
    tpu.wait_indirect_dma semaphore(%arg20 : memref<!tpu.dma_semaphore, #tpu.memory_space<semaphore_mem>>) src(%dma_wait3A_493 : memref<250000x128xf32, #tpu.memory_space<hbm>>) dst(%dma_wait3A_490 : memref<128x128xf32, #tpu.memory_space<vmem>>)
    %scan3A = arith.constant 0 : i32
    %scan3A_494 = arith.constant 0 : i32
    %scan3A_495 = arith.constant 16 : i32
    %scan3A_496 = arith.addi %scan3A_494, %scan3A_495 : i32
    %scan3A_497 = arith.constant 1 : i32
    scf.for %scan3A_553 = %scan3A_494 to %scan3A_496 step %scan3A_497  : i32 {
      %mul3A_554 = arith.constant 16 : i32
      %mul3A_555 = arith.muli %scan3A_553, %mul3A_554 : i32
      %add3A_556 = vector.broadcast %mul3A_555 : i32 to vector<16xi32>
      %add3A_557 = arith.addi %add3A_556, %iota3A : vector<16xi32>
      %mul3A_558 = arith.constant 16 : i32
      %mul3A_559 = arith.muli %scan3A_553, %mul3A_558 : i32
      %add3A_560 = arith.constant 0 : i32
      %add3A_561 = arith.addi %add3A_560, %mul3A_559 : i32
      %get3A_562 = arith.index_cast %add3A_561 : i32 to index
      %get3A_563 = tpu.vector_load %arg7[%get3A_562] {strides = array<i32>} : memref<512xi32, #tpu.memory_space<vmem>>, vector<16xi32>,
      %mul3A_564 = arith.constant 16 : i32
      %mul3A_565 = arith.muli %scan3A_553, %mul3A_564 : i32
      %add3A_566 = arith.constant 0 : i32
      %add3A_567 = arith.addi %add3A_566, %mul3A_565 : i32
      %get3A_568 = arith.index_cast %add3A_567 : i32 to index
      %get3A_569 = tpu.vector_load %arg8[%get3A_568] {strides = array<i32>} : memref<512xi32, #tpu.memory_space<vmem>>, vector<16xi32>,
      %and3A = arith.constant 3 : i32
      %and3A_570 = vector.broadcast %and3A : i32 to vector<16xi32>
      %and3A_571 = arith.andi %get3A_563, %and3A_570 : vector<16xi32>
      %mul3A_572 = arith.constant 32 : i32
      %mul3A_573 = vector.broadcast %mul3A_572 : i32 to vector<16xi32>
      %mul3A_574 = arith.muli %and3A_571, %mul3A_573 : vector<16xi32>
      %and3A_575 = arith.constant 3 : i32
      %and3A_576 = vector.broadcast %and3A_575 : i32 to vector<16xi32>
      %and3A_577 = arith.andi %get3A_569, %and3A_576 : vector<16xi32>
      %mul3A_578 = arith.constant 32 : i32
      %mul3A_579 = vector.broadcast %mul3A_578 : i32 to vector<16xi32>
      %mul3A_580 = arith.muli %and3A_577, %mul3A_579 : vector<16xi32>
      %add3A_581 = arith.addi %mul3A_574, %iota3A : vector<16xi32>
      %gather3A = tpu.vector_load_idx %arg17[%add3A_557, %add3A_581] : memref<256x128xf32, #tpu.memory_space<vmem>>[vector<16xi32>, vector<16xi32>], vector<16xf32>,
      %add3A_582 = arith.addi %mul3A_580, %iota3A : vector<16xi32>
      %gather3A_583 = tpu.vector_load_idx %arg18[%add3A_557, %add3A_582] : memref<256x128xf32, #tpu.memory_space<vmem>>[vector<16xi32>, vector<16xi32>], vector<16xf32>,
      %mul3A_584 = arith.mulf %gather3A, %gather3A_583 : vector<16xf32>
      %add3A_585 = arith.constant 1 : i32
      %add3A_586 = vector.broadcast %add3A_585 : i32 to vector<16xi32>
      %add3A_587 = arith.addi %iota3A, %add3A_586 : vector<16xi32>
      %and3A_588 = arith.constant 31 : i32
      %and3A_589 = vector.broadcast %and3A_588 : i32 to vector<16xi32>
      %and3A_590 = arith.andi %add3A_587, %and3A_589 : vector<16xi32>
      %add3A_591 = arith.addi %mul3A_574, %and3A_590 : vector<16xi32>
      %gather3A_592 = tpu.vector_load_idx %arg17[%add3A_557, %add3A_591] : memref<256x128xf32, #tpu.memory_space<vmem>>[vector<16xi32>, vector<16xi32>], vector<16xf32>,
      %add3A_593 = arith.addi %mul3A_580, %and3A_590 : vector<16xi32>
      %gather3A_594 = tpu.vector_load_idx %arg18[%add3A_557, %add3A_593] : memref<256x128xf32, #tpu.memory_space<vmem>>[vector<16xi32>, vector<16xi32>], vector<16xf32>,
      %mul3A_595 = arith.mulf %gather3A_592, %gather3A_594 : vector<16xf32>
      %add3A_596 = arith.addf %mul3A_584, %mul3A_595 : vector<16xf32>
      %add3A_597 = arith.constant 2 : i32
      %add3A_598 = vector.broadcast %add3A_597 : i32 to vector<16xi32>
      %add3A_599 = arith.addi %iota3A, %add3A_598 : vector<16xi32>
      %and3A_600 = arith.constant 31 : i32
      %and3A_601 = vector.broadcast %and3A_600 : i32 to vector<16xi32>
      %and3A_602 = arith.andi %add3A_599, %and3A_601 : vector<16xi32>
      %add3A_603 = arith.addi %mul3A_574, %and3A_602 : vector<16xi32>
      %gather3A_604 = tpu.vector_load_idx %arg17[%add3A_557, %add3A_603] : memref<256x128xf32, #tpu.memory_space<vmem>>[vector<16xi32>, vector<16xi32>], vector<16xf32>,
      %add3A_605 = arith.addi %mul3A_580, %and3A_602 : vector<16xi32>
      %gather3A_606 = tpu.vector_load_idx %arg18[%add3A_557, %add3A_605] : memref<256x128xf32, #tpu.memory_space<vmem>>[vector<16xi32>, vector<16xi32>], vector<16xf32>,
      %mul3A_607 = arith.mulf %gather3A_604, %gather3A_606 : vector<16xf32>
      %add3A_608 = arith.addf %add3A_596, %mul3A_607 : vector<16xf32>
      %add3A_609 = arith.constant 3 : i32
      %add3A_610 = vector.broadcast %add3A_609 : i32 to vector<16xi32>
      %add3A_611 = arith.addi %iota3A, %add3A_610 : vector<16xi32>
      %and3A_612 = arith.constant 31 : i32
      %and3A_613 = vector.broadcast %and3A_612 : i32 to vector<16xi32>
      %and3A_614 = arith.andi %add3A_611, %and3A_613 : vector<16xi32>
      %add3A_615 = arith.addi %mul3A_574, %and3A_614 : vector<16xi32>
      %gather3A_616 = tpu.vector_load_idx %arg17[%add3A_557, %add3A_615] : memref<256x128xf32, #tpu.memory_space<vmem>>[vector<16xi32>, vector<16xi32>], vector<16xf32>,
      %add3A_617 = arith.addi %mul3A_580, %and3A_614 : vector<16xi32>
      %gather3A_618 = tpu.vector_load_idx %arg18[%add3A_557, %add3A_617] : memref<256x128xf32, #tpu.memory_space<vmem>>[vector<16xi32>, vector<16xi32>], vector<16xf32>,
      %mul3A_619 = arith.mulf %gather3A_616, %gather3A_618 : vector<16xf32>
      %add3A_620 = arith.addf %add3A_608, %mul3A_619 : vector<16xf32>
      %add3A_621 = arith.constant 4 : i32
      %add3A_622 = vector.broadcast %add3A_621 : i32 to vector<16xi32>
      %add3A_623 = arith.addi %iota3A, %add3A_622 : vector<16xi32>
      %and3A_624 = arith.constant 31 : i32
      %and3A_625 = vector.broadcast %and3A_624 : i32 to vector<16xi32>
      %and3A_626 = arith.andi %add3A_623, %and3A_625 : vector<16xi32>
      %add3A_627 = arith.addi %mul3A_574, %and3A_626 : vector<16xi32>
      %gather3A_628 = tpu.vector_load_idx %arg17[%add3A_557, %add3A_627] : memref<256x128xf32, #tpu.memory_space<vmem>>[vector<16xi32>, vector<16xi32>], vector<16xf32>,
      %add3A_629 = arith.addi %mul3A_580, %and3A_626 : vector<16xi32>
      %gather3A_630 = tpu.vector_load_idx %arg18[%add3A_557, %add3A_629] : memref<256x128xf32, #tpu.memory_space<vmem>>[vector<16xi32>, vector<16xi32>], vector<16xf32>,
      %mul3A_631 = arith.mulf %gather3A_628, %gather3A_630 : vector<16xf32>
      %add3A_632 = arith.addf %add3A_620, %mul3A_631 : vector<16xf32>
      %add3A_633 = arith.constant 5 : i32
      %add3A_634 = vector.broadcast %add3A_633 : i32 to vector<16xi32>
      %add3A_635 = arith.addi %iota3A, %add3A_634 : vector<16xi32>
      %and3A_636 = arith.constant 31 : i32
      %and3A_637 = vector.broadcast %and3A_636 : i32 to vector<16xi32>
      %and3A_638 = arith.andi %add3A_635, %and3A_637 : vector<16xi32>
      %add3A_639 = arith.addi %mul3A_574, %and3A_638 : vector<16xi32>
      %gather3A_640 = tpu.vector_load_idx %arg17[%add3A_557, %add3A_639] : memref<256x128xf32, #tpu.memory_space<vmem>>[vector<16xi32>, vector<16xi32>], vector<16xf32>,
      %add3A_641 = arith.addi %mul3A_580, %and3A_638 : vector<16xi32>
      %gather3A_642 = tpu.vector_load_idx %arg18[%add3A_557, %add3A_641] : memref<256x128xf32, #tpu.memory_space<vmem>>[vector<16xi32>, vector<16xi32>], vector<16xf32>,
      %mul3A_643 = arith.mulf %gather3A_640, %gather3A_642 : vector<16xf32>
      %add3A_644 = arith.addf %add3A_632, %mul3A_643 : vector<16xf32>
      %add3A_645 = arith.constant 6 : i32
      %add3A_646 = vector.broadcast %add3A_645 : i32 to vector<16xi32>
      %add3A_647 = arith.addi %iota3A, %add3A_646 : vector<16xi32>
      %and3A_648 = arith.constant 31 : i32
      %and3A_649 = vector.broadcast %and3A_648 : i32 to vector<16xi32>
      %and3A_650 = arith.andi %add3A_647, %and3A_649 : vector<16xi32>
      %add3A_651 = arith.addi %mul3A_574, %and3A_650 : vector<16xi32>
      %gather3A_652 = tpu.vector_load_idx %arg17[%add3A_557, %add3A_651] : memref<256x128xf32, #tpu.memory_space<vmem>>[vector<16xi32>, vector<16xi32>], vector<16xf32>,
      %add3A_653 = arith.addi %mul3A_580, %and3A_650 : vector<16xi32>
      %gather3A_654 = tpu.vector_load_idx %arg18[%add3A_557, %add3A_653] : memref<256x128xf32, #tpu.memory_space<vmem>>[vector<16xi32>, vector<16xi32>], vector<16xf32>,
      %mul3A_655 = arith.mulf %gather3A_652, %gather3A_654 : vector<16xf32>
      %add3A_656 = arith.addf %add3A_644, %mul3A_655 : vector<16xf32>
      %add3A_657 = arith.constant 7 : i32
      %add3A_658 = vector.broadcast %add3A_657 : i32 to vector<16xi32>
      %add3A_659 = arith.addi %iota3A, %add3A_658 : vector<16xi32>
      %and3A_660 = arith.constant 31 : i32
      %and3A_661 = vector.broadcast %and3A_660 : i32 to vector<16xi32>
      %and3A_662 = arith.andi %add3A_659, %and3A_661 : vector<16xi32>
      %add3A_663 = arith.addi %mul3A_574, %and3A_662 : vector<16xi32>
      %gather3A_664 = tpu.vector_load_idx %arg17[%add3A_557, %add3A_663] : memref<256x128xf32, #tpu.memory_space<vmem>>[vector<16xi32>, vector<16xi32>], vector<16xf32>,
      %add3A_665 = arith.addi %mul3A_580, %and3A_662 : vector<16xi32>
      %gather3A_666 = tpu.vector_load_idx %arg18[%add3A_557, %add3A_665] : memref<256x128xf32, #tpu.memory_space<vmem>>[vector<16xi32>, vector<16xi32>], vector<16xf32>,
      %mul3A_667 = arith.mulf %gather3A_664, %gather3A_666 : vector<16xf32>
      %add3A_668 = arith.addf %add3A_656, %mul3A_667 : vector<16xf32>
      %add3A_669 = arith.constant 8 : i32
      %add3A_670 = vector.broadcast %add3A_669 : i32 to vector<16xi32>
      %add3A_671 = arith.addi %iota3A, %add3A_670 : vector<16xi32>
      %and3A_672 = arith.constant 31 : i32
      %and3A_673 = vector.broadcast %and3A_672 : i32 to vector<16xi32>
      %and3A_674 = arith.andi %add3A_671, %and3A_673 : vector<16xi32>
      %add3A_675 = arith.addi %mul3A_574, %and3A_674 : vector<16xi32>
      %gather3A_676 = tpu.vector_load_idx %arg17[%add3A_557, %add3A_675] : memref<256x128xf32, #tpu.memory_space<vmem>>[vector<16xi32>, vector<16xi32>], vector<16xf32>,
      %add3A_677 = arith.addi %mul3A_580, %and3A_674 : vector<16xi32>
      %gather3A_678 = tpu.vector_load_idx %arg18[%add3A_557, %add3A_677] : memref<256x128xf32, #tpu.memory_space<vmem>>[vector<16xi32>, vector<16xi32>], vector<16xf32>,
      %mul3A_679 = arith.mulf %gather3A_676, %gather3A_678 : vector<16xf32>
      %add3A_680 = arith.addf %add3A_668, %mul3A_679 : vector<16xf32>
      %add3A_681 = arith.constant 9 : i32
      %add3A_682 = vector.broadcast %add3A_681 : i32 to vector<16xi32>
      %add3A_683 = arith.addi %iota3A, %add3A_682 : vector<16xi32>
      %and3A_684 = arith.constant 31 : i32
      %and3A_685 = vector.broadcast %and3A_684 : i32 to vector<16xi32>
      %and3A_686 = arith.andi %add3A_683, %and3A_685 : vector<16xi32>
      %add3A_687 = arith.addi %mul3A_574, %and3A_686 : vector<16xi32>
      %gather3A_688 = tpu.vector_load_idx %arg17[%add3A_557, %add3A_687] : memref<256x128xf32, #tpu.memory_space<vmem>>[vector<16xi32>, vector<16xi32>], vector<16xf32>,
      %add3A_689 = arith.addi %mul3A_580, %and3A_686 : vector<16xi32>
      %gather3A_690 = tpu.vector_load_idx %arg18[%add3A_557, %add3A_689] : memref<256x128xf32, #tpu.memory_space<vmem>>[vector<16xi32>, vector<16xi32>], vector<16xf32>,
      %mul3A_691 = arith.mulf %gather3A_688, %gather3A_690 : vector<16xf32>
      %add3A_692 = arith.addf %add3A_680, %mul3A_691 : vector<16xf32>
      %add3A_693 = arith.constant 10 : i32
      %add3A_694 = vector.broadcast %add3A_693 : i32 to vector<16xi32>
      %add3A_695 = arith.addi %iota3A, %add3A_694 : vector<16xi32>
      %and3A_696 = arith.constant 31 : i32
      %and3A_697 = vector.broadcast %and3A_696 : i32 to vector<16xi32>
      %and3A_698 = arith.andi %add3A_695, %and3A_697 : vector<16xi32>
      %add3A_699 = arith.addi %mul3A_574, %and3A_698 : vector<16xi32>
      %gather3A_700 = tpu.vector_load_idx %arg17[%add3A_557, %add3A_699] : memref<256x128xf32, #tpu.memory_space<vmem>>[vector<16xi32>, vector<16xi32>], vector<16xf32>,
      %add3A_701 = arith.addi %mul3A_580, %and3A_698 : vector<16xi32>
      %gather3A_702 = tpu.vector_load_idx %arg18[%add3A_557, %add3A_701] : memref<256x128xf32, #tpu.memory_space<vmem>>[vector<16xi32>, vector<16xi32>], vector<16xf32>,
      %mul3A_703 = arith.mulf %gather3A_700, %gather3A_702 : vector<16xf32>
      %add3A_704 = arith.addf %add3A_692, %mul3A_703 : vector<16xf32>
      %add3A_705 = arith.constant 11 : i32
      %add3A_706 = vector.broadcast %add3A_705 : i32 to vector<16xi32>
      %add3A_707 = arith.addi %iota3A, %add3A_706 : vector<16xi32>
      %and3A_708 = arith.constant 31 : i32
      %and3A_709 = vector.broadcast %and3A_708 : i32 to vector<16xi32>
      %and3A_710 = arith.andi %add3A_707, %and3A_709 : vector<16xi32>
      %add3A_711 = arith.addi %mul3A_574, %and3A_710 : vector<16xi32>
      %gather3A_712 = tpu.vector_load_idx %arg17[%add3A_557, %add3A_711] : memref<256x128xf32, #tpu.memory_space<vmem>>[vector<16xi32>, vector<16xi32>], vector<16xf32>,
      %add3A_713 = arith.addi %mul3A_580, %and3A_710 : vector<16xi32>
      %gather3A_714 = tpu.vector_load_idx %arg18[%add3A_557, %add3A_713] : memref<256x128xf32, #tpu.memory_space<vmem>>[vector<16xi32>, vector<16xi32>], vector<16xf32>,
      %mul3A_715 = arith.mulf %gather3A_712, %gather3A_714 : vector<16xf32>
      %add3A_716 = arith.addf %add3A_704, %mul3A_715 : vector<16xf32>
      %add3A_717 = arith.constant 12 : i32
      %add3A_718 = vector.broadcast %add3A_717 : i32 to vector<16xi32>
      %add3A_719 = arith.addi %iota3A, %add3A_718 : vector<16xi32>
      %and3A_720 = arith.constant 31 : i32
      %and3A_721 = vector.broadcast %and3A_720 : i32 to vector<16xi32>
      %and3A_722 = arith.andi %add3A_719, %and3A_721 : vector<16xi32>
      %add3A_723 = arith.addi %mul3A_574, %and3A_722 : vector<16xi32>
      %gather3A_724 = tpu.vector_load_idx %arg17[%add3A_557, %add3A_723] : memref<256x128xf32, #tpu.memory_space<vmem>>[vector<16xi32>, vector<16xi32>], vector<16xf32>,
      %add3A_725 = arith.addi %mul3A_580, %and3A_722 : vector<16xi32>
      %gather3A_726 = tpu.vector_load_idx %arg18[%add3A_557, %add3A_725] : memref<256x128xf32, #tpu.memory_space<vmem>>[vector<16xi32>, vector<16xi32>], vector<16xf32>,
      %mul3A_727 = arith.mulf %gather3A_724, %gather3A_726 : vector<16xf32>
      %add3A_728 = arith.addf %add3A_716, %mul3A_727 : vector<16xf32>
      %add3A_729 = arith.constant 13 : i32
      %add3A_730 = vector.broadcast %add3A_729 : i32 to vector<16xi32>
      %add3A_731 = arith.addi %iota3A, %add3A_730 : vector<16xi32>
      %and3A_732 = arith.constant 31 : i32
      %and3A_733 = vector.broadcast %and3A_732 : i32 to vector<16xi32>
      %and3A_734 = arith.andi %add3A_731, %and3A_733 : vector<16xi32>
      %add3A_735 = arith.addi %mul3A_574, %and3A_734 : vector<16xi32>
      %gather3A_736 = tpu.vector_load_idx %arg17[%add3A_557, %add3A_735] : memref<256x128xf32, #tpu.memory_space<vmem>>[vector<16xi32>, vector<16xi32>], vector<16xf32>,
      %add3A_737 = arith.addi %mul3A_580, %and3A_734 : vector<16xi32>
      %gather3A_738 = tpu.vector_load_idx %arg18[%add3A_557, %add3A_737] : memref<256x128xf32, #tpu.memory_space<vmem>>[vector<16xi32>, vector<16xi32>], vector<16xf32>,
      %mul3A_739 = arith.mulf %gather3A_736, %gather3A_738 : vector<16xf32>
      %add3A_740 = arith.addf %add3A_728, %mul3A_739 : vector<16xf32>
      %add3A_741 = arith.constant 14 : i32
      %add3A_742 = vector.broadcast %add3A_741 : i32 to vector<16xi32>
      %add3A_743 = arith.addi %iota3A, %add3A_742 : vector<16xi32>
      %and3A_744 = arith.constant 31 : i32
      %and3A_745 = vector.broadcast %and3A_744 : i32 to vector<16xi32>
      %and3A_746 = arith.andi %add3A_743, %and3A_745 : vector<16xi32>
      %add3A_747 = arith.addi %mul3A_574, %and3A_746 : vector<16xi32>
      %gather3A_748 = tpu.vector_load_idx %arg17[%add3A_557, %add3A_747] : memref<256x128xf32, #tpu.memory_space<vmem>>[vector<16xi32>, vector<16xi32>], vector<16xf32>,
      %add3A_749 = arith.addi %mul3A_580, %and3A_746 : vector<16xi32>
      %gather3A_750 = tpu.vector_load_idx %arg18[%add3A_557, %add3A_749] : memref<256x128xf32, #tpu.memory_space<vmem>>[vector<16xi32>, vector<16xi32>], vector<16xf32>,
      %mul3A_751 = arith.mulf %gather3A_748, %gather3A_750 : vector<16xf32>
      %add3A_752 = arith.addf %add3A_740, %mul3A_751 : vector<16xf32>
      %add3A_753 = arith.constant 15 : i32
      %add3A_754 = vector.broadcast %add3A_753 : i32 to vector<16xi32>
      %add3A_755 = arith.addi %iota3A, %add3A_754 : vector<16xi32>
      %and3A_756 = arith.constant 31 : i32
      %and3A_757 = vector.broadcast %and3A_756 : i32 to vector<16xi32>
      %and3A_758 = arith.andi %add3A_755, %and3A_757 : vector<16xi32>
      %add3A_759 = arith.addi %mul3A_574, %and3A_758 : vector<16xi32>
      %gather3A_760 = tpu.vector_load_idx %arg17[%add3A_557, %add3A_759] : memref<256x128xf32, #tpu.memory_space<vmem>>[vector<16xi32>, vector<16xi32>], vector<16xf32>,
      %add3A_761 = arith.addi %mul3A_580, %and3A_758 : vector<16xi32>
      %gather3A_762 = tpu.vector_load_idx %arg18[%add3A_557, %add3A_761] : memref<256x128xf32, #tpu.memory_space<vmem>>[vector<16xi32>, vector<16xi32>], vector<16xf32>,
      %mul3A_763 = arith.mulf %gather3A_760, %gather3A_762 : vector<16xf32>
      %add3A_764 = arith.addf %add3A_752, %mul3A_763 : vector<16xf32>
      %add3A_765 = arith.constant 16 : i32
      %add3A_766 = vector.broadcast %add3A_765 : i32 to vector<16xi32>
      %add3A_767 = arith.addi %iota3A, %add3A_766 : vector<16xi32>
      %and3A_768 = arith.constant 31 : i32
      %and3A_769 = vector.broadcast %and3A_768 : i32 to vector<16xi32>
      %and3A_770 = arith.andi %add3A_767, %and3A_769 : vector<16xi32>
      %add3A_771 = arith.addi %mul3A_574, %and3A_770 : vector<16xi32>
      %gather3A_772 = tpu.vector_load_idx %arg17[%add3A_557, %add3A_771] : memref<256x128xf32, #tpu.memory_space<vmem>>[vector<16xi32>, vector<16xi32>], vector<16xf32>,
      %add3A_773 = arith.addi %mul3A_580, %and3A_770 : vector<16xi32>
      %gather3A_774 = tpu.vector_load_idx %arg18[%add3A_557, %add3A_773] : memref<256x128xf32, #tpu.memory_space<vmem>>[vector<16xi32>, vector<16xi32>], vector<16xf32>,
      %mul3A_775 = arith.mulf %gather3A_772, %gather3A_774 : vector<16xf32>
      %add3A_776 = arith.addf %add3A_764, %mul3A_775 : vector<16xf32>
      %add3A_777 = arith.constant 17 : i32
      %add3A_778 = vector.broadcast %add3A_777 : i32 to vector<16xi32>
      %add3A_779 = arith.addi %iota3A, %add3A_778 : vector<16xi32>
      %and3A_780 = arith.constant 31 : i32
      %and3A_781 = vector.broadcast %and3A_780 : i32 to vector<16xi32>
      %and3A_782 = arith.andi %add3A_779, %and3A_781 : vector<16xi32>
      %add3A_783 = arith.addi %mul3A_574, %and3A_782 : vector<16xi32>
      %gather3A_784 = tpu.vector_load_idx %arg17[%add3A_557, %add3A_783] : memref<256x128xf32, #tpu.memory_space<vmem>>[vector<16xi32>, vector<16xi32>], vector<16xf32>,
      %add3A_785 = arith.addi %mul3A_580, %and3A_782 : vector<16xi32>
      %gather3A_786 = tpu.vector_load_idx %arg18[%add3A_557, %add3A_785] : memref<256x128xf32, #tpu.memory_space<vmem>>[vector<16xi32>, vector<16xi32>], vector<16xf32>,
      %mul3A_787 = arith.mulf %gather3A_784, %gather3A_786 : vector<16xf32>
      %add3A_788 = arith.addf %add3A_776, %mul3A_787 : vector<16xf32>
      %add3A_789 = arith.constant 18 : i32
      %add3A_790 = vector.broadcast %add3A_789 : i32 to vector<16xi32>
      %add3A_791 = arith.addi %iota3A, %add3A_790 : vector<16xi32>
      %and3A_792 = arith.constant 31 : i32
      %and3A_793 = vector.broadcast %and3A_792 : i32 to vector<16xi32>
      %and3A_794 = arith.andi %add3A_791, %and3A_793 : vector<16xi32>
      %add3A_795 = arith.addi %mul3A_574, %and3A_794 : vector<16xi32>
      %gather3A_796 = tpu.vector_load_idx %arg17[%add3A_557, %add3A_795] : memref<256x128xf32, #tpu.memory_space<vmem>>[vector<16xi32>, vector<16xi32>], vector<16xf32>,
      %add3A_797 = arith.addi %mul3A_580, %and3A_794 : vector<16xi32>
      %gather3A_798 = tpu.vector_load_idx %arg18[%add3A_557, %add3A_797] : memref<256x128xf32, #tpu.memory_space<vmem>>[vector<16xi32>, vector<16xi32>], vector<16xf32>,
      %mul3A_799 = arith.mulf %gather3A_796, %gather3A_798 : vector<16xf32>
      %add3A_800 = arith.addf %add3A_788, %mul3A_799 : vector<16xf32>
      %add3A_801 = arith.constant 19 : i32
      %add3A_802 = vector.broadcast %add3A_801 : i32 to vector<16xi32>
      %add3A_803 = arith.addi %iota3A, %add3A_802 : vector<16xi32>
      %and3A_804 = arith.constant 31 : i32
      %and3A_805 = vector.broadcast %and3A_804 : i32 to vector<16xi32>
      %and3A_806 = arith.andi %add3A_803, %and3A_805 : vector<16xi32>
      %add3A_807 = arith.addi %mul3A_574, %and3A_806 : vector<16xi32>
      %gather3A_808 = tpu.vector_load_idx %arg17[%add3A_557, %add3A_807] : memref<256x128xf32, #tpu.memory_space<vmem>>[vector<16xi32>, vector<16xi32>], vector<16xf32>,
      %add3A_809 = arith.addi %mul3A_580, %and3A_806 : vector<16xi32>
      %gather3A_810 = tpu.vector_load_idx %arg18[%add3A_557, %add3A_809] : memref<256x128xf32, #tpu.memory_space<vmem>>[vector<16xi32>, vector<16xi32>], vector<16xf32>,
      %mul3A_811 = arith.mulf %gather3A_808, %gather3A_810 : vector<16xf32>
      %add3A_812 = arith.addf %add3A_800, %mul3A_811 : vector<16xf32>
      %add3A_813 = arith.constant 20 : i32
      %add3A_814 = vector.broadcast %add3A_813 : i32 to vector<16xi32>
      %add3A_815 = arith.addi %iota3A, %add3A_814 : vector<16xi32>
      %and3A_816 = arith.constant 31 : i32
      %and3A_817 = vector.broadcast %and3A_816 : i32 to vector<16xi32>
      %and3A_818 = arith.andi %add3A_815, %and3A_817 : vector<16xi32>
      %add3A_819 = arith.addi %mul3A_574, %and3A_818 : vector<16xi32>
      %gather3A_820 = tpu.vector_load_idx %arg17[%add3A_557, %add3A_819] : memref<256x128xf32, #tpu.memory_space<vmem>>[vector<16xi32>, vector<16xi32>], vector<16xf32>,
      %add3A_821 = arith.addi %mul3A_580, %and3A_818 : vector<16xi32>
      %gather3A_822 = tpu.vector_load_idx %arg18[%add3A_557, %add3A_821] : memref<256x128xf32, #tpu.memory_space<vmem>>[vector<16xi32>, vector<16xi32>], vector<16xf32>,
      %mul3A_823 = arith.mulf %gather3A_820, %gather3A_822 : vector<16xf32>
      %add3A_824 = arith.addf %add3A_812, %mul3A_823 : vector<16xf32>
      %add3A_825 = arith.constant 21 : i32
      %add3A_826 = vector.broadcast %add3A_825 : i32 to vector<16xi32>
      %add3A_827 = arith.addi %iota3A, %add3A_826 : vector<16xi32>
      %and3A_828 = arith.constant 31 : i32
      %and3A_829 = vector.broadcast %and3A_828 : i32 to vector<16xi32>
      %and3A_830 = arith.andi %add3A_827, %and3A_829 : vector<16xi32>
      %add3A_831 = arith.addi %mul3A_574, %and3A_830 : vector<16xi32>
      %gather3A_832 = tpu.vector_load_idx %arg17[%add3A_557, %add3A_831] : memref<256x128xf32, #tpu.memory_space<vmem>>[vector<16xi32>, vector<16xi32>], vector<16xf32>,
      %add3A_833 = arith.addi %mul3A_580, %and3A_830 : vector<16xi32>
      %gather3A_834 = tpu.vector_load_idx %arg18[%add3A_557, %add3A_833] : memref<256x128xf32, #tpu.memory_space<vmem>>[vector<16xi32>, vector<16xi32>], vector<16xf32>,
      %mul3A_835 = arith.mulf %gather3A_832, %gather3A_834 : vector<16xf32>
      %add3A_836 = arith.addf %add3A_824, %mul3A_835 : vector<16xf32>
      %add3A_837 = arith.constant 22 : i32
      %add3A_838 = vector.broadcast %add3A_837 : i32 to vector<16xi32>
      %add3A_839 = arith.addi %iota3A, %add3A_838 : vector<16xi32>
      %and3A_840 = arith.constant 31 : i32
      %and3A_841 = vector.broadcast %and3A_840 : i32 to vector<16xi32>
      %and3A_842 = arith.andi %add3A_839, %and3A_841 : vector<16xi32>
      %add3A_843 = arith.addi %mul3A_574, %and3A_842 : vector<16xi32>
      %gather3A_844 = tpu.vector_load_idx %arg17[%add3A_557, %add3A_843] : memref<256x128xf32, #tpu.memory_space<vmem>>[vector<16xi32>, vector<16xi32>], vector<16xf32>,
      %add3A_845 = arith.addi %mul3A_580, %and3A_842 : vector<16xi32>
      %gather3A_846 = tpu.vector_load_idx %arg18[%add3A_557, %add3A_845] : memref<256x128xf32, #tpu.memory_space<vmem>>[vector<16xi32>, vector<16xi32>], vector<16xf32>,
      %mul3A_847 = arith.mulf %gather3A_844, %gather3A_846 : vector<16xf32>
      %add3A_848 = arith.addf %add3A_836, %mul3A_847 : vector<16xf32>
      %add3A_849 = arith.constant 23 : i32
      %add3A_850 = vector.broadcast %add3A_849 : i32 to vector<16xi32>
      %add3A_851 = arith.addi %iota3A, %add3A_850 : vector<16xi32>
      %and3A_852 = arith.constant 31 : i32
      %and3A_853 = vector.broadcast %and3A_852 : i32 to vector<16xi32>
      %and3A_854 = arith.andi %add3A_851, %and3A_853 : vector<16xi32>
      %add3A_855 = arith.addi %mul3A_574, %and3A_854 : vector<16xi32>
      %gather3A_856 = tpu.vector_load_idx %arg17[%add3A_557, %add3A_855] : memref<256x128xf32, #tpu.memory_space<vmem>>[vector<16xi32>, vector<16xi32>], vector<16xf32>,
      %add3A_857 = arith.addi %mul3A_580, %and3A_854 : vector<16xi32>
      %gather3A_858 = tpu.vector_load_idx %arg18[%add3A_557, %add3A_857] : memref<256x128xf32, #tpu.memory_space<vmem>>[vector<16xi32>, vector<16xi32>], vector<16xf32>,
      %mul3A_859 = arith.mulf %gather3A_856, %gather3A_858 : vector<16xf32>
      %add3A_860 = arith.addf %add3A_848, %mul3A_859 : vector<16xf32>
      %add3A_861 = arith.constant 24 : i32
      %add3A_862 = vector.broadcast %add3A_861 : i32 to vector<16xi32>
      %add3A_863 = arith.addi %iota3A, %add3A_862 : vector<16xi32>
      %and3A_864 = arith.constant 31 : i32
      %and3A_865 = vector.broadcast %and3A_864 : i32 to vector<16xi32>
      %and3A_866 = arith.andi %add3A_863, %and3A_865 : vector<16xi32>
      %add3A_867 = arith.addi %mul3A_574, %and3A_866 : vector<16xi32>
      %gather3A_868 = tpu.vector_load_idx %arg17[%add3A_557, %add3A_867] : memref<256x128xf32, #tpu.memory_space<vmem>>[vector<16xi32>, vector<16xi32>], vector<16xf32>,
      %add3A_869 = arith.addi %mul3A_580, %and3A_866 : vector<16xi32>
      %gather3A_870 = tpu.vector_load_idx %arg18[%add3A_557, %add3A_869] : memref<256x128xf32, #tpu.memory_space<vmem>>[vector<16xi32>, vector<16xi32>], vector<16xf32>,
      %mul3A_871 = arith.mulf %gather3A_868, %gather3A_870 : vector<16xf32>
      %add3A_872 = arith.addf %add3A_860, %mul3A_871 : vector<16xf32>
      %add3A_873 = arith.constant 25 : i32
      %add3A_874 = vector.broadcast %add3A_873 : i32 to vector<16xi32>
      %add3A_875 = arith.addi %iota3A, %add3A_874 : vector<16xi32>
      %and3A_876 = arith.constant 31 : i32
      %and3A_877 = vector.broadcast %and3A_876 : i32 to vector<16xi32>
      %and3A_878 = arith.andi %add3A_875, %and3A_877 : vector<16xi32>
      %add3A_879 = arith.addi %mul3A_574, %and3A_878 : vector<16xi32>
      %gather3A_880 = tpu.vector_load_idx %arg17[%add3A_557, %add3A_879] : memref<256x128xf32, #tpu.memory_space<vmem>>[vector<16xi32>, vector<16xi32>], vector<16xf32>,
      %add3A_881 = arith.addi %mul3A_580, %and3A_878 : vector<16xi32>
      %gather3A_882 = tpu.vector_load_idx %arg18[%add3A_557, %add3A_881] : memref<256x128xf32, #tpu.memory_space<vmem>>[vector<16xi32>, vector<16xi32>], vector<16xf32>,
      %mul3A_883 = arith.mulf %gather3A_880, %gather3A_882 : vector<16xf32>
      %add3A_884 = arith.addf %add3A_872, %mul3A_883 : vector<16xf32>
      %add3A_885 = arith.constant 26 : i32
      %add3A_886 = vector.broadcast %add3A_885 : i32 to vector<16xi32>
      %add3A_887 = arith.addi %iota3A, %add3A_886 : vector<16xi32>
      %and3A_888 = arith.constant 31 : i32
      %and3A_889 = vector.broadcast %and3A_888 : i32 to vector<16xi32>
      %and3A_890 = arith.andi %add3A_887, %and3A_889 : vector<16xi32>
      %add3A_891 = arith.addi %mul3A_574, %and3A_890 : vector<16xi32>
      %gather3A_892 = tpu.vector_load_idx %arg17[%add3A_557, %add3A_891] : memref<256x128xf32, #tpu.memory_space<vmem>>[vector<16xi32>, vector<16xi32>], vector<16xf32>,
      %add3A_893 = arith.addi %mul3A_580, %and3A_890 : vector<16xi32>
      %gather3A_894 = tpu.vector_load_idx %arg18[%add3A_557, %add3A_893] : memref<256x128xf32, #tpu.memory_space<vmem>>[vector<16xi32>, vector<16xi32>], vector<16xf32>,
      %mul3A_895 = arith.mulf %gather3A_892, %gather3A_894 : vector<16xf32>
      %add3A_896 = arith.addf %add3A_884, %mul3A_895 : vector<16xf32>
      %add3A_897 = arith.constant 27 : i32
      %add3A_898 = vector.broadcast %add3A_897 : i32 to vector<16xi32>
      %add3A_899 = arith.addi %iota3A, %add3A_898 : vector<16xi32>
      %and3A_900 = arith.constant 31 : i32
      %and3A_901 = vector.broadcast %and3A_900 : i32 to vector<16xi32>
      %and3A_902 = arith.andi %add3A_899, %and3A_901 : vector<16xi32>
      %add3A_903 = arith.addi %mul3A_574, %and3A_902 : vector<16xi32>
      %gather3A_904 = tpu.vector_load_idx %arg17[%add3A_557, %add3A_903] : memref<256x128xf32, #tpu.memory_space<vmem>>[vector<16xi32>, vector<16xi32>], vector<16xf32>,
      %add3A_905 = arith.addi %mul3A_580, %and3A_902 : vector<16xi32>
      %gather3A_906 = tpu.vector_load_idx %arg18[%add3A_557, %add3A_905] : memref<256x128xf32, #tpu.memory_space<vmem>>[vector<16xi32>, vector<16xi32>], vector<16xf32>,
      %mul3A_907 = arith.mulf %gather3A_904, %gather3A_906 : vector<16xf32>
      %add3A_908 = arith.addf %add3A_896, %mul3A_907 : vector<16xf32>
      %add3A_909 = arith.constant 28 : i32
      %add3A_910 = vector.broadcast %add3A_909 : i32 to vector<16xi32>
      %add3A_911 = arith.addi %iota3A, %add3A_910 : vector<16xi32>
      %and3A_912 = arith.constant 31 : i32
      %and3A_913 = vector.broadcast %and3A_912 : i32 to vector<16xi32>
      %and3A_914 = arith.andi %add3A_911, %and3A_913 : vector<16xi32>
      %add3A_915 = arith.addi %mul3A_574, %and3A_914 : vector<16xi32>
      %gather3A_916 = tpu.vector_load_idx %arg17[%add3A_557, %add3A_915] : memref<256x128xf32, #tpu.memory_space<vmem>>[vector<16xi32>, vector<16xi32>], vector<16xf32>,
      %add3A_917 = arith.addi %mul3A_580, %and3A_914 : vector<16xi32>
      %gather3A_918 = tpu.vector_load_idx %arg18[%add3A_557, %add3A_917] : memref<256x128xf32, #tpu.memory_space<vmem>>[vector<16xi32>, vector<16xi32>], vector<16xf32>,
      %mul3A_919 = arith.mulf %gather3A_916, %gather3A_918 : vector<16xf32>
      %add3A_920 = arith.addf %add3A_908, %mul3A_919 : vector<16xf32>
      %add3A_921 = arith.constant 29 : i32
      %add3A_922 = vector.broadcast %add3A_921 : i32 to vector<16xi32>
      %add3A_923 = arith.addi %iota3A, %add3A_922 : vector<16xi32>
      %and3A_924 = arith.constant 31 : i32
      %and3A_925 = vector.broadcast %and3A_924 : i32 to vector<16xi32>
      %and3A_926 = arith.andi %add3A_923, %and3A_925 : vector<16xi32>
      %add3A_927 = arith.addi %mul3A_574, %and3A_926 : vector<16xi32>
      %gather3A_928 = tpu.vector_load_idx %arg17[%add3A_557, %add3A_927] : memref<256x128xf32, #tpu.memory_space<vmem>>[vector<16xi32>, vector<16xi32>], vector<16xf32>,
      %add3A_929 = arith.addi %mul3A_580, %and3A_926 : vector<16xi32>
      %gather3A_930 = tpu.vector_load_idx %arg18[%add3A_557, %add3A_929] : memref<256x128xf32, #tpu.memory_space<vmem>>[vector<16xi32>, vector<16xi32>], vector<16xf32>,
      %mul3A_931 = arith.mulf %gather3A_928, %gather3A_930 : vector<16xf32>
      %add3A_932 = arith.addf %add3A_920, %mul3A_931 : vector<16xf32>
      %add3A_933 = arith.constant 30 : i32
      %add3A_934 = vector.broadcast %add3A_933 : i32 to vector<16xi32>
      %add3A_935 = arith.addi %iota3A, %add3A_934 : vector<16xi32>
      %and3A_936 = arith.constant 31 : i32
      %and3A_937 = vector.broadcast %and3A_936 : i32 to vector<16xi32>
      %and3A_938 = arith.andi %add3A_935, %and3A_937 : vector<16xi32>
      %add3A_939 = arith.addi %mul3A_574, %and3A_938 : vector<16xi32>
      %gather3A_940 = tpu.vector_load_idx %arg17[%add3A_557, %add3A_939] : memref<256x128xf32, #tpu.memory_space<vmem>>[vector<16xi32>, vector<16xi32>], vector<16xf32>,
      %add3A_941 = arith.addi %mul3A_580, %and3A_938 : vector<16xi32>
      %gather3A_942 = tpu.vector_load_idx %arg18[%add3A_557, %add3A_941] : memref<256x128xf32, #tpu.memory_space<vmem>>[vector<16xi32>, vector<16xi32>], vector<16xf32>,
      %mul3A_943 = arith.mulf %gather3A_940, %gather3A_942 : vector<16xf32>
      %add3A_944 = arith.addf %add3A_932, %mul3A_943 : vector<16xf32>
      %add3A_945 = arith.constant 31 : i32
      %add3A_946 = vector.broadcast %add3A_945 : i32 to vector<16xi32>
      %add3A_947 = arith.addi %iota3A, %add3A_946 : vector<16xi32>
      %and3A_948 = arith.constant 31 : i32
      %and3A_949 = vector.broadcast %and3A_948 : i32 to vector<16xi32>
      %and3A_950 = arith.andi %add3A_947, %and3A_949 : vector<16xi32>
      %add3A_951 = arith.addi %mul3A_574, %and3A_950 : vector<16xi32>
      %gather3A_952 = tpu.vector_load_idx %arg17[%add3A_557, %add3A_951] : memref<256x128xf32, #tpu.memory_space<vmem>>[vector<16xi32>, vector<16xi32>], vector<16xf32>,
      %add3A_953 = arith.addi %mul3A_580, %and3A_950 : vector<16xi32>
      %gather3A_954 = tpu.vector_load_idx %arg18[%add3A_557, %add3A_953] : memref<256x128xf32, #tpu.memory_space<vmem>>[vector<16xi32>, vector<16xi32>], vector<16xf32>,
      %mul3A_955 = arith.mulf %gather3A_952, %gather3A_954 : vector<16xf32>
      %add3A_956 = arith.addf %add3A_944, %mul3A_955 : vector<16xf32>
      %mul3A_957 = arith.constant 16 : i32
      %mul3A_958 = arith.muli %scan3A_553, %mul3A_957 : i32
      %add3A_959 = arith.constant 0 : i32
      %add3A_960 = arith.addi %add3A_959, %mul3A_958 : i32
      %swap3A_961 = arith.index_cast %add3A_960 : i32 to index
      %swap3A_962 = tpu.vector_load %arg19[%swap3A_961] {strides = array<i32>} : memref<512xf32, #tpu.memory_space<vmem>>, vector<16xf32>,
      tpu.vector_store %arg19[%swap3A_961], %add3A_956 {strides = array<i32>} : memref<512xf32, #tpu.memory_space<vmem>>, vector<16xf32>,
    }
    %scan3A_498 = arith.constant 16 : i32
    %dma_start3A_499 = arith.constant 0 : i32
    %dma_start3A_500 = arith.constant 0 : i32
    %dma_start3A_501 = tpu.memref_slice %arg17[%dma_start3A_499, %dma_start3A_500] : memref<256x128xf32, #tpu.memory_space<vmem>> -> memref<128x128xf32, #tpu.memory_space<vmem>>
    %dma_start3A_502 = arith.constant 0 : i32
    %dma_start3A_503 = arith.constant 0 : i32
    %dma_start3A_504 = tpu.memref_slice %arg4[%dma_start3A_502, %dma_start3A_503] : memref<250000x128xf32, #tpu.memory_space<hbm>> -> memref<250000x128xf32, #tpu.memory_space<hbm>>
    tpu.enqueue_indirect_dma source(%dma_start3A_504 : memref<250000x128xf32, #tpu.memory_space<hbm>>) target(%dma_start3A_501 : memref<128x128xf32, #tpu.memory_space<vmem>>) offsets(%arg11 : memref<128xi32, #tpu.memory_space<vmem>>) semaphore(%arg20 : memref<!tpu.dma_semaphore, #tpu.memory_space<semaphore_mem>>)
    %dma_start3A_505 = arith.constant 0 : i32
    %dma_start3A_506 = arith.constant 0 : i32
    %dma_start3A_507 = tpu.memref_slice %arg18[%dma_start3A_505, %dma_start3A_506] : memref<256x128xf32, #tpu.memory_space<vmem>> -> memref<128x128xf32, #tpu.memory_space<vmem>>
    %dma_start3A_508 = arith.constant 0 : i32
    %dma_start3A_509 = arith.constant 0 : i32
    %dma_start3A_510 = tpu.memref_slice %arg5[%dma_start3A_508, %dma_start3A_509] : memref<250000x128xf32, #tpu.memory_space<hbm>> -> memref<250000x128xf32, #tpu.memory_space<hbm>>
    tpu.enqueue_indirect_dma source(%dma_start3A_510 : memref<250000x128xf32, #tpu.memory_space<hbm>>) target(%dma_start3A_507 : memref<128x128xf32, #tpu.memory_space<vmem>>) offsets(%arg15 : memref<128xi32, #tpu.memory_space<vmem>>) semaphore(%arg20 : memref<!tpu.dma_semaphore, #tpu.memory_space<semaphore_mem>>)
    %dma_start3A_511 = arith.constant 128 : i32
    %dma_start3A_512 = arith.constant 0 : i32
    %dma_start3A_513 = tpu.memref_slice %arg17[%dma_start3A_511, %dma_start3A_512] : memref<256x128xf32, #tpu.memory_space<vmem>> -> memref<128x128xf32, #tpu.memory_space<vmem>>
    %dma_start3A_514 = arith.constant 0 : i32
    %dma_start3A_515 = arith.constant 0 : i32
    %dma_start3A_516 = tpu.memref_slice %arg4[%dma_start3A_514, %dma_start3A_515] : memref<250000x128xf32, #tpu.memory_space<hbm>> -> memref<250000x128xf32, #tpu.memory_space<hbm>>
    tpu.enqueue_indirect_dma source(%dma_start3A_516 : memref<250000x128xf32, #tpu.memory_space<hbm>>) target(%dma_start3A_513 : memref<128x128xf32, #tpu.memory_space<vmem>>) offsets(%arg12 : memref<128xi32, #tpu.memory_space<vmem>>) semaphore(%arg20 : memref<!tpu.dma_semaphore, #tpu.memory_space<semaphore_mem>>)
    %dma_start3A_517 = arith.constant 128 : i32
    %dma_start3A_518 = arith.constant 0 : i32
    %dma_start3A_519 = tpu.memref_slice %arg18[%dma_start3A_517, %dma_start3A_518] : memref<256x128xf32, #tpu.memory_space<vmem>> -> memref<128x128xf32, #tpu.memory_space<vmem>>
    %dma_start3A_520 = arith.constant 0 : i32
    %dma_start3A_521 = arith.constant 0 : i32
    %dma_start3A_522 = tpu.memref_slice %arg5[%dma_start3A_520, %dma_start3A_521] : memref<250000x128xf32, #tpu.memory_space<hbm>> -> memref<250000x128xf32, #tpu.memory_space<hbm>>
    tpu.enqueue_indirect_dma source(%dma_start3A_522 : memref<250000x128xf32, #tpu.memory_space<hbm>>) target(%dma_start3A_519 : memref<128x128xf32, #tpu.memory_space<vmem>>) offsets(%arg16 : memref<128xi32, #tpu.memory_space<vmem>>) semaphore(%arg20 : memref<!tpu.dma_semaphore, #tpu.memory_space<semaphore_mem>>)
    %dma_wait3A_523 = arith.constant 0 : i32
    %dma_wait3A_524 = arith.constant 0 : i32
    %dma_wait3A_525 = tpu.memref_slice %arg17[%dma_wait3A_523, %dma_wait3A_524] : memref<256x128xf32, #tpu.memory_space<vmem>> -> memref<128x128xf32, #tpu.memory_space<vmem>>
    %dma_wait3A_526 = arith.constant 0 : i32
    %dma_wait3A_527 = arith.constant 0 : i32
    %dma_wait3A_528 = tpu.memref_slice %arg4[%dma_wait3A_526, %dma_wait3A_527] : memref<250000x128xf32, #tpu.memory_space<hbm>> -> memref<250000x128xf32, #tpu.memory_space<hbm>>
    tpu.wait_indirect_dma semaphore(%arg20 : memref<!tpu.dma_semaphore, #tpu.memory_space<semaphore_mem>>) src(%dma_wait3A_528 : memref<250000x128xf32, #tpu.memory_space<hbm>>) dst(%dma_wait3A_525 : memref<128x128xf32, #tpu.memory_space<vmem>>)
    %dma_wait3A_529 = arith.constant 0 : i32
    %dma_wait3A_530 = arith.constant 0 : i32
    %dma_wait3A_531 = tpu.memref_slice %arg18[%dma_wait3A_529, %dma_wait3A_530] : memref<256x128xf32, #tpu.memory_space<vmem>> -> memref<128x128xf32, #tpu.memory_space<vmem>>
    %dma_wait3A_532 = arith.constant 0 : i32
    %dma_wait3A_533 = arith.constant 0 : i32
    %dma_wait3A_534 = tpu.memref_slice %arg5[%dma_wait3A_532, %dma_wait3A_533] : memref<250000x128xf32, #tpu.memory_space<hbm>> -> memref<250000x128xf32, #tpu.memory_space<hbm>>
    tpu.wait_indirect_dma semaphore(%arg20 : memref<!tpu.dma_semaphore, #tpu.memory_space<semaphore_mem>>) src(%dma_wait3A_534 : memref<250000x128xf32, #tpu.memory_space<hbm>>) dst(%dma_wait3A_531 : memref<128x128xf32, #tpu.memory_space<vmem>>)
    %dma_wait3A_535 = arith.constant 128 : i32
    %dma_wait3A_536 = arith.constant 0 : i32
    %dma_wait3A_537 = tpu.memref_slice %arg17[%dma_wait3A_535, %dma_wait3A_536] : memref<256x128xf32, #tpu.memory_space<vmem>> -> memref<128x128xf32, #tpu.memory_space<vmem>>
    %dma_wait3A_538 = arith.constant 0 : i32
    %dma_wait3A_539 = arith.constant 0 : i32
    %dma_wait3A_540 = tpu.memref_slice %arg4[%dma_wait3A_538, %dma_wait3A_539] : memref<250000x128xf32, #tpu.memory_space<hbm>> -> memref<250000x128xf32, #tpu.memory_space<hbm>>
    tpu.wait_indirect_dma semaphore(%arg20 : memref<!tpu.dma_semaphore, #tpu.memory_space<semaphore_mem>>) src(%dma_wait3A_540 : memref<250000x128xf32, #tpu.memory_space<hbm>>) dst(%dma_wait3A_537 : memref<128x128xf32, #tpu.memory_space<vmem>>)
    %dma_wait3A_541 = arith.constant 128 : i32
    %dma_wait3A_542 = arith.constant 0 : i32
    %dma_wait3A_543 = tpu.memref_slice %arg18[%dma_wait3A_541, %dma_wait3A_542] : memref<256x128xf32, #tpu.memory_space<vmem>> -> memref<128x128xf32, #tpu.memory_space<vmem>>
    %dma_wait3A_544 = arith.constant 0 : i32
    %dma_wait3A_545 = arith.constant 0 : i32
    %dma_wait3A_546 = tpu.memref_slice %arg5[%dma_wait3A_544, %dma_wait3A_545] : memref<250000x128xf32, #tpu.memory_space<hbm>> -> memref<250000x128xf32, #tpu.memory_space<hbm>>
    tpu.wait_indirect_dma semaphore(%arg20 : memref<!tpu.dma_semaphore, #tpu.memory_space<semaphore_mem>>) src(%dma_wait3A_546 : memref<250000x128xf32, #tpu.memory_space<hbm>>) dst(%dma_wait3A_543 : memref<128x128xf32, #tpu.memory_space<vmem>>)
    %scan3A_547 = arith.constant 0 : i32
    %scan3A_548 = arith.constant 0 : i32
    %scan3A_549 = arith.constant 16 : i32
    %scan3A_550 = arith.addi %scan3A_548, %scan3A_549 : i32
    %scan3A_551 = arith.constant 1 : i32
    scf.for %scan3A_553 = %scan3A_548 to %scan3A_550 step %scan3A_551  : i32 {
      %mul3A_554 = arith.constant 16 : i32
      %mul3A_555 = arith.muli %scan3A_553, %mul3A_554 : i32
      %add3A_556 = vector.broadcast %mul3A_555 : i32 to vector<16xi32>
      %add3A_557 = arith.addi %add3A_556, %iota3A : vector<16xi32>
      %mul3A_558 = arith.constant 16 : i32
      %mul3A_559 = arith.muli %scan3A_553, %mul3A_558 : i32
      %add3A_560 = arith.constant 256 : i32
      %add3A_561 = arith.addi %add3A_560, %mul3A_559 : i32
      %get3A_562 = arith.index_cast %add3A_561 : i32 to index
      %get3A_563 = tpu.vector_load %arg7[%get3A_562] {strides = array<i32>} : memref<512xi32, #tpu.memory_space<vmem>>, vector<16xi32>,
      %mul3A_564 = arith.constant 16 : i32
      %mul3A_565 = arith.muli %scan3A_553, %mul3A_564 : i32
      %add3A_566 = arith.constant 256 : i32
      %add3A_567 = arith.addi %add3A_566, %mul3A_565 : i32
      %get3A_568 = arith.index_cast %add3A_567 : i32 to index
      %get3A_569 = tpu.vector_load %arg8[%get3A_568] {strides = array<i32>} : memref<512xi32, #tpu.memory_space<vmem>>, vector<16xi32>,
      %and3A = arith.constant 3 : i32
      %and3A_570 = vector.broadcast %and3A : i32 to vector<16xi32>
      %and3A_571 = arith.andi %get3A_563, %and3A_570 : vector<16xi32>
      %mul3A_572 = arith.constant 32 : i32
      %mul3A_573 = vector.broadcast %mul3A_572 : i32 to vector<16xi32>
      %mul3A_574 = arith.muli %and3A_571, %mul3A_573 : vector<16xi32>
      %and3A_575 = arith.constant 3 : i32
      %and3A_576 = vector.broadcast %and3A_575 : i32 to vector<16xi32>
      %and3A_577 = arith.andi %get3A_569, %and3A_576 : vector<16xi32>
      %mul3A_578 = arith.constant 32 : i32
      %mul3A_579 = vector.broadcast %mul3A_578 : i32 to vector<16xi32>
      %mul3A_580 = arith.muli %and3A_577, %mul3A_579 : vector<16xi32>
      %add3A_581 = arith.addi %mul3A_574, %iota3A : vector<16xi32>
      %gather3A = tpu.vector_load_idx %arg17[%add3A_557, %add3A_581] : memref<256x128xf32, #tpu.memory_space<vmem>>[vector<16xi32>, vector<16xi32>], vector<16xf32>,
      %add3A_582 = arith.addi %mul3A_580, %iota3A : vector<16xi32>
      %gather3A_583 = tpu.vector_load_idx %arg18[%add3A_557, %add3A_582] : memref<256x128xf32, #tpu.memory_space<vmem>>[vector<16xi32>, vector<16xi32>], vector<16xf32>,
      %mul3A_584 = arith.mulf %gather3A, %gather3A_583 : vector<16xf32>
      %add3A_585 = arith.constant 1 : i32
      %add3A_586 = vector.broadcast %add3A_585 : i32 to vector<16xi32>
      %add3A_587 = arith.addi %iota3A, %add3A_586 : vector<16xi32>
      %and3A_588 = arith.constant 31 : i32
      %and3A_589 = vector.broadcast %and3A_588 : i32 to vector<16xi32>
      %and3A_590 = arith.andi %add3A_587, %and3A_589 : vector<16xi32>
      %add3A_591 = arith.addi %mul3A_574, %and3A_590 : vector<16xi32>
      %gather3A_592 = tpu.vector_load_idx %arg17[%add3A_557, %add3A_591] : memref<256x128xf32, #tpu.memory_space<vmem>>[vector<16xi32>, vector<16xi32>], vector<16xf32>,
      %add3A_593 = arith.addi %mul3A_580, %and3A_590 : vector<16xi32>
      %gather3A_594 = tpu.vector_load_idx %arg18[%add3A_557, %add3A_593] : memref<256x128xf32, #tpu.memory_space<vmem>>[vector<16xi32>, vector<16xi32>], vector<16xf32>,
      %mul3A_595 = arith.mulf %gather3A_592, %gather3A_594 : vector<16xf32>
      %add3A_596 = arith.addf %mul3A_584, %mul3A_595 : vector<16xf32>
      %add3A_597 = arith.constant 2 : i32
      %add3A_598 = vector.broadcast %add3A_597 : i32 to vector<16xi32>
      %add3A_599 = arith.addi %iota3A, %add3A_598 : vector<16xi32>
      %and3A_600 = arith.constant 31 : i32
      %and3A_601 = vector.broadcast %and3A_600 : i32 to vector<16xi32>
      %and3A_602 = arith.andi %add3A_599, %and3A_601 : vector<16xi32>
      %add3A_603 = arith.addi %mul3A_574, %and3A_602 : vector<16xi32>
      %gather3A_604 = tpu.vector_load_idx %arg17[%add3A_557, %add3A_603] : memref<256x128xf32, #tpu.memory_space<vmem>>[vector<16xi32>, vector<16xi32>], vector<16xf32>,
      %add3A_605 = arith.addi %mul3A_580, %and3A_602 : vector<16xi32>
      %gather3A_606 = tpu.vector_load_idx %arg18[%add3A_557, %add3A_605] : memref<256x128xf32, #tpu.memory_space<vmem>>[vector<16xi32>, vector<16xi32>], vector<16xf32>,
      %mul3A_607 = arith.mulf %gather3A_604, %gather3A_606 : vector<16xf32>
      %add3A_608 = arith.addf %add3A_596, %mul3A_607 : vector<16xf32>
      %add3A_609 = arith.constant 3 : i32
      %add3A_610 = vector.broadcast %add3A_609 : i32 to vector<16xi32>
      %add3A_611 = arith.addi %iota3A, %add3A_610 : vector<16xi32>
      %and3A_612 = arith.constant 31 : i32
      %and3A_613 = vector.broadcast %and3A_612 : i32 to vector<16xi32>
      %and3A_614 = arith.andi %add3A_611, %and3A_613 : vector<16xi32>
      %add3A_615 = arith.addi %mul3A_574, %and3A_614 : vector<16xi32>
      %gather3A_616 = tpu.vector_load_idx %arg17[%add3A_557, %add3A_615] : memref<256x128xf32, #tpu.memory_space<vmem>>[vector<16xi32>, vector<16xi32>], vector<16xf32>,
      %add3A_617 = arith.addi %mul3A_580, %and3A_614 : vector<16xi32>
      %gather3A_618 = tpu.vector_load_idx %arg18[%add3A_557, %add3A_617] : memref<256x128xf32, #tpu.memory_space<vmem>>[vector<16xi32>, vector<16xi32>], vector<16xf32>,
      %mul3A_619 = arith.mulf %gather3A_616, %gather3A_618 : vector<16xf32>
      %add3A_620 = arith.addf %add3A_608, %mul3A_619 : vector<16xf32>
      %add3A_621 = arith.constant 4 : i32
      %add3A_622 = vector.broadcast %add3A_621 : i32 to vector<16xi32>
      %add3A_623 = arith.addi %iota3A, %add3A_622 : vector<16xi32>
      %and3A_624 = arith.constant 31 : i32
      %and3A_625 = vector.broadcast %and3A_624 : i32 to vector<16xi32>
      %and3A_626 = arith.andi %add3A_623, %and3A_625 : vector<16xi32>
      %add3A_627 = arith.addi %mul3A_574, %and3A_626 : vector<16xi32>
      %gather3A_628 = tpu.vector_load_idx %arg17[%add3A_557, %add3A_627] : memref<256x128xf32, #tpu.memory_space<vmem>>[vector<16xi32>, vector<16xi32>], vector<16xf32>,
      %add3A_629 = arith.addi %mul3A_580, %and3A_626 : vector<16xi32>
      %gather3A_630 = tpu.vector_load_idx %arg18[%add3A_557, %add3A_629] : memref<256x128xf32, #tpu.memory_space<vmem>>[vector<16xi32>, vector<16xi32>], vector<16xf32>,
      %mul3A_631 = arith.mulf %gather3A_628, %gather3A_630 : vector<16xf32>
      %add3A_632 = arith.addf %add3A_620, %mul3A_631 : vector<16xf32>
      %add3A_633 = arith.constant 5 : i32
      %add3A_634 = vector.broadcast %add3A_633 : i32 to vector<16xi32>
      %add3A_635 = arith.addi %iota3A, %add3A_634 : vector<16xi32>
      %and3A_636 = arith.constant 31 : i32
      %and3A_637 = vector.broadcast %and3A_636 : i32 to vector<16xi32>
      %and3A_638 = arith.andi %add3A_635, %and3A_637 : vector<16xi32>
      %add3A_639 = arith.addi %mul3A_574, %and3A_638 : vector<16xi32>
      %gather3A_640 = tpu.vector_load_idx %arg17[%add3A_557, %add3A_639] : memref<256x128xf32, #tpu.memory_space<vmem>>[vector<16xi32>, vector<16xi32>], vector<16xf32>,
      %add3A_641 = arith.addi %mul3A_580, %and3A_638 : vector<16xi32>
      %gather3A_642 = tpu.vector_load_idx %arg18[%add3A_557, %add3A_641] : memref<256x128xf32, #tpu.memory_space<vmem>>[vector<16xi32>, vector<16xi32>], vector<16xf32>,
      %mul3A_643 = arith.mulf %gather3A_640, %gather3A_642 : vector<16xf32>
      %add3A_644 = arith.addf %add3A_632, %mul3A_643 : vector<16xf32>
      %add3A_645 = arith.constant 6 : i32
      %add3A_646 = vector.broadcast %add3A_645 : i32 to vector<16xi32>
      %add3A_647 = arith.addi %iota3A, %add3A_646 : vector<16xi32>
      %and3A_648 = arith.constant 31 : i32
      %and3A_649 = vector.broadcast %and3A_648 : i32 to vector<16xi32>
      %and3A_650 = arith.andi %add3A_647, %and3A_649 : vector<16xi32>
      %add3A_651 = arith.addi %mul3A_574, %and3A_650 : vector<16xi32>
      %gather3A_652 = tpu.vector_load_idx %arg17[%add3A_557, %add3A_651] : memref<256x128xf32, #tpu.memory_space<vmem>>[vector<16xi32>, vector<16xi32>], vector<16xf32>,
      %add3A_653 = arith.addi %mul3A_580, %and3A_650 : vector<16xi32>
      %gather3A_654 = tpu.vector_load_idx %arg18[%add3A_557, %add3A_653] : memref<256x128xf32, #tpu.memory_space<vmem>>[vector<16xi32>, vector<16xi32>], vector<16xf32>,
      %mul3A_655 = arith.mulf %gather3A_652, %gather3A_654 : vector<16xf32>
      %add3A_656 = arith.addf %add3A_644, %mul3A_655 : vector<16xf32>
      %add3A_657 = arith.constant 7 : i32
      %add3A_658 = vector.broadcast %add3A_657 : i32 to vector<16xi32>
      %add3A_659 = arith.addi %iota3A, %add3A_658 : vector<16xi32>
      %and3A_660 = arith.constant 31 : i32
      %and3A_661 = vector.broadcast %and3A_660 : i32 to vector<16xi32>
      %and3A_662 = arith.andi %add3A_659, %and3A_661 : vector<16xi32>
      %add3A_663 = arith.addi %mul3A_574, %and3A_662 : vector<16xi32>
      %gather3A_664 = tpu.vector_load_idx %arg17[%add3A_557, %add3A_663] : memref<256x128xf32, #tpu.memory_space<vmem>>[vector<16xi32>, vector<16xi32>], vector<16xf32>,
      %add3A_665 = arith.addi %mul3A_580, %and3A_662 : vector<16xi32>
      %gather3A_666 = tpu.vector_load_idx %arg18[%add3A_557, %add3A_665] : memref<256x128xf32, #tpu.memory_space<vmem>>[vector<16xi32>, vector<16xi32>], vector<16xf32>,
      %mul3A_667 = arith.mulf %gather3A_664, %gather3A_666 : vector<16xf32>
      %add3A_668 = arith.addf %add3A_656, %mul3A_667 : vector<16xf32>
      %add3A_669 = arith.constant 8 : i32
      %add3A_670 = vector.broadcast %add3A_669 : i32 to vector<16xi32>
      %add3A_671 = arith.addi %iota3A, %add3A_670 : vector<16xi32>
      %and3A_672 = arith.constant 31 : i32
      %and3A_673 = vector.broadcast %and3A_672 : i32 to vector<16xi32>
      %and3A_674 = arith.andi %add3A_671, %and3A_673 : vector<16xi32>
      %add3A_675 = arith.addi %mul3A_574, %and3A_674 : vector<16xi32>
      %gather3A_676 = tpu.vector_load_idx %arg17[%add3A_557, %add3A_675] : memref<256x128xf32, #tpu.memory_space<vmem>>[vector<16xi32>, vector<16xi32>], vector<16xf32>,
      %add3A_677 = arith.addi %mul3A_580, %and3A_674 : vector<16xi32>
      %gather3A_678 = tpu.vector_load_idx %arg18[%add3A_557, %add3A_677] : memref<256x128xf32, #tpu.memory_space<vmem>>[vector<16xi32>, vector<16xi32>], vector<16xf32>,
      %mul3A_679 = arith.mulf %gather3A_676, %gather3A_678 : vector<16xf32>
      %add3A_680 = arith.addf %add3A_668, %mul3A_679 : vector<16xf32>
      %add3A_681 = arith.constant 9 : i32
      %add3A_682 = vector.broadcast %add3A_681 : i32 to vector<16xi32>
      %add3A_683 = arith.addi %iota3A, %add3A_682 : vector<16xi32>
      %and3A_684 = arith.constant 31 : i32
      %and3A_685 = vector.broadcast %and3A_684 : i32 to vector<16xi32>
      %and3A_686 = arith.andi %add3A_683, %and3A_685 : vector<16xi32>
      %add3A_687 = arith.addi %mul3A_574, %and3A_686 : vector<16xi32>
      %gather3A_688 = tpu.vector_load_idx %arg17[%add3A_557, %add3A_687] : memref<256x128xf32, #tpu.memory_space<vmem>>[vector<16xi32>, vector<16xi32>], vector<16xf32>,
      %add3A_689 = arith.addi %mul3A_580, %and3A_686 : vector<16xi32>
      %gather3A_690 = tpu.vector_load_idx %arg18[%add3A_557, %add3A_689] : memref<256x128xf32, #tpu.memory_space<vmem>>[vector<16xi32>, vector<16xi32>], vector<16xf32>,
      %mul3A_691 = arith.mulf %gather3A_688, %gather3A_690 : vector<16xf32>
      %add3A_692 = arith.addf %add3A_680, %mul3A_691 : vector<16xf32>
      %add3A_693 = arith.constant 10 : i32
      %add3A_694 = vector.broadcast %add3A_693 : i32 to vector<16xi32>
      %add3A_695 = arith.addi %iota3A, %add3A_694 : vector<16xi32>
      %and3A_696 = arith.constant 31 : i32
      %and3A_697 = vector.broadcast %and3A_696 : i32 to vector<16xi32>
      %and3A_698 = arith.andi %add3A_695, %and3A_697 : vector<16xi32>
      %add3A_699 = arith.addi %mul3A_574, %and3A_698 : vector<16xi32>
      %gather3A_700 = tpu.vector_load_idx %arg17[%add3A_557, %add3A_699] : memref<256x128xf32, #tpu.memory_space<vmem>>[vector<16xi32>, vector<16xi32>], vector<16xf32>,
      %add3A_701 = arith.addi %mul3A_580, %and3A_698 : vector<16xi32>
      %gather3A_702 = tpu.vector_load_idx %arg18[%add3A_557, %add3A_701] : memref<256x128xf32, #tpu.memory_space<vmem>>[vector<16xi32>, vector<16xi32>], vector<16xf32>,
      %mul3A_703 = arith.mulf %gather3A_700, %gather3A_702 : vector<16xf32>
      %add3A_704 = arith.addf %add3A_692, %mul3A_703 : vector<16xf32>
      %add3A_705 = arith.constant 11 : i32
      %add3A_706 = vector.broadcast %add3A_705 : i32 to vector<16xi32>
      %add3A_707 = arith.addi %iota3A, %add3A_706 : vector<16xi32>
      %and3A_708 = arith.constant 31 : i32
      %and3A_709 = vector.broadcast %and3A_708 : i32 to vector<16xi32>
      %and3A_710 = arith.andi %add3A_707, %and3A_709 : vector<16xi32>
      %add3A_711 = arith.addi %mul3A_574, %and3A_710 : vector<16xi32>
      %gather3A_712 = tpu.vector_load_idx %arg17[%add3A_557, %add3A_711] : memref<256x128xf32, #tpu.memory_space<vmem>>[vector<16xi32>, vector<16xi32>], vector<16xf32>,
      %add3A_713 = arith.addi %mul3A_580, %and3A_710 : vector<16xi32>
      %gather3A_714 = tpu.vector_load_idx %arg18[%add3A_557, %add3A_713] : memref<256x128xf32, #tpu.memory_space<vmem>>[vector<16xi32>, vector<16xi32>], vector<16xf32>,
      %mul3A_715 = arith.mulf %gather3A_712, %gather3A_714 : vector<16xf32>
      %add3A_716 = arith.addf %add3A_704, %mul3A_715 : vector<16xf32>
      %add3A_717 = arith.constant 12 : i32
      %add3A_718 = vector.broadcast %add3A_717 : i32 to vector<16xi32>
      %add3A_719 = arith.addi %iota3A, %add3A_718 : vector<16xi32>
      %and3A_720 = arith.constant 31 : i32
      %and3A_721 = vector.broadcast %and3A_720 : i32 to vector<16xi32>
      %and3A_722 = arith.andi %add3A_719, %and3A_721 : vector<16xi32>
      %add3A_723 = arith.addi %mul3A_574, %and3A_722 : vector<16xi32>
      %gather3A_724 = tpu.vector_load_idx %arg17[%add3A_557, %add3A_723] : memref<256x128xf32, #tpu.memory_space<vmem>>[vector<16xi32>, vector<16xi32>], vector<16xf32>,
      %add3A_725 = arith.addi %mul3A_580, %and3A_722 : vector<16xi32>
      %gather3A_726 = tpu.vector_load_idx %arg18[%add3A_557, %add3A_725] : memref<256x128xf32, #tpu.memory_space<vmem>>[vector<16xi32>, vector<16xi32>], vector<16xf32>,
      %mul3A_727 = arith.mulf %gather3A_724, %gather3A_726 : vector<16xf32>
      %add3A_728 = arith.addf %add3A_716, %mul3A_727 : vector<16xf32>
      %add3A_729 = arith.constant 13 : i32
      %add3A_730 = vector.broadcast %add3A_729 : i32 to vector<16xi32>
      %add3A_731 = arith.addi %iota3A, %add3A_730 : vector<16xi32>
      %and3A_732 = arith.constant 31 : i32
      %and3A_733 = vector.broadcast %and3A_732 : i32 to vector<16xi32>
      %and3A_734 = arith.andi %add3A_731, %and3A_733 : vector<16xi32>
      %add3A_735 = arith.addi %mul3A_574, %and3A_734 : vector<16xi32>
      %gather3A_736 = tpu.vector_load_idx %arg17[%add3A_557, %add3A_735] : memref<256x128xf32, #tpu.memory_space<vmem>>[vector<16xi32>, vector<16xi32>], vector<16xf32>,
      %add3A_737 = arith.addi %mul3A_580, %and3A_734 : vector<16xi32>
      %gather3A_738 = tpu.vector_load_idx %arg18[%add3A_557, %add3A_737] : memref<256x128xf32, #tpu.memory_space<vmem>>[vector<16xi32>, vector<16xi32>], vector<16xf32>,
      %mul3A_739 = arith.mulf %gather3A_736, %gather3A_738 : vector<16xf32>
      %add3A_740 = arith.addf %add3A_728, %mul3A_739 : vector<16xf32>
      %add3A_741 = arith.constant 14 : i32
      %add3A_742 = vector.broadcast %add3A_741 : i32 to vector<16xi32>
      %add3A_743 = arith.addi %iota3A, %add3A_742 : vector<16xi32>
      %and3A_744 = arith.constant 31 : i32
      %and3A_745 = vector.broadcast %and3A_744 : i32 to vector<16xi32>
      %and3A_746 = arith.andi %add3A_743, %and3A_745 : vector<16xi32>
      %add3A_747 = arith.addi %mul3A_574, %and3A_746 : vector<16xi32>
      %gather3A_748 = tpu.vector_load_idx %arg17[%add3A_557, %add3A_747] : memref<256x128xf32, #tpu.memory_space<vmem>>[vector<16xi32>, vector<16xi32>], vector<16xf32>,
      %add3A_749 = arith.addi %mul3A_580, %and3A_746 : vector<16xi32>
      %gather3A_750 = tpu.vector_load_idx %arg18[%add3A_557, %add3A_749] : memref<256x128xf32, #tpu.memory_space<vmem>>[vector<16xi32>, vector<16xi32>], vector<16xf32>,
      %mul3A_751 = arith.mulf %gather3A_748, %gather3A_750 : vector<16xf32>
      %add3A_752 = arith.addf %add3A_740, %mul3A_751 : vector<16xf32>
      %add3A_753 = arith.constant 15 : i32
      %add3A_754 = vector.broadcast %add3A_753 : i32 to vector<16xi32>
      %add3A_755 = arith.addi %iota3A, %add3A_754 : vector<16xi32>
      %and3A_756 = arith.constant 31 : i32
      %and3A_757 = vector.broadcast %and3A_756 : i32 to vector<16xi32>
      %and3A_758 = arith.andi %add3A_755, %and3A_757 : vector<16xi32>
      %add3A_759 = arith.addi %mul3A_574, %and3A_758 : vector<16xi32>
      %gather3A_760 = tpu.vector_load_idx %arg17[%add3A_557, %add3A_759] : memref<256x128xf32, #tpu.memory_space<vmem>>[vector<16xi32>, vector<16xi32>], vector<16xf32>,
      %add3A_761 = arith.addi %mul3A_580, %and3A_758 : vector<16xi32>
      %gather3A_762 = tpu.vector_load_idx %arg18[%add3A_557, %add3A_761] : memref<256x128xf32, #tpu.memory_space<vmem>>[vector<16xi32>, vector<16xi32>], vector<16xf32>,
      %mul3A_763 = arith.mulf %gather3A_760, %gather3A_762 : vector<16xf32>
      %add3A_764 = arith.addf %add3A_752, %mul3A_763 : vector<16xf32>
      %add3A_765 = arith.constant 16 : i32
      %add3A_766 = vector.broadcast %add3A_765 : i32 to vector<16xi32>
      %add3A_767 = arith.addi %iota3A, %add3A_766 : vector<16xi32>
      %and3A_768 = arith.constant 31 : i32
      %and3A_769 = vector.broadcast %and3A_768 : i32 to vector<16xi32>
      %and3A_770 = arith.andi %add3A_767, %and3A_769 : vector<16xi32>
      %add3A_771 = arith.addi %mul3A_574, %and3A_770 : vector<16xi32>
      %gather3A_772 = tpu.vector_load_idx %arg17[%add3A_557, %add3A_771] : memref<256x128xf32, #tpu.memory_space<vmem>>[vector<16xi32>, vector<16xi32>], vector<16xf32>,
      %add3A_773 = arith.addi %mul3A_580, %and3A_770 : vector<16xi32>
      %gather3A_774 = tpu.vector_load_idx %arg18[%add3A_557, %add3A_773] : memref<256x128xf32, #tpu.memory_space<vmem>>[vector<16xi32>, vector<16xi32>], vector<16xf32>,
      %mul3A_775 = arith.mulf %gather3A_772, %gather3A_774 : vector<16xf32>
      %add3A_776 = arith.addf %add3A_764, %mul3A_775 : vector<16xf32>
      %add3A_777 = arith.constant 17 : i32
      %add3A_778 = vector.broadcast %add3A_777 : i32 to vector<16xi32>
      %add3A_779 = arith.addi %iota3A, %add3A_778 : vector<16xi32>
      %and3A_780 = arith.constant 31 : i32
      %and3A_781 = vector.broadcast %and3A_780 : i32 to vector<16xi32>
      %and3A_782 = arith.andi %add3A_779, %and3A_781 : vector<16xi32>
      %add3A_783 = arith.addi %mul3A_574, %and3A_782 : vector<16xi32>
      %gather3A_784 = tpu.vector_load_idx %arg17[%add3A_557, %add3A_783] : memref<256x128xf32, #tpu.memory_space<vmem>>[vector<16xi32>, vector<16xi32>], vector<16xf32>,
      %add3A_785 = arith.addi %mul3A_580, %and3A_782 : vector<16xi32>
      %gather3A_786 = tpu.vector_load_idx %arg18[%add3A_557, %add3A_785] : memref<256x128xf32, #tpu.memory_space<vmem>>[vector<16xi32>, vector<16xi32>], vector<16xf32>,
      %mul3A_787 = arith.mulf %gather3A_784, %gather3A_786 : vector<16xf32>
      %add3A_788 = arith.addf %add3A_776, %mul3A_787 : vector<16xf32>
      %add3A_789 = arith.constant 18 : i32
      %add3A_790 = vector.broadcast %add3A_789 : i32 to vector<16xi32>
      %add3A_791 = arith.addi %iota3A, %add3A_790 : vector<16xi32>
      %and3A_792 = arith.constant 31 : i32
      %and3A_793 = vector.broadcast %and3A_792 : i32 to vector<16xi32>
      %and3A_794 = arith.andi %add3A_791, %and3A_793 : vector<16xi32>
      %add3A_795 = arith.addi %mul3A_574, %and3A_794 : vector<16xi32>
      %gather3A_796 = tpu.vector_load_idx %arg17[%add3A_557, %add3A_795] : memref<256x128xf32, #tpu.memory_space<vmem>>[vector<16xi32>, vector<16xi32>], vector<16xf32>,
      %add3A_797 = arith.addi %mul3A_580, %and3A_794 : vector<16xi32>
      %gather3A_798 = tpu.vector_load_idx %arg18[%add3A_557, %add3A_797] : memref<256x128xf32, #tpu.memory_space<vmem>>[vector<16xi32>, vector<16xi32>], vector<16xf32>,
      %mul3A_799 = arith.mulf %gather3A_796, %gather3A_798 : vector<16xf32>
      %add3A_800 = arith.addf %add3A_788, %mul3A_799 : vector<16xf32>
      %add3A_801 = arith.constant 19 : i32
      %add3A_802 = vector.broadcast %add3A_801 : i32 to vector<16xi32>
      %add3A_803 = arith.addi %iota3A, %add3A_802 : vector<16xi32>
      %and3A_804 = arith.constant 31 : i32
      %and3A_805 = vector.broadcast %and3A_804 : i32 to vector<16xi32>
      %and3A_806 = arith.andi %add3A_803, %and3A_805 : vector<16xi32>
      %add3A_807 = arith.addi %mul3A_574, %and3A_806 : vector<16xi32>
      %gather3A_808 = tpu.vector_load_idx %arg17[%add3A_557, %add3A_807] : memref<256x128xf32, #tpu.memory_space<vmem>>[vector<16xi32>, vector<16xi32>], vector<16xf32>,
      %add3A_809 = arith.addi %mul3A_580, %and3A_806 : vector<16xi32>
      %gather3A_810 = tpu.vector_load_idx %arg18[%add3A_557, %add3A_809] : memref<256x128xf32, #tpu.memory_space<vmem>>[vector<16xi32>, vector<16xi32>], vector<16xf32>,
      %mul3A_811 = arith.mulf %gather3A_808, %gather3A_810 : vector<16xf32>
      %add3A_812 = arith.addf %add3A_800, %mul3A_811 : vector<16xf32>
      %add3A_813 = arith.constant 20 : i32
      %add3A_814 = vector.broadcast %add3A_813 : i32 to vector<16xi32>
      %add3A_815 = arith.addi %iota3A, %add3A_814 : vector<16xi32>
      %and3A_816 = arith.constant 31 : i32
      %and3A_817 = vector.broadcast %and3A_816 : i32 to vector<16xi32>
      %and3A_818 = arith.andi %add3A_815, %and3A_817 : vector<16xi32>
      %add3A_819 = arith.addi %mul3A_574, %and3A_818 : vector<16xi32>
      %gather3A_820 = tpu.vector_load_idx %arg17[%add3A_557, %add3A_819] : memref<256x128xf32, #tpu.memory_space<vmem>>[vector<16xi32>, vector<16xi32>], vector<16xf32>,
      %add3A_821 = arith.addi %mul3A_580, %and3A_818 : vector<16xi32>
      %gather3A_822 = tpu.vector_load_idx %arg18[%add3A_557, %add3A_821] : memref<256x128xf32, #tpu.memory_space<vmem>>[vector<16xi32>, vector<16xi32>], vector<16xf32>,
      %mul3A_823 = arith.mulf %gather3A_820, %gather3A_822 : vector<16xf32>
      %add3A_824 = arith.addf %add3A_812, %mul3A_823 : vector<16xf32>
      %add3A_825 = arith.constant 21 : i32
      %add3A_826 = vector.broadcast %add3A_825 : i32 to vector<16xi32>
      %add3A_827 = arith.addi %iota3A, %add3A_826 : vector<16xi32>
      %and3A_828 = arith.constant 31 : i32
      %and3A_829 = vector.broadcast %and3A_828 : i32 to vector<16xi32>
      %and3A_830 = arith.andi %add3A_827, %and3A_829 : vector<16xi32>
      %add3A_831 = arith.addi %mul3A_574, %and3A_830 : vector<16xi32>
      %gather3A_832 = tpu.vector_load_idx %arg17[%add3A_557, %add3A_831] : memref<256x128xf32, #tpu.memory_space<vmem>>[vector<16xi32>, vector<16xi32>], vector<16xf32>,
      %add3A_833 = arith.addi %mul3A_580, %and3A_830 : vector<16xi32>
      %gather3A_834 = tpu.vector_load_idx %arg18[%add3A_557, %add3A_833] : memref<256x128xf32, #tpu.memory_space<vmem>>[vector<16xi32>, vector<16xi32>], vector<16xf32>,
      %mul3A_835 = arith.mulf %gather3A_832, %gather3A_834 : vector<16xf32>
      %add3A_836 = arith.addf %add3A_824, %mul3A_835 : vector<16xf32>
      %add3A_837 = arith.constant 22 : i32
      %add3A_838 = vector.broadcast %add3A_837 : i32 to vector<16xi32>
      %add3A_839 = arith.addi %iota3A, %add3A_838 : vector<16xi32>
      %and3A_840 = arith.constant 31 : i32
      %and3A_841 = vector.broadcast %and3A_840 : i32 to vector<16xi32>
      %and3A_842 = arith.andi %add3A_839, %and3A_841 : vector<16xi32>
      %add3A_843 = arith.addi %mul3A_574, %and3A_842 : vector<16xi32>
      %gather3A_844 = tpu.vector_load_idx %arg17[%add3A_557, %add3A_843] : memref<256x128xf32, #tpu.memory_space<vmem>>[vector<16xi32>, vector<16xi32>], vector<16xf32>,
      %add3A_845 = arith.addi %mul3A_580, %and3A_842 : vector<16xi32>
      %gather3A_846 = tpu.vector_load_idx %arg18[%add3A_557, %add3A_845] : memref<256x128xf32, #tpu.memory_space<vmem>>[vector<16xi32>, vector<16xi32>], vector<16xf32>,
      %mul3A_847 = arith.mulf %gather3A_844, %gather3A_846 : vector<16xf32>
      %add3A_848 = arith.addf %add3A_836, %mul3A_847 : vector<16xf32>
      %add3A_849 = arith.constant 23 : i32
      %add3A_850 = vector.broadcast %add3A_849 : i32 to vector<16xi32>
      %add3A_851 = arith.addi %iota3A, %add3A_850 : vector<16xi32>
      %and3A_852 = arith.constant 31 : i32
      %and3A_853 = vector.broadcast %and3A_852 : i32 to vector<16xi32>
      %and3A_854 = arith.andi %add3A_851, %and3A_853 : vector<16xi32>
      %add3A_855 = arith.addi %mul3A_574, %and3A_854 : vector<16xi32>
      %gather3A_856 = tpu.vector_load_idx %arg17[%add3A_557, %add3A_855] : memref<256x128xf32, #tpu.memory_space<vmem>>[vector<16xi32>, vector<16xi32>], vector<16xf32>,
      %add3A_857 = arith.addi %mul3A_580, %and3A_854 : vector<16xi32>
      %gather3A_858 = tpu.vector_load_idx %arg18[%add3A_557, %add3A_857] : memref<256x128xf32, #tpu.memory_space<vmem>>[vector<16xi32>, vector<16xi32>], vector<16xf32>,
      %mul3A_859 = arith.mulf %gather3A_856, %gather3A_858 : vector<16xf32>
      %add3A_860 = arith.addf %add3A_848, %mul3A_859 : vector<16xf32>
      %add3A_861 = arith.constant 24 : i32
      %add3A_862 = vector.broadcast %add3A_861 : i32 to vector<16xi32>
      %add3A_863 = arith.addi %iota3A, %add3A_862 : vector<16xi32>
      %and3A_864 = arith.constant 31 : i32
      %and3A_865 = vector.broadcast %and3A_864 : i32 to vector<16xi32>
      %and3A_866 = arith.andi %add3A_863, %and3A_865 : vector<16xi32>
      %add3A_867 = arith.addi %mul3A_574, %and3A_866 : vector<16xi32>
      %gather3A_868 = tpu.vector_load_idx %arg17[%add3A_557, %add3A_867] : memref<256x128xf32, #tpu.memory_space<vmem>>[vector<16xi32>, vector<16xi32>], vector<16xf32>,
      %add3A_869 = arith.addi %mul3A_580, %and3A_866 : vector<16xi32>
      %gather3A_870 = tpu.vector_load_idx %arg18[%add3A_557, %add3A_869] : memref<256x128xf32, #tpu.memory_space<vmem>>[vector<16xi32>, vector<16xi32>], vector<16xf32>,
      %mul3A_871 = arith.mulf %gather3A_868, %gather3A_870 : vector<16xf32>
      %add3A_872 = arith.addf %add3A_860, %mul3A_871 : vector<16xf32>
      %add3A_873 = arith.constant 25 : i32
      %add3A_874 = vector.broadcast %add3A_873 : i32 to vector<16xi32>
      %add3A_875 = arith.addi %iota3A, %add3A_874 : vector<16xi32>
      %and3A_876 = arith.constant 31 : i32
      %and3A_877 = vector.broadcast %and3A_876 : i32 to vector<16xi32>
      %and3A_878 = arith.andi %add3A_875, %and3A_877 : vector<16xi32>
      %add3A_879 = arith.addi %mul3A_574, %and3A_878 : vector<16xi32>
      %gather3A_880 = tpu.vector_load_idx %arg17[%add3A_557, %add3A_879] : memref<256x128xf32, #tpu.memory_space<vmem>>[vector<16xi32>, vector<16xi32>], vector<16xf32>,
      %add3A_881 = arith.addi %mul3A_580, %and3A_878 : vector<16xi32>
      %gather3A_882 = tpu.vector_load_idx %arg18[%add3A_557, %add3A_881] : memref<256x128xf32, #tpu.memory_space<vmem>>[vector<16xi32>, vector<16xi32>], vector<16xf32>,
      %mul3A_883 = arith.mulf %gather3A_880, %gather3A_882 : vector<16xf32>
      %add3A_884 = arith.addf %add3A_872, %mul3A_883 : vector<16xf32>
      %add3A_885 = arith.constant 26 : i32
      %add3A_886 = vector.broadcast %add3A_885 : i32 to vector<16xi32>
      %add3A_887 = arith.addi %iota3A, %add3A_886 : vector<16xi32>
      %and3A_888 = arith.constant 31 : i32
      %and3A_889 = vector.broadcast %and3A_888 : i32 to vector<16xi32>
      %and3A_890 = arith.andi %add3A_887, %and3A_889 : vector<16xi32>
      %add3A_891 = arith.addi %mul3A_574, %and3A_890 : vector<16xi32>
      %gather3A_892 = tpu.vector_load_idx %arg17[%add3A_557, %add3A_891] : memref<256x128xf32, #tpu.memory_space<vmem>>[vector<16xi32>, vector<16xi32>], vector<16xf32>,
      %add3A_893 = arith.addi %mul3A_580, %and3A_890 : vector<16xi32>
      %gather3A_894 = tpu.vector_load_idx %arg18[%add3A_557, %add3A_893] : memref<256x128xf32, #tpu.memory_space<vmem>>[vector<16xi32>, vector<16xi32>], vector<16xf32>,
      %mul3A_895 = arith.mulf %gather3A_892, %gather3A_894 : vector<16xf32>
      %add3A_896 = arith.addf %add3A_884, %mul3A_895 : vector<16xf32>
      %add3A_897 = arith.constant 27 : i32
      %add3A_898 = vector.broadcast %add3A_897 : i32 to vector<16xi32>
      %add3A_899 = arith.addi %iota3A, %add3A_898 : vector<16xi32>
      %and3A_900 = arith.constant 31 : i32
      %and3A_901 = vector.broadcast %and3A_900 : i32 to vector<16xi32>
      %and3A_902 = arith.andi %add3A_899, %and3A_901 : vector<16xi32>
      %add3A_903 = arith.addi %mul3A_574, %and3A_902 : vector<16xi32>
      %gather3A_904 = tpu.vector_load_idx %arg17[%add3A_557, %add3A_903] : memref<256x128xf32, #tpu.memory_space<vmem>>[vector<16xi32>, vector<16xi32>], vector<16xf32>,
      %add3A_905 = arith.addi %mul3A_580, %and3A_902 : vector<16xi32>
      %gather3A_906 = tpu.vector_load_idx %arg18[%add3A_557, %add3A_905] : memref<256x128xf32, #tpu.memory_space<vmem>>[vector<16xi32>, vector<16xi32>], vector<16xf32>,
      %mul3A_907 = arith.mulf %gather3A_904, %gather3A_906 : vector<16xf32>
      %add3A_908 = arith.addf %add3A_896, %mul3A_907 : vector<16xf32>
      %add3A_909 = arith.constant 28 : i32
      %add3A_910 = vector.broadcast %add3A_909 : i32 to vector<16xi32>
      %add3A_911 = arith.addi %iota3A, %add3A_910 : vector<16xi32>
      %and3A_912 = arith.constant 31 : i32
      %and3A_913 = vector.broadcast %and3A_912 : i32 to vector<16xi32>
      %and3A_914 = arith.andi %add3A_911, %and3A_913 : vector<16xi32>
      %add3A_915 = arith.addi %mul3A_574, %and3A_914 : vector<16xi32>
      %gather3A_916 = tpu.vector_load_idx %arg17[%add3A_557, %add3A_915] : memref<256x128xf32, #tpu.memory_space<vmem>>[vector<16xi32>, vector<16xi32>], vector<16xf32>,
      %add3A_917 = arith.addi %mul3A_580, %and3A_914 : vector<16xi32>
      %gather3A_918 = tpu.vector_load_idx %arg18[%add3A_557, %add3A_917] : memref<256x128xf32, #tpu.memory_space<vmem>>[vector<16xi32>, vector<16xi32>], vector<16xf32>,
      %mul3A_919 = arith.mulf %gather3A_916, %gather3A_918 : vector<16xf32>
      %add3A_920 = arith.addf %add3A_908, %mul3A_919 : vector<16xf32>
      %add3A_921 = arith.constant 29 : i32
      %add3A_922 = vector.broadcast %add3A_921 : i32 to vector<16xi32>
      %add3A_923 = arith.addi %iota3A, %add3A_922 : vector<16xi32>
      %and3A_924 = arith.constant 31 : i32
      %and3A_925 = vector.broadcast %and3A_924 : i32 to vector<16xi32>
      %and3A_926 = arith.andi %add3A_923, %and3A_925 : vector<16xi32>
      %add3A_927 = arith.addi %mul3A_574, %and3A_926 : vector<16xi32>
      %gather3A_928 = tpu.vector_load_idx %arg17[%add3A_557, %add3A_927] : memref<256x128xf32, #tpu.memory_space<vmem>>[vector<16xi32>, vector<16xi32>], vector<16xf32>,
      %add3A_929 = arith.addi %mul3A_580, %and3A_926 : vector<16xi32>
      %gather3A_930 = tpu.vector_load_idx %arg18[%add3A_557, %add3A_929] : memref<256x128xf32, #tpu.memory_space<vmem>>[vector<16xi32>, vector<16xi32>], vector<16xf32>,
      %mul3A_931 = arith.mulf %gather3A_928, %gather3A_930 : vector<16xf32>
      %add3A_932 = arith.addf %add3A_920, %mul3A_931 : vector<16xf32>
      %add3A_933 = arith.constant 30 : i32
      %add3A_934 = vector.broadcast %add3A_933 : i32 to vector<16xi32>
      %add3A_935 = arith.addi %iota3A, %add3A_934 : vector<16xi32>
      %and3A_936 = arith.constant 31 : i32
      %and3A_937 = vector.broadcast %and3A_936 : i32 to vector<16xi32>
      %and3A_938 = arith.andi %add3A_935, %and3A_937 : vector<16xi32>
      %add3A_939 = arith.addi %mul3A_574, %and3A_938 : vector<16xi32>
      %gather3A_940 = tpu.vector_load_idx %arg17[%add3A_557, %add3A_939] : memref<256x128xf32, #tpu.memory_space<vmem>>[vector<16xi32>, vector<16xi32>], vector<16xf32>,
      %add3A_941 = arith.addi %mul3A_580, %and3A_938 : vector<16xi32>
      %gather3A_942 = tpu.vector_load_idx %arg18[%add3A_557, %add3A_941] : memref<256x128xf32, #tpu.memory_space<vmem>>[vector<16xi32>, vector<16xi32>], vector<16xf32>,
      %mul3A_943 = arith.mulf %gather3A_940, %gather3A_942 : vector<16xf32>
      %add3A_944 = arith.addf %add3A_932, %mul3A_943 : vector<16xf32>
      %add3A_945 = arith.constant 31 : i32
      %add3A_946 = vector.broadcast %add3A_945 : i32 to vector<16xi32>
      %add3A_947 = arith.addi %iota3A, %add3A_946 : vector<16xi32>
      %and3A_948 = arith.constant 31 : i32
      %and3A_949 = vector.broadcast %and3A_948 : i32 to vector<16xi32>
      %and3A_950 = arith.andi %add3A_947, %and3A_949 : vector<16xi32>
      %add3A_951 = arith.addi %mul3A_574, %and3A_950 : vector<16xi32>
      %gather3A_952 = tpu.vector_load_idx %arg17[%add3A_557, %add3A_951] : memref<256x128xf32, #tpu.memory_space<vmem>>[vector<16xi32>, vector<16xi32>], vector<16xf32>,
      %add3A_953 = arith.addi %mul3A_580, %and3A_950 : vector<16xi32>
      %gather3A_954 = tpu.vector_load_idx %arg18[%add3A_557, %add3A_953] : memref<256x128xf32, #tpu.memory_space<vmem>>[vector<16xi32>, vector<16xi32>], vector<16xf32>,
      %mul3A_955 = arith.mulf %gather3A_952, %gather3A_954 : vector<16xf32>
      %add3A_956 = arith.addf %add3A_944, %mul3A_955 : vector<16xf32>
      %mul3A_957 = arith.constant 16 : i32
      %mul3A_958 = arith.muli %scan3A_553, %mul3A_957 : i32
      %add3A_959 = arith.constant 256 : i32
      %add3A_960 = arith.addi %add3A_959, %mul3A_958 : i32
      %swap3A_961 = arith.index_cast %add3A_960 : i32 to index
      %swap3A_962 = tpu.vector_load %arg19[%swap3A_961] {strides = array<i32>} : memref<512xf32, #tpu.memory_space<vmem>>, vector<16xf32>,
      tpu.vector_store %arg19[%swap3A_961], %add3A_956 {strides = array<i32>} : memref<512xf32, #tpu.memory_space<vmem>>, vector<16xf32>,
    }
    %scan3A_552 = arith.constant 16 : i32
    "tpu.region"() ({
      %run_scoped3A = tpu.sem_alloc : memref<!tpu.dma_semaphore, #tpu.memory_space<semaphore_mem>>
      %dma_start3A_553 = tpu.memref_slice %arg6[%mul3A_2] : memref<16384xf32, #tpu.memory_space<hbm>> -> memref<512xf32, #tpu.memory_space<hbm>>
      %dma_start3A_554 = tpu.memref_slice %arg6[%mul3A_2] : memref<16384xf32, #tpu.memory_space<hbm>> -> memref<512xf32, #tpu.memory_space<hbm>>
      tpu.enqueue_dma source(%arg19 : memref<512xf32, #tpu.memory_space<vmem>>) target(%dma_start3A_554 : memref<512xf32, #tpu.memory_space<hbm>>) target_semaphore(%run_scoped3A : memref<!tpu.dma_semaphore, #tpu.memory_space<semaphore_mem>>)
      %dma_wait3A_555 = tpu.memref_slice %arg6[%mul3A_2] : memref<16384xf32, #tpu.memory_space<hbm>> -> memref<512xf32, #tpu.memory_space<hbm>>
      %dma_wait3A_556 = tpu.memref_slice %arg6[%mul3A_2] : memref<16384xf32, #tpu.memory_space<hbm>> -> memref<512xf32, #tpu.memory_space<hbm>>
      tpu.wait_dma2 semaphore(%run_scoped3A : memref<!tpu.dma_semaphore, #tpu.memory_space<semaphore_mem>>) src(%arg19 : memref<512xf32, #tpu.memory_space<vmem>>) dst(%dma_wait3A_556 : memref<512xf32, #tpu.memory_space<hbm>>)
      tpu.yield
    }) : () -> ()
    return
  }
}

</mosaic_0001>

<sc_bundles>
// kernel: kernel.3.cloned.1.call-start
scs
__scs_entry_jumppad:
0x0: {  	(pc) =	sbr.rel $0x88, $3  }
0x1: {  	(tag) =	ssettag $0x0;
	lr =	simm.s32 $0x1  }
0x2: {  	[smem:$0x3F9D] =	sst lr;
	_ =	strace $0xD0000000  }
0x3: {  	_ = 	snop  }
0x4: {  	_ = 	snop  }
0x5: {  	_ = 	snop  }
0x6: {  	_ = 	snop  }
0x7: {  	_ = 	snop  }
__scs_overlays_trampoline_lowered:
0x8: {  	[smem:$0x3FAC] =	sst s0  }
0x9: {  	[smem:$0x3FAD] =	sst s1  }
0xa: {  	[smem:$0x3FAE] =	sst s2  }
0xb: {  	[smem:$0x3FAF] =	sst s3  }
0xc: {  	[smem:$0x3FB0] =	sst s4  }
0xd: {  	[smem:$0x3FB1] =	sst s5  }
0xe: {  	[smem:$0x3FB2] =	sst s6  }
0xf: {  	[smem:$0x3FB3] =	sst s7  }
0x10: {  	[smem:$0x3FB4] =	sst s8  }
0x11: {  	[smem:$0x3FB5] =	sst s9;
	s0 =	simm.s32 @!p0 $0x0  }
0x12: {  	s1 =	sld [smem:$0x3F9B];
	s0 =	simm.s32 @p0 $0x1  }
0x13: {  	[smem:$0x3FB6] =	sst s0;
	s0 =	simm.s32 @!p1 $0x0  }
0x14: {  	s2 =	sld [smem:$0x3F9A];
	s0 =	simm.s32 @p1 $0x1  }
0x15: {  	[smem:$0x3FB7] =	sst s0;
	s0 =	simm.s32 @!p2 $0x0  }
0x16: {  	s3 =	sld [smem:$0x3FDB];
	s0 =	simm.s32 @p2 $0x1  }
0x17: {  	s4 =	simm.s32 $0x1BF5;
	[smem:$0x3FB9] =	sst s0  }
0x18: {  	s0 =	sld [smem:$0x3F9C];
	_ =	swait.ge [sflag:s4], $0x0  }
0x19: {  	s7 =	sld [smem:$0x3F9D]  }
0x1a: {  	s8 =	sadd.s32 $0xFFFFE003, lr  }
0x1b: {  	s9 =	sadd.s32 $0xFFFFFEF7, lr;
	s5 =	simm.s32 $0xFFFFFFFF;
	p2 =	slt.u32 s8, $0xFFFFF086  }
0x1c: {  	p1 =	slt.u32 s9, $0xF7A;
	s5 =	simm.s32 @!p2 $0x0  }
0x1d: {  	s5 =	simm.s32 @p1 $0x1;
	p0 =	seq.s32 s7, s2  }
0x1e: {  	s7 =	smul.u32 @!p0 $0xF7A, s2;
	p2 =	seq.s32 @!p0 s5, $0x0  }
0x1f: {  	s9 =	smul.u32 $0xF7A, s1;
	s8 =	simm.s32 @!p0 $0x1BF5;
	p2 =	por !p2, p0  }
0x20: {  	[sflag:s8] =	ssyncset.s32 @!p0 $0xFFFFF086;
	s6 =	sadd.s32 @!p0 s3, s7;
	s7 =	simm.s32 @!p0 $0x108  }
0x21: {  	s3 =	sadd.s32 s3, s9;
	s6 =	sadd.s32 @!p0 $0x88, s6;
	s7 =	simm.s32 @p2 $0x1082  }
0x22: {  	[simem:s7], [sflag:s8] =	dma.local @!p0 [hbm:s6], $0xF7A  }
0x23: {  	s9 =	sor.u32 $0xD0000000, s2;
	s6 =	simm.s32 $0x108;
	_ =	swait.ge @!p0 [sflag:s8], $0x0  }
0x24: {  	s3 =	sadd.s32 $0x88, s3;
	s6 =	simm.s32 @!p1 $0x1082;
	[sflag:s4] =	ssyncset.s32 $0xFFFFF086  }
0x25: {  	[simem:s6], [sflag:s4] =	dma.local [hbm:s3], $0xF7A  }
0x26: {  	[smem:$0x3F9D] =	sst s1;
	(tag) =	ssettag s2;
	_ =	strace s9  }
0x27: {  	s1 =	sld [smem:$0x3FAD]  }
0x28: {  	s2 =	sld [smem:$0x3FAE]  }
0x29: {  	s4 =	sld [smem:$0x3FB0]  }
0x2a: {  	p0 =	seq.s32 s5, $0x0;
	s5 =	sld [smem:$0x3FB1]  }
0x2b: {  	s6 =	sld [smem:$0x3FB2]  }
0x2c: {  	s7 =	sld [smem:$0x3FB3]  }
0x2d: {  	s3 =	simm.s32 $0x108;
	s8 =	sld [smem:$0x3FB4]  }
0x2e: {  	s3 =	simm.s32 @!p0 $0x1082;
	s9 =	sld [smem:$0x3FB5]  }
0x2f: {  	lr =	sadd.s32 s0, s3;
	s0 =	sld [smem:$0x3FAC]  }
0x30: {  	s3 =	sld [smem:$0x3FAF]  }
0x31: {  	[smem:$0x3FB8] =	sst s10  }
0x32: {  	s10 =	sld [smem:$0x3FB6];
	_ =	sdelay $0x3  }
0x33: {  	p0 =	seq.s32 s10, $0x1;
	s10 =	sld [smem:$0x3FB8];
	_ =	sdelay $0x3  }
0x34: {  	[smem:$0x3FB8] =	sst s10  }
0x35: {  	s10 =	sld [smem:$0x3FB7];
	_ =	sdelay $0x3  }
0x36: {  	p1 =	seq.s32 s10, $0x1;
	s10 =	sld [smem:$0x3FB8];
	_ =	sdelay $0x3  }
0x37: {  	[smem:$0x3FB8] =	sst s10  }
0x38: {  	s10 =	sld [smem:$0x3FB9]  }
0x39: {  	_ = 	snop;
	(pc) =	sbr.ind lr, $3  }
0x3a: {  	_ = 	snop  }
0x3b: {  	_ = 	snop  }
0x3c: {  	p2 =	seq.s32 s10, $0x1;
	s10 =	sld [smem:$0x3FB8]  }
0x3d: {  	_ =	shalt  }
0x3e: {  	_ =	shalt  }
0x3f: {  	_ =	shalt  }
0x40: {  	_ =	shalt  }
0x41: {  	_ =	shalt  }
0x42: {  	_ =	shalt  }
0x43: {  	_ =	shalt  }
0x44: {  	_ =	shalt  }
0x45: {  	_ =	shalt  }
0x46: {  	_ =	shalt  }
0x47: {  	_ =	shalt  }
0x48: {  	_ =	shalt  }
0x49: {  	_ =	shalt  }
0x4a: {  	_ =	shalt  }
0x4b: {  	_ =	shalt  }
0x4c: {  	_ =	shalt  }
0x4d: {  	_ =	shalt  }
0x4e: {  	_ =	shalt  }
0x4f: {  	_ =	shalt  }
0x50: {  	_ =	shalt  }
0x51: {  	_ =	shalt  }
0x52: {  	_ =	shalt  }
0x53: {  	_ =	shalt  }
0x54: {  	_ =	shalt  }
0x55: {  	_ =	shalt  }
0x56: {  	_ =	shalt  }
0x57: {  	_ =	shalt  }
0x58: {  	_ =	shalt  }
0x59: {  	_ =	shalt  }
0x5a: {  	_ =	shalt  }
0x5b: {  	_ =	shalt  }
0x5c: {  	_ =	shalt  }
0x5d: {  	_ =	shalt  }
0x5e: {  	_ =	shalt  }
0x5f: {  	_ =	shalt  }
0x60: {  	_ =	shalt  }
0x61: {  	_ =	shalt  }
0x62: {  	_ =	shalt  }
0x63: {  	_ =	shalt  }
0x64: {  	_ =	shalt  }
0x65: {  	_ =	shalt  }
0x66: {  	_ =	shalt  }
0x67: {  	_ =	shalt  }
0x68: {  	_ =	shalt  }
0x69: {  	_ =	shalt  }
0x6a: {  	_ =	shalt  }
0x6b: {  	_ =	shalt  }
0x6c: {  	_ =	shalt  }
0x6d: {  	_ =	shalt  }
0x6e: {  	_ =	shalt  }
0x6f: {  	_ =	shalt  }
0x70: {  	_ =	shalt  }
0x71: {  	_ =	shalt  }
0x72: {  	_ =	shalt  }
0x73: {  	_ =	shalt  }
0x74: {  	_ =	shalt  }
0x75: {  	_ =	shalt  }
0x76: {  	_ =	shalt  }
0x77: {  	_ =	shalt  }
0x78: {  	_ =	shalt  }
0x79: {  	_ =	shalt  }
0x7a: {  	_ =	shalt  }
0x7b: {  	_ =	shalt  }
0x7c: {  	_ =	shalt  }
0x7d: {  	_ =	shalt  }
0x7e: {  	_ =	shalt  }
0x7f: {  	_ =	shalt  }
0x80: {  	_ =	shalt  }
0x81: {  	_ =	shalt  }
0x82: {  	_ =	shalt  }
0x83: {  	_ =	shalt  }
0x84: {  	_ =	shalt  }
0x85: {  	_ =	shalt  }
0x86: {  	_ =	shalt  }
0x87: {  	_ =	shalt  }
.Lfunc_end0:
.L_simem_size_0:
called_computation_lowered:
.L_overlay_start_0:
0x88: {  	s2 =	sld [smem:$0x3FD9]  }
0x89: {  	s3 =	sld [smem:$0x3FFE];
	_ =	sdelay $0x1  }
0x8a: {  	s1 =	srdreg.scid  }
0x8b: {  	s0 =	sand.u32 $0x1, s1  }
0x8c: {  	s17 =	sshll.u32 s0, $0xA;
	s2 =	sadd.s32 s3, s2  }
0x8d: {  	s2 =	sadd.s32 s2, s17  }
0x8e: {  	[smem:$0x3FC4] =	sst s2  }
0x8f: {  	_ = 	snop  }
0x90: {  	s2 =	sld [smem:$0x3FC9]  }
0x91: {  	s18 =	sld [smem:$0x3FC8]  }
0x92: {  	s4 =	sld [smem:$0x3FD0];
	(tm) =	ssettm $0x1  }
0x93: {  	s5 =	sld [smem:$0x3FFB];
	_ =	sdelay $0x3  }
0x94: {  	_ =	strace s5  }
0x95: {  	s5 =	sld [smem:$0x3FFC];
	_ =	sdelay $0x3  }
0x96: {  	_ =	strace s5  }
0x97: {  	s5 =	sld [smem:$0x3FFD];
	_ =	sdelay $0x3  }
0x98: {  	_ =	strace s5  }
0x99: {  	_ =	strace $0x8FFFFFFF  }
0x9a: {  	s19 =	sld [smem:$0x3FDB];
	_ =	sdelay $0x1  }
0x9b: {  	s6 =	simm.s32 $_scs_section_size  }
0x9c: {  	s7 =	simm.s32 $_size__tile_overlayer_lowered;
	s8 =	simm.s32 $_tile_overlayer_lowered  }
0x9d: {  	s22 =	simm.s32 $0x1BFF;
	s21 =	sshll.u32 s8, $0x1;
	s5 =	sadd.s32 s6, s19  }
0x9e: {  	s9 =	simm.s32 $0x0;
	s20 =	sshll.u32 s7, $0x1;
	s7 =	sadd.s32 s21, s5  }
0x9f: {  	[timem:s9], [sflag:s22] =	dma.local [hbm:s7], s20  }
0xa0: {  	_ =	swait.ge [sflag:s22], s20  }
0xa1: {  	s6 =	ssub.s32 $0x0, s20;
	[sflag:s22] =	ssyncset.done $0x0  }
0xa2: {  	[sflag:s22] =	ssyncadd.s32 s6;
	_ =	sdelay $0x1  }
0xa3: {  	s23 =	simm.s32 $0x1B8B  }
0xa4: {  	_ =	swait.ge [sflag:s23], $0x1  }
0xa5: {  	[sflag:s23] =	ssyncset.done $0x0  }
0xa6: {  	s25 =	simm.s32 $0x1B8E;
	s24 =	sld [smem:$0x3FFE];
	[sflag:s23] =	ssyncadd.s32 $0xFFFFFFFF  }
0xa7: {  	s26 =	simm.s32 $execute0_lowered;
	[smem:$0x3FD2] =	sst s25  }
0xa8: {  	s7 =	sshll.u32 s26, $0x1;
	_ =	strace $0x80000046;
	[dreg:$0x1] =	wrdreg $0xFFFFFFFF  }
0xa9: {  	s28 =	simm.s32 $_size_execute0_lowered;
	s5 =	sadd.s32 s5, s7;
	[dreg:$0x0] =	wrdreg $0x0  }
0xaa: {  	s7 =	sshll.u32 s28, $0x1;
	[dreg:$0x2] =	wrdreg s5  }
0xab: {  	[dreg:$0x3] =	wrdreg s7  }
0xac: {  	[dreg:$0x4] =	wrdreg $0xC0  }
0xad: {  	_ =	task [dreg:s9], $0x5FFFF  }
0xae: {  	[dreg:$0x1] =	wrdreg $0xFFFFFFFF  }
0xaf: {  	[dreg:$0x0] =	wrdreg $0x60  }
0xb0: {  	[dreg:$0x2] =	wrdreg s2  }
0xb1: {  	[dreg:$0x3] =	wrdreg s18  }
0xb2: {  	[dreg:$0x4] =	wrdreg s24  }
0xb3: {  	[dreg:$0x5] =	wrdreg s4  }
0xb4: {  	[dreg:$0x6] =	wrdreg $0x9  }
0xb5: {  	_ =	task.clear_ibuf [dreg:s9], $0x7FFFF;
	_ =	strace $0x90000046  }
0xb6: {  	s29 =	simm.s32 $0x9;
	_ =	strace $0x80000048  }
0xb7: {  	_ =	swait.ge [sflag:s29], $0x1  }
0xb8: {  	[sflag:s29] =	ssyncadd.s32 $0xFFFFFFFF  }
0xb9: {  	_ =	strace $0x90000048  }
0xba: {  	_ =	sfence  }
0xbb: {  	s30 =	sld [smem:$0x0];
	_ =	sdelay $0x2  }
0xbc: {  	s31 =	sshll.u32 s1, $0xD;
	s1 =	sshrl.u32 s1, $0x2  }
0xbd: {  	s3 =	sand.u32 $0x4000, s31;
	s1 =	sadd.s32 s1, s30  }
0xbe: {  	s0 =	sor.u32 s3, s0;
	s1 =	sshll.u32 s1, $0x11  }
0xbf: {  	s0 =	sor.u32 s1, s0  }
0xc0: {  	s0 =	sadd.s32 $0x8F2B, s0  }
0xc1: {  	[sflag:s0] =	ssyncadd.remote.s32 $0x1  }
0xc2: {  	_ =	sfence.sel $0xFFFF  }
0xc3: {  	[dreg:$0x0] =	wrdreg $0xFFFFFFFF;
	(pc) =	sbr.abs _section_cstart, $3  }
0xc4: {  	[dreg:$0x1] =	wrdreg $0xFFFFFFFF  }
0xc5: {  	_ =	task.clear_ibuf [dreg:s9], $0x2FFFF;
	_ =	strace $0x9FFFFFFF  }
0xc6: {  	(tm) =	ssettm $0x7FFFFFFF  }
0xc7: {  	_ =	shalt  }
tec
execute0_lowered:
.L_overlay_start_1:
0x0: {  	(tag) =	ssettag $0x1  }
0x1: {  	v0 =	vlaneseq.u32;
	v17 =	vimm.s32 $0x14131211;
	v18 =	vimm.s32 $0x18171615  }
0x2: {  	v19 =	vimm.s32 $0x1C1B1A19;
	v21 =	vimm.s32 $0x19181716;
	vm0 =	vcmask $0x1F10  }
0x3: {  	v22 =	vimm.s32 $0x1D1C1B1A;
	v24 =	vimm.s32 $0x16151413;
	v26 =	vimm.s32 $0x1A191817  }
0x4: {  	v29 =	vimm.s32 $0x201001F;
	v30 =	vimm.s32 $0x3020100;
	v31 =	vimm.s32 $0x1F1E1D1C  }
0x5: {  	v32 =	vimm.s32 $0x17161514;
	v33 =	vimm.s32 $0x1B1A1918;
	v53 =	vimm.s32 $0x4030201  }
0x6: {  	v54 =	vimm.s32 $0x5040302;
	v38 =	vimm.s32 $0x6050403;
	v55 =	vimm.s32 $0x98765432  }
0x7: {  	v56 =	vimm.s32 $0xA9876543;
	v57 =	vimm.s32 $0x32107654;
	v59 =	vimm.s32 $0x43218765  }
0x8: {  	v60 =	vimm.s32 $0x54329876;
	v61 =	vimm.s32 $0x6543A987;
	vm15 =	vcmask $0x2F10  }
0x9: {  	vm1 =	vcmask $0x3F30;
	v1 =	vmul.u32 $0x80, v0;
	v2 =	vadd.s32 $0x1, v0  }
0xa: {  	v3 =	vadd.s32 $0x2, v0;
	v4 =	vadd.s32 $0x3, v0;
	v5 =	vadd.s32 $0x4, v0  }
0xb: {  	v6 =	vadd.s32 $0x5, v0;
	v7 =	vadd.s32 $0x6, v0;
	v8 =	vadd.s32 $0x7, v0  }
0xc: {  	v9 =	vadd.s32 $0x8, v0;
	v10 =	vadd.s32 $0x9, v0;
	v11 =	vadd.s32 $0xA, v0  }
0xd: {  	v12 =	vadd.s32 $0xB, v0;
	v13 =	vadd.s32 $0xC, v0;
	v14 =	vadd.s32 $0xD, v0  }
0xe: {  	v15 =	vadd.s32 $0xE, v0;
	v17 =	vunpack.c.0.s8.s32 v17;
	v20 =	vunpack.c.0.s8.s32 v18  }
0xf: {  	v19 =	vunpack.c.0.s8.s32 v19;
	v18 =	vimm.s32 $0x1F1E1D;
	v21 =	vunpack.c.0.s8.s32 v21  }
0x10: {  	v22 =	vunpack.c.0.s8.s32 v22;
	v27 =	vunpack.c.0.s8.s32 v18;
	v18 =	vimm.s32 $0x15141312  }
0x11: {  	v29 =	vunpack.c.0.s8.s32 v29;
	v30 =	vunpack.c.0.s8.s32 v30;
	v18 =	vunpack.c.0.s8.s32 v18  }
0x12: {  	v31 =	vunpack.c.0.s8.s32 v31;
	v32 =	vunpack.c.0.s8.s32 v32;
	v33 =	vunpack.c.0.s8.s32 v33  }
0x13: {  	v17 =	vsel vm0, v20, v17;
	v23 =	vsel vm0, v21, v18;
	v18 =	vimm.s32 $0x1001F1E  }
0x14: {  	v37 =	vsel vm0, v19, v20;
	v25 =	vsel vm0, v27, v19;
	v28 =	vunpack.c.0.s8.s32 v18  }
0x15: {  	v18 =	vunpack.c.0.s8.s32 v24;
	v24 =	vunpack.c.0.s8.s32 v26;
	v26 =	vimm.s32 $0x1E1D1C1B  }
0x16: {  	v17 =	vcombine.low v17, v25;
	v26 =	vunpack.c.0.s8.s32 v26;
	v34 =	vsel vm0, v28, v22  }
0x17: {  	v35 =	vsel vm0, v24, v18;
	v18 =	vsel vm0, v30, v31;
	v30 =	vsel vm0, v33, v32  }
0x18: {  	v32 =	vunpack.c.0.s8.s32 v54;
	v22 =	vsel vm0, v22, v21;
	v36 =	vsel vm0, v29, v26  }
0x19: {  	v18 =	vcombine.low v30, v18;
	v30 =	vunpack.c.0.s8.s32 v53;
	v19 =	vcombine.low v23, v34  }
0x1a: {  	v23 =	vunpack.c.0.s8.s32 v38;
	v24 =	vsel vm0, v26, v24;
	v26 =	vimm.s32 $0x76543210  }
0x1b: {  	v20 =	vcombine.low v35, v36;
	v32 =	vsel vm0, v32, v28;
	v30 =	vsel vm0, v30, v27  }
0x1c: {  	v26 =	vunpack.c.l.s4.s8 v26;
	v21 =	vcombine.low v37, v30;
	v30 =	vimm.s32 $0x87654321  }
0x1d: {  	s5 =	rddreg [dreg:$0x0];
	v22 =	vcombine.low v22, v32;
	v23 =	vsel vm0, v23, v29;
	v30 =	vunpack.c.l.s4.s8 v30  }
0x1e: {  	s6 =	rddreg [dreg:$0x1];
	v32 =	vunpack.c.l.s4.s8 v55;
	v23 =	vcombine.low v24, v23;
	v26 =	vunpack.c.0.s8.s32 v26  }
0x1f: {  	s4 =	rddreg [dreg:$0x2];
	v24 =	vsel vm0, v31, v33;
	v33 =	vunpack.c.l.s4.s8 v56;
	v30 =	vunpack.c.0.s8.s32 v30  }
0x20: {  	s7 =	rddreg [dreg:$0x3];
	v35 =	vunpack.c.l.s4.s8 v61;
	v32 =	vunpack.c.0.s8.s32 v32;
	v24 =	vcombine.low v24, v26  }
0x21: {  	s0 =	rddreg [dreg:$0x4];
	s1 =	simm.s32 $0x0;
	s2 =	srdreg.scid;
	v58 =	vunpack.c.0.s8.s32 v33;
	v26 =	vand.u32 $0xF, v30;
	v30 =	vunpack.c.l.s4.s8 v57  }
0x22: {  	s12 =	simm.s32 $0x600;
	s13 =	simm.s32 $0x8800;
	s14 =	simm.s32 $0x80;
	v33 =	vunpack.c.l.s4.s8 v59;
	v25 =	vcombine.low v25, v26;
	v26 =	vand.u32 $0xF, v32  }
0x23: {  	s15 =	simm.s32 $0x480;
	s16 =	simm.s32 $0x4800;
	s17 =	simm.s32 $0x680;
	v26 =	vcombine.low v34, v26;
	v30 =	vunpack.c.0.s8.s32 v30;
	v34 =	vunpack.c.l.s4.s8 v60  }
0x24: {  	s18 =	simm.s32 $0xC800;
	s19 =	simm.s32 $0x1;
	s20 =	simm.s32 $0x500;
	v16 =	vadd.s32 $0xF, v0;
	v35 =	vunpack.c.0.s8.s32 v35;
	v33 =	vunpack.c.0.s8.s32 v33  }
0x25: {  	s21 =	simm.s32 $0x700;
	s22 =	simm.s32 $0x580;
	s23 =	simm.s32 $0x780;
	v32 =	vand.u32 $0xF, v58;
	v30 =	vand.u32 $0xF, v30;
	v34 =	vunpack.c.0.s8.s32 v34  }
0x26: {  	s24 =	simm.s32 $0x10800;
	s25 =	simm.s32 $0x0;
	[smem:$0x7FF] =	sst s1;
	v33 =	vand.u32 $0xF, v33;
	v30 =	vsel vm15, v30, v31;
	v31 =	vimm.s32 $0xB0A0908  }
0x27: {  	s8 =	sand.u32 $0x1, s2;
	s3 =	sadd.s32 $0xF42800, s4;
	s4 =	sadd.s32 $0x1313200, s4;
	v33 =	vsel vm15, v33, v27;
	v31 =	vunpack.c.0.s8.s32 v31;
	v27 =	vand.u32 $0xF, v34  }
0x28: {  	s2 =	stileid.u32;
	_ =	strace $0x80000047;
	s9 =	ssub.s32 $0x2, s8;
	v34 =	vsel vm15, v27, v28;
	v27 =	vimm.s32 $0xC0B0A09;
	v28 =	vand.u32 $0xF, v35  }
0x29: {  	s11 =	sshll.u32 s2, $0x7;
	s8 =	sshll.u32 s8, $0x6;
	s10 =	sshrl.u32 s9, $0x1;
	v35 =	vsel vm15, v28, v29;
	v28 =	vimm.s32 $0xD0C0B0A;
	v29 =	vimm.s32 $0xE0D0C0B  }
0x2a: {  	s8 =	sor.u32 s8, s11;
	s11 =	simm.s32 $0x2;
	s9 =	ssub.s32 s9, s10;
	v62 =	vunpack.c.0.s8.s32 v27;
	v63 =	vunpack.c.0.s8.s32 v28;
	v39 =	vunpack.c.0.s8.s32 v29  }
0x2b: {  	s5 =	sadd.s32 s5, s8;
	s6 =	sadd.s32 s6, s8;
	s7 =	sadd.s32 s7, s8;
	v27 =	vcombine.low v36, v32;
	v28 =	vor.u32 $0x10, v0;
	v29 =	vsel vm1, v31, v30  }
0x2c: {  	s10 =	simm.s32 $0x800;
	s8 =	smax.u32 s9, $0x1;
	s9 =	simm.s32 $0x400;
	v30 =	vsel vm1, v62, v33;
	v31 =	vsel vm1, v63, v34;
	v32 =	vsel vm1, v39, v35  }
.LBB2_1:
0x2d: {  	[tilespmem:s1], [sflag:$0x2] =	stream.linear.gather [hbm4b:s5+s1], $0x200, $0x38;
	[tilespmem:$0x10A00] =	vst v63  }
0x2e: {  	_ =	swait.ge [sflag:s11], $0x200  }
0x2f: {  	[sflag:s11] =	ssyncset.done $0x0  }
0x30: {  	s26 =	simm.s32 $0x200;
	[sflag:s11] =	ssyncadd.s32 $0xFFFFFE00  }
0x31: {  	[tilespmem:s26], [sflag:$0x2] =	stream.linear.gather [hbm4b:s6+s1], $0x200, $0x38;
	[tilespmem:$0x10A00] =	vst v63  }
0x32: {  	_ =	swait.ge [sflag:s11], $0x200  }
0x33: {  	[sflag:s11] =	ssyncset.done $0x0  }
0x34: {  	[sflag:s11] =	ssyncadd.s32 $0xFFFFFE00  }
0x35: {  	v33 =	vld [tilespmem:$0x0]  }
0x36: {  	v34 =	vld [tilespmem:$0x200]  }
0x37: {  	v35 =	vld [tilespmem:$0x10]  }
0x38: {  	v36 =	vld [tilespmem:$0x210]  }
0x39: {  	v37 =	vld [tilespmem:$0x20]  }
0x3a: {  	v38 =	vld [tilespmem:$0x220];
	v33 =	vshra.s32 v33, $0x2  }
0x3b: {  	v47 =	vld [tilespmem:$0x30];
	v46 =	vshra.s32 v34, $0x2;
	[tilespmem:$0x400] =	vst v33  }
0x3c: {  	v49 =	vld [tilespmem:$0x230];
	v48 =	vshra.s32 v35, $0x2;
	[tilespmem:$0x600] =	vst v46  }
0x3d: {  	v51 =	vld [tilespmem:$0x40];
	v50 =	vshra.s32 v36, $0x2;
	[tilespmem:$0x410] =	vst v48  }
0x3e: {  	v53 =	vld [tilespmem:$0x240];
	v52 =	vshra.s32 v37, $0x2;
	[tilespmem:$0x610] =	vst v50  }
0x3f: {  	v55 =	vld [tilespmem:$0x50];
	v54 =	vshra.s32 v38, $0x2;
	[tilespmem:$0x420] =	vst v52  }
0x40: {  	v57 =	vld [tilespmem:$0x250];
	v56 =	vshra.s32 v47, $0x2;
	[tilespmem:$0x620] =	vst v54  }
0x41: {  	v59 =	vld [tilespmem:$0x60];
	v58 =	vshra.s32 v49, $0x2;
	[tilespmem:$0x430] =	vst v56  }
0x42: {  	v61 =	vld [tilespmem:$0x260];
	v60 =	vshra.s32 v51, $0x2;
	[tilespmem:$0x630] =	vst v58  }
0x43: {  	v63 =	vld [tilespmem:$0x70];
	v62 =	vshra.s32 v53, $0x2;
	[tilespmem:$0x440] =	vst v60  }
0x44: {  	v41 =	vld [tilespmem:$0x270];
	v40 =	vshra.s32 v55, $0x2;
	[tilespmem:$0x640] =	vst v62  }
0x45: {  	v43 =	vld [tilespmem:$0x80];
	v42 =	vshra.s32 v57, $0x2;
	[tilespmem:$0x450] =	vst v40  }
0x46: {  	v45 =	vld [tilespmem:$0x280];
	v44 =	vshra.s32 v59, $0x2;
	[tilespmem:$0x650] =	vst v42  }
0x47: {  	v47 =	vld [tilespmem:$0x90];
	[tilespmem:$0x460] =	vst v44;
	v46 =	vshra.s32 v61, $0x2  }
0x48: {  	v49 =	vld [tilespmem:$0x290];
	v48 =	vshra.s32 v63, $0x2;
	[tilespmem:$0x660] =	vst v46  }
0x49: {  	v51 =	vld [tilespmem:$0xA0];
	v50 =	vshra.s32 v41, $0x2;
	[tilespmem:$0x470] =	vst v48  }
0x4a: {  	v53 =	vld [tilespmem:$0x2A0];
	v52 =	vshra.s32 v43, $0x2;
	[tilespmem:$0x670] =	vst v50  }
0x4b: {  	v55 =	vld [tilespmem:$0xB0];
	v54 =	vshra.s32 v45, $0x2;
	[tilespmem:$0x480] =	vst v52  }
0x4c: {  	v57 =	vld [tilespmem:$0x2B0];
	[tilespmem:$0x680] =	vst v54;
	v56 =	vshra.s32 v47, $0x2  }
0x4d: {  	v59 =	vld [tilespmem:$0xC0];
	v58 =	vshra.s32 v49, $0x2;
	[tilespmem:$0x490] =	vst v56  }
0x4e: {  	v61 =	vld [tilespmem:$0x2C0];
	v60 =	vshra.s32 v51, $0x2;
	[tilespmem:$0x690] =	vst v58  }
0x4f: {  	v63 =	vld [tilespmem:$0xD0];
	v62 =	vshra.s32 v53, $0x2;
	[tilespmem:$0x4A0] =	vst v60  }
0x50: {  	v41 =	vld [tilespmem:$0x2D0];
	v40 =	vshra.s32 v55, $0x2;
	[tilespmem:$0x6A0] =	vst v62  }
0x51: {  	v43 =	vld [tilespmem:$0xE0];
	v42 =	vshra.s32 v57, $0x2;
	[tilespmem:$0x4B0] =	vst v40  }
0x52: {  	v45 =	vld [tilespmem:$0x2E0];
	v44 =	vshra.s32 v59, $0x2;
	[tilespmem:$0x6B0] =	vst v42  }
0x53: {  	v47 =	vld [tilespmem:$0xF0];
	[tilespmem:$0x4C0] =	vst v44;
	v46 =	vshra.s32 v61, $0x2  }
0x54: {  	v49 =	vld [tilespmem:$0x2F0];
	v48 =	vshra.s32 v63, $0x2;
	[tilespmem:$0x6C0] =	vst v46  }
0x55: {  	v51 =	vld [tilespmem:$0x100];
	v50 =	vshra.s32 v41, $0x2;
	[tilespmem:$0x4D0] =	vst v48  }
0x56: {  	v53 =	vld [tilespmem:$0x300];
	v52 =	vshra.s32 v43, $0x2;
	[tilespmem:$0x6D0] =	vst v50  }
0x57: {  	v55 =	vld [tilespmem:$0x110];
	v54 =	vshra.s32 v45, $0x2;
	[tilespmem:$0x4E0] =	vst v52  }
0x58: {  	v57 =	vld [tilespmem:$0x310];
	[tilespmem:$0x6E0] =	vst v54;
	v56 =	vshra.s32 v47, $0x2  }
0x59: {  	v59 =	vld [tilespmem:$0x120];
	v58 =	vshra.s32 v49, $0x2;
	[tilespmem:$0x4F0] =	vst v56  }
0x5a: {  	v61 =	vld [tilespmem:$0x320];
	v60 =	vshra.s32 v51, $0x2;
	[tilespmem:$0x6F0] =	vst v58  }
0x5b: {  	v63 =	vld [tilespmem:$0x130];
	v62 =	vshra.s32 v53, $0x2;
	[tilespmem:$0x500] =	vst v60  }
0x5c: {  	v41 =	vld [tilespmem:$0x330];
	v40 =	vshra.s32 v55, $0x2;
	[tilespmem:$0x700] =	vst v62  }
0x5d: {  	v43 =	vld [tilespmem:$0x140];
	v42 =	vshra.s32 v57, $0x2;
	[tilespmem:$0x510] =	vst v40  }
0x5e: {  	v45 =	vld [tilespmem:$0x340];
	v44 =	vshra.s32 v59, $0x2;
	[tilespmem:$0x710] =	vst v42  }
0x5f: {  	v47 =	vld [tilespmem:$0x150];
	[tilespmem:$0x520] =	vst v44;
	v46 =	vshra.s32 v61, $0x2  }
0x60: {  	v49 =	vld [tilespmem:$0x350];
	v48 =	vshra.s32 v63, $0x2;
	[tilespmem:$0x720] =	vst v46  }
0x61: {  	v51 =	vld [tilespmem:$0x160];
	v50 =	vshra.s32 v41, $0x2;
	[tilespmem:$0x530] =	vst v48  }
0x62: {  	v53 =	vld [tilespmem:$0x360];
	v52 =	vshra.s32 v43, $0x2;
	[tilespmem:$0x730] =	vst v50  }
0x63: {  	v55 =	vld [tilespmem:$0x170];
	v54 =	vshra.s32 v45, $0x2;
	[tilespmem:$0x540] =	vst v52  }
0x64: {  	v57 =	vld [tilespmem:$0x370];
	[tilespmem:$0x740] =	vst v54;
	v56 =	vshra.s32 v47, $0x2  }
0x65: {  	v59 =	vld [tilespmem:$0x180];
	v58 =	vshra.s32 v49, $0x2;
	[tilespmem:$0x550] =	vst v56  }
0x66: {  	v61 =	vld [tilespmem:$0x380];
	v60 =	vshra.s32 v51, $0x2;
	[tilespmem:$0x750] =	vst v58  }
0x67: {  	v63 =	vld [tilespmem:$0x190];
	v62 =	vshra.s32 v53, $0x2;
	[tilespmem:$0x560] =	vst v60  }
0x68: {  	v41 =	vld [tilespmem:$0x390];
	v40 =	vshra.s32 v55, $0x2;
	[tilespmem:$0x760] =	vst v62  }
0x69: {  	v43 =	vld [tilespmem:$0x1A0];
	v42 =	vshra.s32 v57, $0x2;
	[tilespmem:$0x570] =	vst v40  }
0x6a: {  	v45 =	vld [tilespmem:$0x3A0];
	v44 =	vshra.s32 v59, $0x2;
	[tilespmem:$0x770] =	vst v42  }
0x6b: {  	v47 =	vld [tilespmem:$0x1B0];
	[tilespmem:$0x580] =	vst v44;
	v46 =	vshra.s32 v61, $0x2  }
0x6c: {  	v49 =	vld [tilespmem:$0x3B0];
	v48 =	vshra.s32 v63, $0x2;
	[tilespmem:$0x780] =	vst v46  }
0x6d: {  	v51 =	vld [tilespmem:$0x1C0];
	v50 =	vshra.s32 v41, $0x2;
	[tilespmem:$0x590] =	vst v48  }
0x6e: {  	v53 =	vld [tilespmem:$0x3C0];
	v52 =	vshra.s32 v43, $0x2;
	[tilespmem:$0x790] =	vst v50  }
0x6f: {  	v55 =	vld [tilespmem:$0x1D0];
	v54 =	vshra.s32 v45, $0x2;
	[tilespmem:$0x5A0] =	vst v52  }
0x70: {  	v57 =	vld [tilespmem:$0x3D0];
	[tilespmem:$0x7A0] =	vst v54;
	v56 =	vshra.s32 v47, $0x2  }
0x71: {  	v59 =	vld [tilespmem:$0x1E0];
	v58 =	vshra.s32 v49, $0x2;
	[tilespmem:$0x5B0] =	vst v56  }
0x72: {  	v61 =	vld [tilespmem:$0x3E0];
	v60 =	vshra.s32 v51, $0x2;
	[tilespmem:$0x7B0] =	vst v58  }
0x73: {  	v63 =	vld [tilespmem:$0x1F0];
	v62 =	vshra.s32 v53, $0x2;
	[tilespmem:$0x5C0] =	vst v60  }
0x74: {  	v41 =	vld [tilespmem:$0x3F0];
	v40 =	vshra.s32 v55, $0x2;
	[tilespmem:$0x7C0] =	vst v62  }
0x75: {  	v42 =	vshra.s32 v57, $0x2;
	[tilespmem:$0x5D0] =	vst v40  }
0x76: {  	v43 =	vshra.s32 v59, $0x2;
	[tilespmem:$0x7D0] =	vst v42  }
0x77: {  	[tilespmem:$0x5E0] =	vst v43;
	v44 =	vshra.s32 v61, $0x2  }
0x78: {  	v45 =	vshra.s32 v63, $0x2;
	[tilespmem:$0x7E0] =	vst v44  }
0x79: {  	v46 =	vshra.s32 v41, $0x2;
	[tilespmem:$0x5F0] =	vst v45  }
0x7a: {  	[tilespmem:$0x7F0] =	vst v46  }
0x7b: {  	[tilespmem:s10], [sflag:$0x1] =	stream.indirect.gather [hbm4b:s3+s14], $0x80, s9, s14, $0xb8;
	[tilespmem:$0x10A00] =	vst v63  }
0x7c: {  	_ = 	snop  }
0x7d: {  	[tilespmem:s13], [sflag:$0x1] =	stream.indirect.gather [hbm4b:s4+s14], $0x80, s12, s14, $0xb8;
	[tilespmem:$0x10A00] =	vst v63  }
0x7e: {  	_ = 	snop  }
0x7f: {  	[tilespmem:s16], [sflag:$0x1] =	stream.indirect.gather [hbm4b:s3+s14], $0x80, s15, s14, $0xb8;
	[tilespmem:$0x10A00] =	vst v63  }
0x80: {  	_ = 	snop  }
0x81: {  	[tilespmem:s18], [sflag:$0x1] =	stream.indirect.gather [hbm4b:s4+s14], $0x80, s17, s14, $0xb8;
	[tilespmem:$0x10A00] =	vst v63  }
0x82: {  	_ =	swait.ge [sflag:s19], $0x4000  }
0x83: {  	[sflag:s19] =	ssyncset.done $0x0  }
0x84: {  	[sflag:s19] =	ssyncadd.s32 $0xFFFFC000  }
0x85: {  	_ =	swait.ge [sflag:s19], $0x4000  }
0x86: {  	[sflag:s19] =	ssyncset.done $0x0  }
0x87: {  	[sflag:s19] =	ssyncadd.s32 $0xFFFFC000  }
0x88: {  	_ =	swait.ge [sflag:s19], $0x4000  }
0x89: {  	[sflag:s19] =	ssyncset.done $0x0  }
0x8a: {  	[sflag:s19] =	ssyncadd.s32 $0xFFFFC000  }
0x8b: {  	_ =	swait.ge [sflag:s19], $0x4000  }
0x8c: {  	[sflag:s19] =	ssyncset.done $0x0  }
0x8d: {  	[sflag:s19] =	ssyncadd.s32 $0xFFFFC000  }
0x8e: {  	v47 =	vld [tilespmem:s1+$0x0];
	_ =	sdelay $0x1  }
0x8f: {  	v48 =	vld [tilespmem:s26+$0x0];
	_ =	sdelay $0x1  }
0x90: {  	v49 =	vmov s1  }
0x91: {  	v35 =	vshll.u32 v49, $0x7;
	v33 =	vshll.u32 v47, $0x5  }
0x92: {  	v35 =	vor.u32 v1, v35;
	v33 =	vand.u32 $0x60, v33  }
0x93: {  	v34 =	vshll.u32 v48, $0x5;
	v33 =	vor.u32 v35, v33  }
0x94: {  	v34 =	vand.u32 $0x60, v34;
	v50 =	vor.u32 v0, v33  }
0x95: {  	v34 =	vor.u32 v35, v34;
	v51 =	vor.u32 v2, v33  }
0x96: {  	v52 =	vor.u32 v0, v34  }
0x97: {  	v53 =	vor.u32 v2, v34  }
0x98: {  	v39 =	vor.u32 v3, v33  }
0x99: {  	v40 =	vor.u32 v3, v34;
	v36 =	vld.idx.msk [tilespmem:v50+s10+$0x0], $0xffff  }
0x9a: {  	v41 =	vor.u32 v4, v33;
	v35 =	vld.idx.msk [tilespmem:v51+s10+$0x0], $0xffff  }
0x9b: {  	v42 =	vor.u32 v4, v34;
	v37 =	vld.idx.msk [tilespmem:v52+s13+$0x0], $0xffff  }
0x9c: {  	v43 =	vor.u32 v5, v33;
	v38 =	vld.idx.msk [tilespmem:v53+s13+$0x0], $0xffff  }
0x9d: {  	v44 =	vor.u32 v5, v34;
	v39 =	vld.idx.msk [tilespmem:v39+s10+$0x0], $0xffff  }
0x9e: {  	v45 =	vor.u32 v6, v33;
	v40 =	vld.idx.msk [tilespmem:v40+s13+$0x0], $0xffff  }
0x9f: {  	v46 =	vor.u32 v6, v34;
	v41 =	vld.idx.msk [tilespmem:v41+s10+$0x0], $0xffff  }
0xa0: {  	v47 =	vor.u32 v7, v33;
	v42 =	vld.idx.msk [tilespmem:v42+s13+$0x0], $0xffff  }
0xa1: {  	v48 =	vor.u32 v7, v34;
	v43 =	vld.idx.msk [tilespmem:v43+s10+$0x0], $0xffff;
	v36 =	vmul.f32 v37, v36;
	v35 =	vmul.f32 v38, v35  }
0xa2: {  	v55 =	vor.u32 v8, v33;
	v54 =	vld.idx.msk [tilespmem:v44+s13+$0x0], $0xffff  }
0xa3: {  	v56 =	vor.u32 v8, v34;
	v44 =	vld.idx.msk [tilespmem:v45+s10+$0x0], $0xffff;
	v57 =	vmul.f32 v40, v39;
	v35 =	vadd.f32 v35, v36  }
0xa4: {  	v59 =	vor.u32 v9, v33;
	v58 =	vld.idx.msk [tilespmem:v46+s13+$0x0], $0xffff  }
0xa5: {  	v60 =	vor.u32 v9, v34;
	v46 =	vld.idx.msk [tilespmem:v47+s10+$0x0], $0xffff;
	v61 =	vmul.f32 v42, v41;
	v35 =	vadd.f32 v57, v35  }
0xa6: {  	v63 =	vor.u32 v10, v33;
	v62 =	vld.idx.msk [tilespmem:v48+s13+$0x0], $0xffff  }
0xa7: {  	v52 =	vor.u32 v10, v34;
	v38 =	vld.idx.msk [tilespmem:v55+s10+$0x0], $0xffff;
	v53 =	vmul.f32 v54, v43;
	v35 =	vadd.f32 v61, v35  }
0xa8: {  	v54 =	vld.idx.msk [tilespmem:v56+s13+$0x0], $0xffff;
	v55 =	vor.u32 v11, v33  }
0xa9: {  	v40 =	vld.idx.msk [tilespmem:v59+s10+$0x0], $0xffff;
	v56 =	vor.u32 v11, v34;
	v57 =	vmul.f32 v58, v44;
	v35 =	vadd.f32 v53, v35  }
0xaa: {  	v59 =	vor.u32 v12, v33;
	v58 =	vld.idx.msk [tilespmem:v60+s13+$0x0], $0xffff  }
0xab: {  	v42 =	vld.idx.msk [tilespmem:v63+s10+$0x0], $0xffff;
	v60 =	vor.u32 v12, v34;
	v61 =	vmul.f32 v62, v46;
	v35 =	vadd.f32 v57, v35  }
0xac: {  	v63 =	vor.u32 v13, v33;
	v62 =	vld.idx.msk [tilespmem:v52+s13+$0x0], $0xffff  }
0xad: {  	v43 =	vld.idx.msk [tilespmem:v55+s10+$0x0], $0xffff;
	v52 =	vor.u32 v13, v34;
	v53 =	vmul.f32 v54, v38;
	v35 =	vadd.f32 v61, v35  }
0xae: {  	v55 =	vor.u32 v14, v33;
	v54 =	vld.idx.msk [tilespmem:v56+s13+$0x0], $0xffff  }
0xaf: {  	v44 =	vld.idx.msk [tilespmem:v59+s10+$0x0], $0xffff;
	v56 =	vor.u32 v14, v34;
	v57 =	vmul.f32 v58, v40;
	v35 =	vadd.f32 v53, v35  }
0xb0: {  	v59 =	vor.u32 v15, v33;
	v58 =	vld.idx.msk [tilespmem:v60+s13+$0x0], $0xffff  }
0xb1: {  	v46 =	vld.idx.msk [tilespmem:v63+s10+$0x0], $0xffff;
	v60 =	vor.u32 v15, v34;
	v61 =	vmul.f32 v62, v42;
	v35 =	vadd.f32 v57, v35  }
0xb2: {  	v63 =	vor.u32 v16, v33;
	v62 =	vld.idx.msk [tilespmem:v52+s13+$0x0], $0xffff  }
0xb3: {  	v38 =	vld.idx.msk [tilespmem:v55+s10+$0x0], $0xffff;
	v52 =	vor.u32 v16, v34;
	v53 =	vmul.f32 v54, v43;
	v35 =	vadd.f32 v61, v35  }
0xb4: {  	v55 =	vor.u32 v28, v33;
	v54 =	vld.idx.msk [tilespmem:v56+s13+$0x0], $0xffff  }
0xb5: {  	v40 =	vld.idx.msk [tilespmem:v59+s10+$0x0], $0xffff;
	v56 =	vor.u32 v28, v34;
	v57 =	vmul.f32 v58, v44;
	v35 =	vadd.f32 v53, v35  }
0xb6: {  	v59 =	vor.u32 v17, v33;
	v58 =	vld.idx.msk [tilespmem:v60+s13+$0x0], $0xffff  }
0xb7: {  	v42 =	vld.idx.msk [tilespmem:v63+s10+$0x0], $0xffff;
	v60 =	vor.u32 v17, v34;
	v61 =	vmul.f32 v62, v46;
	v35 =	vadd.f32 v57, v35  }
0xb8: {  	v63 =	vor.u32 v19, v33;
	v62 =	vld.idx.msk [tilespmem:v52+s13+$0x0], $0xffff  }
0xb9: {  	v43 =	vld.idx.msk [tilespmem:v55+s10+$0x0], $0xffff;
	v52 =	vor.u32 v19, v34;
	v53 =	vmul.f32 v54, v38;
	v35 =	vadd.f32 v61, v35  }
0xba: {  	v55 =	vor.u32 v20, v33;
	v54 =	vld.idx.msk [tilespmem:v56+s13+$0x0], $0xffff  }
0xbb: {  	v44 =	vld.idx.msk [tilespmem:v59+s10+$0x0], $0xffff;
	v56 =	vor.u32 v20, v34;
	v57 =	vmul.f32 v58, v40;
	v35 =	vadd.f32 v53, v35  }
0xbc: {  	v59 =	vor.u32 v18, v33;
	v58 =	vld.idx.msk [tilespmem:v60+s13+$0x0], $0xffff  }
0xbd: {  	v46 =	vld.idx.msk [tilespmem:v63+s10+$0x0], $0xffff;
	v60 =	vor.u32 v18, v34;
	v61 =	vmul.f32 v62, v42;
	v35 =	vadd.f32 v57, v35  }
0xbe: {  	v63 =	vor.u32 v21, v33;
	v62 =	vld.idx.msk [tilespmem:v52+s13+$0x0], $0xffff  }
0xbf: {  	v38 =	vld.idx.msk [tilespmem:v55+s10+$0x0], $0xffff;
	v52 =	vor.u32 v21, v34;
	v53 =	vmul.f32 v54, v43;
	v35 =	vadd.f32 v61, v35  }
0xc0: {  	v55 =	vor.u32 v22, v33;
	v54 =	vld.idx.msk [tilespmem:v56+s13+$0x0], $0xffff  }
0xc1: {  	v40 =	vld.idx.msk [tilespmem:v59+s10+$0x0], $0xffff;
	v56 =	vor.u32 v22, v34;
	v57 =	vmul.f32 v58, v44;
	v35 =	vadd.f32 v53, v35  }
0xc2: {  	v59 =	vor.u32 v23, v33;
	v58 =	vld.idx.msk [tilespmem:v60+s13+$0x0], $0xffff  }
0xc3: {  	v42 =	vld.idx.msk [tilespmem:v63+s10+$0x0], $0xffff;
	v60 =	vor.u32 v23, v34;
	v61 =	vmul.f32 v62, v46;
	v35 =	vadd.f32 v57, v35  }
0xc4: {  	v63 =	vor.u32 v24, v33;
	v62 =	vld.idx.msk [tilespmem:v52+s13+$0x0], $0xffff  }
0xc5: {  	v43 =	vld.idx.msk [tilespmem:v55+s10+$0x0], $0xffff;
	v52 =	vor.u32 v24, v34;
	v53 =	vmul.f32 v54, v38;
	v35 =	vadd.f32 v61, v35  }
0xc6: {  	v55 =	vor.u32 v25, v33;
	v54 =	vld.idx.msk [tilespmem:v56+s13+$0x0], $0xffff  }
0xc7: {  	v44 =	vld.idx.msk [tilespmem:v59+s10+$0x0], $0xffff;
	v56 =	vor.u32 v25, v34;
	v57 =	vmul.f32 v58, v40;
	v35 =	vadd.f32 v53, v35  }
0xc8: {  	v59 =	vor.u32 v26, v33;
	v58 =	vld.idx.msk [tilespmem:v60+s13+$0x0], $0xffff  }
0xc9: {  	v46 =	vld.idx.msk [tilespmem:v63+s10+$0x0], $0xffff;
	v60 =	vor.u32 v26, v34;
	v61 =	vmul.f32 v62, v42;
	v35 =	vadd.f32 v57, v35  }
0xca: {  	v63 =	vor.u32 v27, v33;
	v62 =	vld.idx.msk [tilespmem:v52+s13+$0x0], $0xffff  }
0xcb: {  	v38 =	vld.idx.msk [tilespmem:v55+s10+$0x0], $0xffff;
	v52 =	vor.u32 v27, v34;
	v53 =	vmul.f32 v54, v43;
	v35 =	vadd.f32 v61, v35  }
0xcc: {  	v55 =	vor.u32 v29, v33;
	v54 =	vld.idx.msk [tilespmem:v56+s13+$0x0], $0xffff  }
0xcd: {  	v40 =	vld.idx.msk [tilespmem:v59+s10+$0x0], $0xffff;
	v56 =	vor.u32 v29, v34;
	v57 =	vmul.f32 v58, v44;
	v35 =	vadd.f32 v53, v35  }
0xce: {  	v59 =	vor.u32 v30, v33;
	v58 =	vld.idx.msk [tilespmem:v60+s13+$0x0], $0xffff  }
0xcf: {  	v42 =	vld.idx.msk [tilespmem:v63+s10+$0x0], $0xffff;
	v60 =	vor.u32 v30, v34;
	v61 =	vmul.f32 v62, v46;
	v35 =	vadd.f32 v57, v35  }
0xd0: {  	v63 =	vor.u32 v31, v33;
	v62 =	vld.idx.msk [tilespmem:v52+s13+$0x0], $0xffff  }
0xd1: {  	v43 =	vld.idx.msk [tilespmem:v55+s10+$0x0], $0xffff;
	v52 =	vor.u32 v31, v34;
	v53 =	vmul.f32 v54, v38;
	v35 =	vadd.f32 v61, v35  }
0xd2: {  	v33 =	vor.u32 v32, v33;
	v54 =	vld.idx.msk [tilespmem:v56+s13+$0x0], $0xffff  }
0xd3: {  	v55 =	vld.idx.msk [tilespmem:v59+s10+$0x0], $0xffff;
	v34 =	vor.u32 v32, v34;
	v56 =	vmul.f32 v58, v40;
	v35 =	vadd.f32 v53, v35  }
0xd4: {  	v57 =	vld.idx.msk [tilespmem:v60+s13+$0x0], $0xffff  }
0xd5: {  	v58 =	vld.idx.msk [tilespmem:v63+s10+$0x0], $0xffff;
	v59 =	vmul.f32 v62, v42;
	v35 =	vadd.f32 v56, v35  }
0xd6: {  	v60 =	vld.idx.msk [tilespmem:v52+s13+$0x0], $0xffff  }
0xd7: {  	v33 =	vld.idx.msk [tilespmem:v33+s10+$0x0], $0xffff;
	v61 =	vmul.f32 v54, v43;
	v35 =	vadd.f32 v59, v35  }
0xd8: {  	v34 =	vld.idx.msk [tilespmem:v34+s13+$0x0], $0xffff  }
0xd9: {  	v62 =	vmul.f32 v57, v55;
	v35 =	vadd.f32 v61, v35;
	_ =	sdelay $0x1  }
0xda: {  	v63 =	vmul.f32 v60, v58;
	v35 =	vadd.f32 v62, v35;
	_ =	sdelay $0x1  }
0xdb: {  	v33 =	vmul.f32 v34, v33;
	v35 =	vadd.f32 v63, v35;
	_ =	sdelay $0x1  }
0xdc: {  	v33 =	vadd.f32 v33, v35;
	_ =	sdelay $0x1  }
0xdd: {  	s28 =	simm.s32 $0x10;
	[tilespmem:s24+$0x0] =	vst v33  }
0xde: {  	v34 =	vld [tilespmem:s28+$0x0]  }
0xdf: {  	s29 =	simm.s32 $0x210  }
0xe0: {  	v33 =	vld [tilespmem:s29+$0x0]  }
0xe1: {  	s30 =	simm.s32 $0x20;
	s31 =	simm.s32 $0x10;
	s26 =	simm.s32 $0x10800  }
.LBB2_2:
0xe2: {  	p0 =	sne.s32 s30, $0xF0;
	v35 =	vmov s28;
	s28 =	smov.u32 s30  }
0xe3: {  	v35 =	vshll.u32 v35, $0x7;
	v34 =	vshll.u32 v34, $0x5  }
0xe4: {  	v34 =	vand.u32 $0x60, v34;
	v35 =	vor.u32 v1, v35  }
0xe5: {  	v36 =	vshll.u32 v33, $0x5;
	v33 =	vor.u32 v35, v34  }
0xe6: {  	v34 =	vand.u32 $0x60, v36;
	v36 =	vor.u32 v0, v33  }
0xe7: {  	v34 =	vor.u32 v35, v34;
	v35 =	vor.u32 v2, v33  }
0xe8: {  	v37 =	vor.u32 v0, v34  }
0xe9: {  	v38 =	vor.u32 v2, v34  }
0xea: {  	v39 =	vor.u32 v3, v33  }
0xeb: {  	v40 =	vor.u32 v3, v34;
	v36 =	vld.idx.msk [tilespmem:v36+s10+$0x0], $0xffff  }
0xec: {  	v41 =	vor.u32 v4, v33;
	v35 =	vld.idx.msk [tilespmem:v35+s10+$0x0], $0xffff  }
0xed: {  	v42 =	vor.u32 v4, v34;
	v37 =	vld.idx.msk [tilespmem:v37+s13+$0x0], $0xffff  }
0xee: {  	v43 =	vor.u32 v5, v33;
	v38 =	vld.idx.msk [tilespmem:v38+s13+$0x0], $0xffff  }
0xef: {  	v44 =	vor.u32 v5, v34;
	v39 =	vld.idx.msk [tilespmem:v39+s10+$0x0], $0xffff  }
0xf0: {  	v45 =	vor.u32 v6, v33;
	v40 =	vld.idx.msk [tilespmem:v40+s13+$0x0], $0xffff  }
0xf1: {  	v46 =	vor.u32 v6, v34;
	v41 =	vld.idx.msk [tilespmem:v41+s10+$0x0], $0xffff  }
0xf2: {  	v47 =	vor.u32 v7, v33;
	v42 =	vld.idx.msk [tilespmem:v42+s13+$0x0], $0xffff  }
0xf3: {  	v48 =	vor.u32 v7, v34;
	v43 =	vld.idx.msk [tilespmem:v43+s10+$0x0], $0xffff  }
0xf4: {  	v36 =	vmul.f32 v37, v36;
	v35 =	vmul.f32 v38, v35;
	v38 =	vor.u32 v8, v33;
	v37 =	vld.idx.msk [tilespmem:v44+s13+$0x0], $0xffff  }
0xf5: {  	v44 =	vld.idx.msk [tilespmem:v45+s10+$0x0], $0xffff;
	v45 =	vor.u32 v8, v34  }
0xf6: {  	v35 =	vadd.f32 v35, v36;
	v36 =	vmul.f32 v40, v39;
	v40 =	vor.u32 v9, v33;
	v39 =	vld.idx.msk [tilespmem:v46+s13+$0x0], $0xffff  }
0xf7: {  	v46 =	vld.idx.msk [tilespmem:v47+s10+$0x0], $0xffff;
	v47 =	vor.u32 v9, v34  }
0xf8: {  	v35 =	vadd.f32 v36, v35;
	v36 =	vmul.f32 v42, v41;
	v42 =	vor.u32 v10, v33;
	v41 =	vld.idx.msk [tilespmem:v48+s13+$0x0], $0xffff  }
0xf9: {  	v48 =	vor.u32 v10, v34;
	v38 =	vld.idx.msk [tilespmem:v38+s10+$0x0], $0xffff  }
0xfa: {  	v35 =	vadd.f32 v36, v35;
	v36 =	vmul.f32 v37, v43;
	v43 =	vor.u32 v11, v33;
	v37 =	vld.idx.msk [tilespmem:v45+s13+$0x0], $0xffff  }
0xfb: {  	v45 =	vor.u32 v11, v34;
	v40 =	vld.idx.msk [tilespmem:v40+s10+$0x0], $0xffff  }
0xfc: {  	v35 =	vadd.f32 v36, v35;
	v36 =	vmul.f32 v39, v44;
	v44 =	vor.u32 v12, v33;
	v39 =	vld.idx.msk [tilespmem:v47+s13+$0x0], $0xffff  }
0xfd: {  	v47 =	vor.u32 v12, v34;
	v42 =	vld.idx.msk [tilespmem:v42+s10+$0x0], $0xffff  }
0xfe: {  	v35 =	vadd.f32 v36, v35;
	v36 =	vmul.f32 v41, v46;
	v46 =	vor.u32 v13, v33;
	v41 =	vld.idx.msk [tilespmem:v48+s13+$0x0], $0xffff  }
0xff: {  	v48 =	vor.u32 v13, v34;
	v43 =	vld.idx.msk [tilespmem:v43+s10+$0x0], $0xffff  }
0x100: {  	v35 =	vadd.f32 v36, v35;
	v36 =	vmul.f32 v37, v38;
	v38 =	vor.u32 v14, v33;
	v37 =	vld.idx.msk [tilespmem:v45+s13+$0x0], $0xffff  }
0x101: {  	v45 =	vor.u32 v14, v34;
	v44 =	vld.idx.msk [tilespmem:v44+s10+$0x0], $0xffff  }
0x102: {  	v35 =	vadd.f32 v36, v35;
	v36 =	vmul.f32 v39, v40;
	v40 =	vor.u32 v15, v33;
	v39 =	vld.idx.msk [tilespmem:v47+s13+$0x0], $0xffff  }
0x103: {  	v47 =	vor.u32 v15, v34;
	v46 =	vld.idx.msk [tilespmem:v46+s10+$0x0], $0xffff  }
0x104: {  	v35 =	vadd.f32 v36, v35;
	v36 =	vmul.f32 v41, v42;
	v42 =	vor.u32 v16, v33;
	v41 =	vld.idx.msk [tilespmem:v48+s13+$0x0], $0xffff  }
0x105: {  	v48 =	vor.u32 v16, v34;
	v38 =	vld.idx.msk [tilespmem:v38+s10+$0x0], $0xffff  }
0x106: {  	v35 =	vadd.f32 v36, v35;
	v36 =	vmul.f32 v37, v43;
	v43 =	vor.u32 v28, v33;
	v37 =	vld.idx.msk [tilespmem:v45+s13+$0x0], $0xffff  }
0x107: {  	v45 =	vor.u32 v28, v34;
	v40 =	vld.idx.msk [tilespmem:v40+s10+$0x0], $0xffff  }
0x108: {  	v35 =	vadd.f32 v36, v35;
	v36 =	vmul.f32 v39, v44;
	v44 =	vor.u32 v17, v33;
	v39 =	vld.idx.msk [tilespmem:v47+s13+$0x0], $0xffff  }
0x109: {  	v47 =	vor.u32 v17, v34;
	v42 =	vld.idx.msk [tilespmem:v42+s10+$0x0], $0xffff  }
0x10a: {  	v35 =	vadd.f32 v36, v35;
	v36 =	vmul.f32 v41, v46;
	v46 =	vor.u32 v19, v33;
	v41 =	vld.idx.msk [tilespmem:v48+s13+$0x0], $0xffff  }
0x10b: {  	v48 =	vor.u32 v19, v34;
	v43 =	vld.idx.msk [tilespmem:v43+s10+$0x0], $0xffff  }
0x10c: {  	v35 =	vadd.f32 v36, v35;
	v36 =	vmul.f32 v37, v38;
	v38 =	vor.u32 v20, v33;
	v37 =	vld.idx.msk [tilespmem:v45+s13+$0x0], $0xffff  }
0x10d: {  	v45 =	vor.u32 v20, v34;
	v44 =	vld.idx.msk [tilespmem:v44+s10+$0x0], $0xffff  }
0x10e: {  	v35 =	vadd.f32 v36, v35;
	v36 =	vmul.f32 v39, v40;
	v40 =	vor.u32 v18, v33;
	v39 =	vld.idx.msk [tilespmem:v47+s13+$0x0], $0xffff  }
0x10f: {  	v47 =	vor.u32 v18, v34;
	v46 =	vld.idx.msk [tilespmem:v46+s10+$0x0], $0xffff  }
0x110: {  	v35 =	vadd.f32 v36, v35;
	v36 =	vmul.f32 v41, v42;
	v42 =	vor.u32 v21, v33;
	v41 =	vld.idx.msk [tilespmem:v48+s13+$0x0], $0xffff  }
0x111: {  	v48 =	vor.u32 v21, v34;
	v38 =	vld.idx.msk [tilespmem:v38+s10+$0x0], $0xffff  }
0x112: {  	v35 =	vadd.f32 v36, v35;
	v36 =	vmul.f32 v37, v43;
	v43 =	vor.u32 v22, v33;
	v37 =	vld.idx.msk [tilespmem:v45+s13+$0x0], $0xffff  }
0x113: {  	v45 =	vor.u32 v22, v34;
	v40 =	vld.idx.msk [tilespmem:v40+s10+$0x0], $0xffff  }
0x114: {  	v35 =	vadd.f32 v36, v35;
	v36 =	vmul.f32 v39, v44;
	v44 =	vor.u32 v23, v33;
	v39 =	vld.idx.msk [tilespmem:v47+s13+$0x0], $0xffff  }
0x115: {  	v47 =	vor.u32 v23, v34;
	v42 =	vld.idx.msk [tilespmem:v42+s10+$0x0], $0xffff  }
0x116: {  	v35 =	vadd.f32 v36, v35;
	v36 =	vmul.f32 v41, v46;
	v46 =	vor.u32 v24, v33;
	v41 =	vld.idx.msk [tilespmem:v48+s13+$0x0], $0xffff  }
0x117: {  	v48 =	vor.u32 v24, v34;
	v43 =	vld.idx.msk [tilespmem:v43+s10+$0x0], $0xffff  }
0x118: {  	v35 =	vadd.f32 v36, v35;
	v36 =	vmul.f32 v37, v38;
	v38 =	vor.u32 v25, v33;
	v37 =	vld.idx.msk [tilespmem:v45+s13+$0x0], $0xffff  }
0x119: {  	v45 =	vor.u32 v25, v34;
	v44 =	vld.idx.msk [tilespmem:v44+s10+$0x0], $0xffff  }
0x11a: {  	v35 =	vadd.f32 v36, v35;
	v36 =	vmul.f32 v39, v40;
	v40 =	vor.u32 v26, v33;
	v39 =	vld.idx.msk [tilespmem:v47+s13+$0x0], $0xffff  }
0x11b: {  	v47 =	vor.u32 v26, v34;
	v46 =	vld.idx.msk [tilespmem:v46+s10+$0x0], $0xffff  }
0x11c: {  	v35 =	vadd.f32 v36, v35;
	v36 =	vmul.f32 v41, v42;
	v42 =	vor.u32 v27, v33;
	v41 =	vld.idx.msk [tilespmem:v48+s13+$0x0], $0xffff  }
0x11d: {  	v48 =	vor.u32 v27, v34;
	v38 =	vld.idx.msk [tilespmem:v38+s10+$0x0], $0xffff  }
0x11e: {  	v35 =	vadd.f32 v36, v35;
	v36 =	vmul.f32 v37, v43;
	v43 =	vor.u32 v29, v33;
	v37 =	vld.idx.msk [tilespmem:v45+s13+$0x0], $0xffff  }
0x11f: {  	v45 =	vor.u32 v29, v34;
	v40 =	vld.idx.msk [tilespmem:v40+s10+$0x0], $0xffff  }
0x120: {  	v35 =	vadd.f32 v36, v35;
	v36 =	vmul.f32 v39, v44;
	v44 =	vor.u32 v30, v33;
	v39 =	vld.idx.msk [tilespmem:v47+s13+$0x0], $0xffff  }
0x121: {  	v47 =	vor.u32 v30, v34;
	v42 =	vld.idx.msk [tilespmem:v42+s10+$0x0], $0xffff  }
0x122: {  	v35 =	vadd.f32 v36, v35;
	v36 =	vmul.f32 v41, v46;
	v46 =	vor.u32 v31, v33;
	v41 =	vld.idx.msk [tilespmem:v48+s13+$0x0], $0xffff  }
0x123: {  	v48 =	vor.u32 v31, v34;
	v43 =	vld.idx.msk [tilespmem:v43+s10+$0x0], $0xffff  }
0x124: {  	v33 =	vor.u32 v32, v33;
	v35 =	vadd.f32 v36, v35;
	v36 =	vmul.f32 v37, v38;
	v37 =	vld.idx.msk [tilespmem:v45+s13+$0x0], $0xffff  }
0x125: {  	v34 =	vor.u32 v32, v34;
	v38 =	vld.idx.msk [tilespmem:v44+s10+$0x0], $0xffff  }
0x126: {  	v35 =	vadd.f32 v36, v35;
	v36 =	vmul.f32 v39, v40;
	v39 =	vld.idx.msk [tilespmem:v47+s13+$0x0], $0xffff  }
0x127: {  	v40 =	vld.idx.msk [tilespmem:v46+s10+$0x0], $0xffff  }
0x128: {  	v35 =	vadd.f32 v36, v35;
	v36 =	vmul.f32 v41, v42;
	v41 =	vld.idx.msk [tilespmem:v48+s13+$0x0], $0xffff  }
0x129: {  	v33 =	vld.idx.msk [tilespmem:v33+s10+$0x0], $0xffff  }
0x12a: {  	v35 =	vadd.f32 v36, v35;
	v36 =	vmul.f32 v37, v43;
	v34 =	vld.idx.msk [tilespmem:v34+s13+$0x0], $0xffff;
	_ =	sdelay $0x1  }
0x12b: {  	v35 =	vadd.f32 v36, v35;
	v36 =	vmul.f32 v39, v38;
	_ =	sdelay $0x1  }
0x12c: {  	v35 =	vadd.f32 v36, v35;
	v36 =	vmul.f32 v41, v40;
	_ =	sdelay $0x1  }
0x12d: {  	v35 =	vadd.f32 v36, v35;
	v33 =	vmul.f32 v34, v33;
	_ =	sdelay $0x1  }
0x12e: {  	v33 =	vadd.f32 v33, v35  }
0x12f: {  	s26 =	sadd.s32 $0x10, s26  }
.Ltmp0:
0x130: {  	s31 =	sadd.s32 $0x10, s31;
	[tilespmem:s26+$0x0] =	vst v33;
	(pc) =	sbr.rel @p0 .LBB2_2-.Ltmp0, $4  }
0x131: {  	v34 =	vld [tilespmem:s31+$0x0]  }
0x132: {  	s29 =	sadd.s32 $0x10, s29  }
0x133: {  	v33 =	vld [tilespmem:s29+$0x0]  }
0x134: {  	s30 =	sadd.s32 $0x10, s30  }
0x135: {  	v35 =	vmov s28  }
0x136: {  	v35 =	vshll.u32 v35, $0x7;
	v34 =	vshll.u32 v34, $0x5  }
0x137: {  	v34 =	vand.u32 $0x60, v34;
	v35 =	vor.u32 v1, v35  }
0x138: {  	v36 =	vshll.u32 v33, $0x5;
	v33 =	vor.u32 v35, v34  }
0x139: {  	v56 =	vand.u32 $0x60, v36;
	v57 =	vor.u32 v0, v33  }
0x13a: {  	v58 =	vor.u32 v2, v33;
	v34 =	vor.u32 v35, v56  }
0x13b: {  	v37 =	vor.u32 v0, v34  }
0x13c: {  	v38 =	vor.u32 v2, v34  }
0x13d: {  	v39 =	vor.u32 v3, v33  }
0x13e: {  	v40 =	vor.u32 v3, v34;
	v36 =	vld.idx.msk [tilespmem:v57+s10+$0x0], $0xffff  }
0x13f: {  	v41 =	vor.u32 v4, v33;
	v35 =	vld.idx.msk [tilespmem:v58+s10+$0x0], $0xffff  }
0x140: {  	v42 =	vor.u32 v4, v34;
	v37 =	vld.idx.msk [tilespmem:v37+s13+$0x0], $0xffff  }
0x141: {  	v43 =	vor.u32 v5, v33;
	v38 =	vld.idx.msk [tilespmem:v38+s13+$0x0], $0xffff  }
0x142: {  	v44 =	vor.u32 v5, v34;
	v39 =	vld.idx.msk [tilespmem:v39+s10+$0x0], $0xffff  }
0x143: {  	v45 =	vor.u32 v6, v33;
	v40 =	vld.idx.msk [tilespmem:v40+s13+$0x0], $0xffff  }
0x144: {  	v46 =	vor.u32 v6, v34;
	v41 =	vld.idx.msk [tilespmem:v41+s10+$0x0], $0xffff  }
0x145: {  	v47 =	vor.u32 v7, v33;
	v42 =	vld.idx.msk [tilespmem:v42+s13+$0x0], $0xffff  }
0x146: {  	v48 =	vor.u32 v7, v34;
	v43 =	vld.idx.msk [tilespmem:v43+s10+$0x0], $0xffff;
	v36 =	vmul.f32 v37, v36;
	v35 =	vmul.f32 v38, v35  }
0x147: {  	v60 =	vor.u32 v8, v33;
	v59 =	vld.idx.msk [tilespmem:v44+s13+$0x0], $0xffff  }
0x148: {  	v61 =	vor.u32 v8, v34;
	v44 =	vld.idx.msk [tilespmem:v45+s10+$0x0], $0xffff;
	v62 =	vmul.f32 v40, v39;
	v35 =	vadd.f32 v35, v36  }
0x149: {  	v52 =	vor.u32 v9, v33;
	v63 =	vld.idx.msk [tilespmem:v46+s13+$0x0], $0xffff  }
0x14a: {  	v53 =	vor.u32 v9, v34;
	v46 =	vld.idx.msk [tilespmem:v47+s10+$0x0], $0xffff;
	v54 =	vmul.f32 v42, v41;
	v35 =	vadd.f32 v62, v35  }
0x14b: {  	v56 =	vor.u32 v10, v33;
	v55 =	vld.idx.msk [tilespmem:v48+s13+$0x0], $0xffff  }
0x14c: {  	v57 =	vor.u32 v10, v34;
	v38 =	vld.idx.msk [tilespmem:v60+s10+$0x0], $0xffff;
	v58 =	vmul.f32 v59, v43;
	v35 =	vadd.f32 v54, v35  }
0x14d: {  	v59 =	vld.idx.msk [tilespmem:v61+s13+$0x0], $0xffff;
	v60 =	vor.u32 v11, v33  }
0x14e: {  	v40 =	vld.idx.msk [tilespmem:v52+s10+$0x0], $0xffff;
	v61 =	vor.u32 v11, v34;
	v62 =	vmul.f32 v63, v44;
	v35 =	vadd.f32 v58, v35  }
0x14f: {  	v52 =	vor.u32 v12, v33;
	v63 =	vld.idx.msk [tilespmem:v53+s13+$0x0], $0xffff  }
0x150: {  	v42 =	vld.idx.msk [tilespmem:v56+s10+$0x0], $0xffff;
	v53 =	vor.u32 v12, v34;
	v54 =	vmul.f32 v55, v46;
	v35 =	vadd.f32 v62, v35  }
0x151: {  	v56 =	vor.u32 v13, v33;
	v55 =	vld.idx.msk [tilespmem:v57+s13+$0x0], $0xffff  }
0x152: {  	v43 =	vld.idx.msk [tilespmem:v60+s10+$0x0], $0xffff;
	v57 =	vor.u32 v13, v34;
	v58 =	vmul.f32 v59, v38;
	v35 =	vadd.f32 v54, v35  }
0x153: {  	v60 =	vor.u32 v14, v33;
	v59 =	vld.idx.msk [tilespmem:v61+s13+$0x0], $0xffff  }
0x154: {  	v44 =	vld.idx.msk [tilespmem:v52+s10+$0x0], $0xffff;
	v61 =	vor.u32 v14, v34;
	v62 =	vmul.f32 v63, v40;
	v35 =	vadd.f32 v58, v35  }
0x155: {  	v52 =	vor.u32 v15, v33;
	v63 =	vld.idx.msk [tilespmem:v53+s13+$0x0], $0xffff  }
0x156: {  	v46 =	vld.idx.msk [tilespmem:v56+s10+$0x0], $0xffff;
	v53 =	vor.u32 v15, v34;
	v54 =	vmul.f32 v55, v42;
	v35 =	vadd.f32 v62, v35  }
0x157: {  	v56 =	vor.u32 v16, v33;
	v55 =	vld.idx.msk [tilespmem:v57+s13+$0x0], $0xffff  }
0x158: {  	v38 =	vld.idx.msk [tilespmem:v60+s10+$0x0], $0xffff;
	v57 =	vor.u32 v16, v34;
	v58 =	vmul.f32 v59, v43;
	v35 =	vadd.f32 v54, v35  }
0x159: {  	v60 =	vor.u32 v28, v33;
	v59 =	vld.idx.msk [tilespmem:v61+s13+$0x0], $0xffff  }
0x15a: {  	v40 =	vld.idx.msk [tilespmem:v52+s10+$0x0], $0xffff;
	v61 =	vor.u32 v28, v34;
	v62 =	vmul.f32 v63, v44;
	v35 =	vadd.f32 v58, v35  }
0x15b: {  	v52 =	vor.u32 v17, v33;
	v63 =	vld.idx.msk [tilespmem:v53+s13+$0x0], $0xffff  }
0x15c: {  	v42 =	vld.idx.msk [tilespmem:v56+s10+$0x0], $0xffff;
	v53 =	vor.u32 v17, v34;
	v54 =	vmul.f32 v55, v46;
	v35 =	vadd.f32 v62, v35  }
0x15d: {  	v56 =	vor.u32 v19, v33;
	v55 =	vld.idx.msk [tilespmem:v57+s13+$0x0], $0xffff  }
0x15e: {  	v43 =	vld.idx.msk [tilespmem:v60+s10+$0x0], $0xffff;
	v57 =	vor.u32 v19, v34;
	v58 =	vmul.f32 v59, v38;
	v35 =	vadd.f32 v54, v35  }
0x15f: {  	v60 =	vor.u32 v20, v33;
	v59 =	vld.idx.msk [tilespmem:v61+s13+$0x0], $0xffff  }
0x160: {  	v44 =	vld.idx.msk [tilespmem:v52+s10+$0x0], $0xffff;
	v61 =	vor.u32 v20, v34;
	v62 =	vmul.f32 v63, v40;
	v35 =	vadd.f32 v58, v35  }
0x161: {  	v52 =	vor.u32 v18, v33;
	v63 =	vld.idx.msk [tilespmem:v53+s13+$0x0], $0xffff  }
0x162: {  	v46 =	vld.idx.msk [tilespmem:v56+s10+$0x0], $0xffff;
	v53 =	vor.u32 v18, v34;
	v54 =	vmul.f32 v55, v42;
	v35 =	vadd.f32 v62, v35  }
0x163: {  	v56 =	vor.u32 v21, v33;
	v55 =	vld.idx.msk [tilespmem:v57+s13+$0x0], $0xffff  }
0x164: {  	v38 =	vld.idx.msk [tilespmem:v60+s10+$0x0], $0xffff;
	v57 =	vor.u32 v21, v34;
	v58 =	vmul.f32 v59, v43;
	v35 =	vadd.f32 v54, v35  }
0x165: {  	v60 =	vor.u32 v22, v33;
	v59 =	vld.idx.msk [tilespmem:v61+s13+$0x0], $0xffff  }
0x166: {  	v40 =	vld.idx.msk [tilespmem:v52+s10+$0x0], $0xffff;
	v61 =	vor.u32 v22, v34;
	v62 =	vmul.f32 v63, v44;
	v35 =	vadd.f32 v58, v35  }
0x167: {  	v52 =	vor.u32 v23, v33;
	v63 =	vld.idx.msk [tilespmem:v53+s13+$0x0], $0xffff  }
0x168: {  	v42 =	vld.idx.msk [tilespmem:v56+s10+$0x0], $0xffff;
	v53 =	vor.u32 v23, v34;
	v54 =	vmul.f32 v55, v46;
	v35 =	vadd.f32 v62, v35  }
0x169: {  	v56 =	vor.u32 v24, v33;
	v55 =	vld.idx.msk [tilespmem:v57+s13+$0x0], $0xffff  }
0x16a: {  	v43 =	vld.idx.msk [tilespmem:v60+s10+$0x0], $0xffff;
	v57 =	vor.u32 v24, v34;
	v58 =	vmul.f32 v59, v38;
	v35 =	vadd.f32 v54, v35  }
0x16b: {  	v60 =	vor.u32 v25, v33;
	v59 =	vld.idx.msk [tilespmem:v61+s13+$0x0], $0xffff  }
0x16c: {  	v44 =	vld.idx.msk [tilespmem:v52+s10+$0x0], $0xffff;
	v61 =	vor.u32 v25, v34;
	v62 =	vmul.f32 v63, v40;
	v35 =	vadd.f32 v58, v35  }
0x16d: {  	v52 =	vor.u32 v26, v33;
	v63 =	vld.idx.msk [tilespmem:v53+s13+$0x0], $0xffff  }
0x16e: {  	v46 =	vld.idx.msk [tilespmem:v56+s10+$0x0], $0xffff;
	v53 =	vor.u32 v26, v34;
	v54 =	vmul.f32 v55, v42;
	v35 =	vadd.f32 v62, v35  }
0x16f: {  	v56 =	vor.u32 v27, v33;
	v55 =	vld.idx.msk [tilespmem:v57+s13+$0x0], $0xffff  }
0x170: {  	v38 =	vld.idx.msk [tilespmem:v60+s10+$0x0], $0xffff;
	v57 =	vor.u32 v27, v34;
	v58 =	vmul.f32 v59, v43;
	v35 =	vadd.f32 v54, v35  }
0x171: {  	v60 =	vor.u32 v29, v33;
	v59 =	vld.idx.msk [tilespmem:v61+s13+$0x0], $0xffff  }
0x172: {  	v40 =	vld.idx.msk [tilespmem:v52+s10+$0x0], $0xffff;
	v61 =	vor.u32 v29, v34;
	v62 =	vmul.f32 v63, v44;
	v35 =	vadd.f32 v58, v35  }
0x173: {  	v52 =	vor.u32 v30, v33;
	v63 =	vld.idx.msk [tilespmem:v53+s13+$0x0], $0xffff  }
0x174: {  	v42 =	vld.idx.msk [tilespmem:v56+s10+$0x0], $0xffff;
	v53 =	vor.u32 v30, v34;
	v54 =	vmul.f32 v55, v46;
	v35 =	vadd.f32 v62, v35  }
0x175: {  	v56 =	vor.u32 v31, v33;
	v55 =	vld.idx.msk [tilespmem:v57+s13+$0x0], $0xffff  }
0x176: {  	v43 =	vld.idx.msk [tilespmem:v60+s10+$0x0], $0xffff;
	v57 =	vor.u32 v31, v34;
	v58 =	vmul.f32 v59, v38;
	v35 =	vadd.f32 v54, v35  }
0x177: {  	v33 =	vor.u32 v32, v33;
	v59 =	vld.idx.msk [tilespmem:v61+s13+$0x0], $0xffff  }
0x178: {  	v60 =	vld.idx.msk [tilespmem:v52+s10+$0x0], $0xffff;
	v34 =	vor.u32 v32, v34;
	v61 =	vmul.f32 v63, v40;
	v35 =	vadd.f32 v58, v35  }
0x179: {  	v62 =	vld.idx.msk [tilespmem:v53+s13+$0x0], $0xffff  }
0x17a: {  	v63 =	vld.idx.msk [tilespmem:v56+s10+$0x0], $0xffff;
	v44 =	vmul.f32 v55, v42;
	v35 =	vadd.f32 v61, v35  }
0x17b: {  	v45 =	vld.idx.msk [tilespmem:v57+s13+$0x0], $0xffff  }
0x17c: {  	v33 =	vld.idx.msk [tilespmem:v33+s10+$0x0], $0xffff;
	v46 =	vmul.f32 v59, v43;
	v35 =	vadd.f32 v44, v35  }
0x17d: {  	v34 =	vld.idx.msk [tilespmem:v34+s13+$0x0], $0xffff  }
0x17e: {  	v47 =	vmul.f32 v62, v60;
	v35 =	vadd.f32 v46, v35;
	_ =	sdelay $0x1  }
0x17f: {  	v48 =	vmul.f32 v45, v63;
	v35 =	vadd.f32 v47, v35;
	_ =	sdelay $0x1  }
0x180: {  	v33 =	vmul.f32 v34, v33;
	v35 =	vadd.f32 v48, v35;
	_ =	sdelay $0x1  }
0x181: {  	v33 =	vadd.f32 v33, v35  }
0x182: {  	s26 =	sadd.s32 $0x10, s26  }
0x183: {  	[tilespmem:s26+$0x0] =	vst v33  }
0x184: {  	[tilespmem:s10], [sflag:$0x1] =	stream.indirect.gather [hbm4b:s3+s14], $0x80, s20, s14, $0xb8;
	[tilespmem:$0x10A00] =	vst v63  }
0x185: {  	_ = 	snop  }
0x186: {  	[tilespmem:s13], [sflag:$0x1] =	stream.indirect.gather [hbm4b:s4+s14], $0x80, s21, s14, $0xb8;
	[tilespmem:$0x10A00] =	vst v63  }
0x187: {  	_ = 	snop  }
0x188: {  	[tilespmem:s16], [sflag:$0x1] =	stream.indirect.gather [hbm4b:s3+s14], $0x80, s22, s14, $0xb8;
	[tilespmem:$0x10A00] =	vst v63  }
0x189: {  	_ = 	snop  }
0x18a: {  	[tilespmem:s18], [sflag:$0x1] =	stream.indirect.gather [hbm4b:s4+s14], $0x80, s23, s14, $0xb8;
	[tilespmem:$0x10A00] =	vst v63  }
0x18b: {  	_ =	swait.ge [sflag:s19], $0x4000  }
0x18c: {  	[sflag:s19] =	ssyncset.done $0x0  }
0x18d: {  	[sflag:s19] =	ssyncadd.s32 $0xFFFFC000  }
0x18e: {  	_ =	swait.ge [sflag:s19], $0x4000  }
0x18f: {  	[sflag:s19] =	ssyncset.done $0x0  }
0x190: {  	[sflag:s19] =	ssyncadd.s32 $0xFFFFC000  }
0x191: {  	_ =	swait.ge [sflag:s19], $0x4000  }
0x192: {  	[sflag:s19] =	ssyncset.done $0x0  }
0x193: {  	[sflag:s19] =	ssyncadd.s32 $0xFFFFC000  }
0x194: {  	_ =	swait.ge [sflag:s19], $0x4000  }
0x195: {  	[sflag:s19] =	ssyncset.done $0x0  }
0x196: {  	s26 =	simm.s32 $0x100;
	[sflag:s19] =	ssyncadd.s32 $0xFFFFC000  }
0x197: {  	v49 =	vld [tilespmem:s26+$0x0]  }
0x198: {  	s26 =	simm.s32 $0x300  }
0x199: {  	v50 =	vld [tilespmem:s26+$0x0]  }
0x19a: {  	s26 =	simm.s32 $0x0  }
0x19b: {  	v51 =	vmov s26  }
0x19c: {  	v35 =	vshll.u32 v51, $0x7;
	v33 =	vshll.u32 v49, $0x5  }
0x19d: {  	v35 =	vor.u32 v1, v35;
	v33 =	vand.u32 $0x60, v33  }
0x19e: {  	v34 =	vshll.u32 v50, $0x5;
	v33 =	vor.u32 v35, v33  }
0x19f: {  	v34 =	vand.u32 $0x60, v34;
	v52 =	vor.u32 v0, v33  }
0x1a0: {  	v34 =	vor.u32 v35, v34;
	v53 =	vor.u32 v2, v33  }
0x1a1: {  	v54 =	vor.u32 v0, v34  }
0x1a2: {  	v55 =	vor.u32 v2, v34  }
0x1a3: {  	v56 =	vor.u32 v3, v33  }
0x1a4: {  	v57 =	vor.u32 v3, v34;
	v36 =	vld.idx.msk [tilespmem:v52+s10+$0x0], $0xffff  }
0x1a5: {  	v58 =	vor.u32 v4, v33;
	v35 =	vld.idx.msk [tilespmem:v53+s10+$0x0], $0xffff  }
0x1a6: {  	v59 =	vor.u32 v4, v34;
	v37 =	vld.idx.msk [tilespmem:v54+s13+$0x0], $0xffff  }
0x1a7: {  	v60 =	vor.u32 v5, v33;
	v38 =	vld.idx.msk [tilespmem:v55+s13+$0x0], $0xffff  }
0x1a8: {  	v61 =	vor.u32 v5, v34;
	v39 =	vld.idx.msk [tilespmem:v56+s10+$0x0], $0xffff  }
0x1a9: {  	v62 =	vor.u32 v6, v33;
	v40 =	vld.idx.msk [tilespmem:v57+s13+$0x0], $0xffff  }
0x1aa: {  	v63 =	vor.u32 v6, v34;
	v41 =	vld.idx.msk [tilespmem:v58+s10+$0x0], $0xffff  }
0x1ab: {  	v52 =	vor.u32 v7, v33;
	v42 =	vld.idx.msk [tilespmem:v59+s13+$0x0], $0xffff  }
0x1ac: {  	v43 =	vld.idx.msk [tilespmem:v60+s10+$0x0], $0xffff;
	v53 =	vor.u32 v7, v34;
	v36 =	vmul.f32 v37, v36;
	v35 =	vmul.f32 v38, v35  }
0x1ad: {  	v54 =	vld.idx.msk [tilespmem:v61+s13+$0x0], $0xffff;
	v55 =	vor.u32 v8, v33  }
0x1ae: {  	v44 =	vld.idx.msk [tilespmem:v62+s10+$0x0], $0xffff;
	v56 =	vor.u32 v8, v34;
	v57 =	vmul.f32 v40, v39;
	v35 =	vadd.f32 v35, v36  }
0x1af: {  	v58 =	vld.idx.msk [tilespmem:v63+s13+$0x0], $0xffff;
	v59 =	vor.u32 v9, v33  }
0x1b0: {  	v60 =	vor.u32 v9, v34;
	v46 =	vld.idx.msk [tilespmem:v52+s10+$0x0], $0xffff;
	v61 =	vmul.f32 v42, v41;
	v35 =	vadd.f32 v57, v35  }
0x1b1: {  	v63 =	vor.u32 v10, v33;
	v62 =	vld.idx.msk [tilespmem:v53+s13+$0x0], $0xffff  }
0x1b2: {  	v52 =	vor.u32 v10, v34;
	v38 =	vld.idx.msk [tilespmem:v55+s10+$0x0], $0xffff;
	v53 =	vmul.f32 v54, v43;
	v35 =	vadd.f32 v61, v35  }
0x1b3: {  	v54 =	vld.idx.msk [tilespmem:v56+s13+$0x0], $0xffff;
	v55 =	vor.u32 v11, v33  }
0x1b4: {  	v40 =	vld.idx.msk [tilespmem:v59+s10+$0x0], $0xffff;
	v56 =	vor.u32 v11, v34;
	v57 =	vmul.f32 v58, v44;
	v35 =	vadd.f32 v53, v35  }
0x1b5: {  	v59 =	vor.u32 v12, v33;
	v58 =	vld.idx.msk [tilespmem:v60+s13+$0x0], $0xffff  }
0x1b6: {  	v42 =	vld.idx.msk [tilespmem:v63+s10+$0x0], $0xffff;
	v60 =	vor.u32 v12, v34;
	v61 =	vmul.f32 v62, v46;
	v35 =	vadd.f32 v57, v35  }
0x1b7: {  	v63 =	vor.u32 v13, v33;
	v62 =	vld.idx.msk [tilespmem:v52+s13+$0x0], $0xffff  }
0x1b8: {  	v43 =	vld.idx.msk [tilespmem:v55+s10+$0x0], $0xffff;
	v52 =	vor.u32 v13, v34;
	v53 =	vmul.f32 v54, v38;
	v35 =	vadd.f32 v61, v35  }
0x1b9: {  	v55 =	vor.u32 v14, v33;
	v54 =	vld.idx.msk [tilespmem:v56+s13+$0x0], $0xffff  }
0x1ba: {  	v44 =	vld.idx.msk [tilespmem:v59+s10+$0x0], $0xffff;
	v56 =	vor.u32 v14, v34;
	v57 =	vmul.f32 v58, v40;
	v35 =	vadd.f32 v53, v35  }
0x1bb: {  	v59 =	vor.u32 v15, v33;
	v58 =	vld.idx.msk [tilespmem:v60+s13+$0x0], $0xffff  }
0x1bc: {  	v46 =	vld.idx.msk [tilespmem:v63+s10+$0x0], $0xffff;
	v60 =	vor.u32 v15, v34;
	v61 =	vmul.f32 v62, v42;
	v35 =	vadd.f32 v57, v35  }
0x1bd: {  	v63 =	vor.u32 v16, v33;
	v62 =	vld.idx.msk [tilespmem:v52+s13+$0x0], $0xffff  }
0x1be: {  	v38 =	vld.idx.msk [tilespmem:v55+s10+$0x0], $0xffff;
	v52 =	vor.u32 v16, v34;
	v53 =	vmul.f32 v54, v43;
	v35 =	vadd.f32 v61, v35  }
0x1bf: {  	v55 =	vor.u32 v28, v33;
	v54 =	vld.idx.msk [tilespmem:v56+s13+$0x0], $0xffff  }
0x1c0: {  	v40 =	vld.idx.msk [tilespmem:v59+s10+$0x0], $0xffff;
	v56 =	vor.u32 v28, v34;
	v57 =	vmul.f32 v58, v44;
	v35 =	vadd.f32 v53, v35  }
0x1c1: {  	v59 =	vor.u32 v17, v33;
	v58 =	vld.idx.msk [tilespmem:v60+s13+$0x0], $0xffff  }
0x1c2: {  	v42 =	vld.idx.msk [tilespmem:v63+s10+$0x0], $0xffff;
	v60 =	vor.u32 v17, v34;
	v61 =	vmul.f32 v62, v46;
	v35 =	vadd.f32 v57, v35  }
0x1c3: {  	v63 =	vor.u32 v19, v33;
	v62 =	vld.idx.msk [tilespmem:v52+s13+$0x0], $0xffff  }
0x1c4: {  	v43 =	vld.idx.msk [tilespmem:v55+s10+$0x0], $0xffff;
	v52 =	vor.u32 v19, v34;
	v53 =	vmul.f32 v54, v38;
	v35 =	vadd.f32 v61, v35  }
0x1c5: {  	v55 =	vor.u32 v20, v33;
	v54 =	vld.idx.msk [tilespmem:v56+s13+$0x0], $0xffff  }
0x1c6: {  	v44 =	vld.idx.msk [tilespmem:v59+s10+$0x0], $0xffff;
	v56 =	vor.u32 v20, v34;
	v57 =	vmul.f32 v58, v40;
	v35 =	vadd.f32 v53, v35  }
0x1c7: {  	v59 =	vor.u32 v18, v33;
	v58 =	vld.idx.msk [tilespmem:v60+s13+$0x0], $0xffff  }
0x1c8: {  	v46 =	vld.idx.msk [tilespmem:v63+s10+$0x0], $0xffff;
	v60 =	vor.u32 v18, v34;
	v61 =	vmul.f32 v62, v42;
	v35 =	vadd.f32 v57, v35  }
0x1c9: {  	v63 =	vor.u32 v21, v33;
	v62 =	vld.idx.msk [tilespmem:v52+s13+$0x0], $0xffff  }
0x1ca: {  	v38 =	vld.idx.msk [tilespmem:v55+s10+$0x0], $0xffff;
	v52 =	vor.u32 v21, v34;
	v53 =	vmul.f32 v54, v43;
	v35 =	vadd.f32 v61, v35  }
0x1cb: {  	v55 =	vor.u32 v22, v33;
	v54 =	vld.idx.msk [tilespmem:v56+s13+$0x0], $0xffff  }
0x1cc: {  	v40 =	vld.idx.msk [tilespmem:v59+s10+$0x0], $0xffff;
	v56 =	vor.u32 v22, v34;
	v57 =	vmul.f32 v58, v44;
	v35 =	vadd.f32 v53, v35  }
0x1cd: {  	v59 =	vor.u32 v23, v33;
	v58 =	vld.idx.msk [tilespmem:v60+s13+$0x0], $0xffff  }
0x1ce: {  	v42 =	vld.idx.msk [tilespmem:v63+s10+$0x0], $0xffff;
	v60 =	vor.u32 v23, v34;
	v61 =	vmul.f32 v62, v46;
	v35 =	vadd.f32 v57, v35  }
0x1cf: {  	v63 =	vor.u32 v24, v33;
	v62 =	vld.idx.msk [tilespmem:v52+s13+$0x0], $0xffff  }
0x1d0: {  	v43 =	vld.idx.msk [tilespmem:v55+s10+$0x0], $0xffff;
	v52 =	vor.u32 v24, v34;
	v53 =	vmul.f32 v54, v38;
	v35 =	vadd.f32 v61, v35  }
0x1d1: {  	v55 =	vor.u32 v25, v33;
	v54 =	vld.idx.msk [tilespmem:v56+s13+$0x0], $0xffff  }
0x1d2: {  	v44 =	vld.idx.msk [tilespmem:v59+s10+$0x0], $0xffff;
	v56 =	vor.u32 v25, v34;
	v57 =	vmul.f32 v58, v40;
	v35 =	vadd.f32 v53, v35  }
0x1d3: {  	v59 =	vor.u32 v26, v33;
	v58 =	vld.idx.msk [tilespmem:v60+s13+$0x0], $0xffff  }
0x1d4: {  	v46 =	vld.idx.msk [tilespmem:v63+s10+$0x0], $0xffff;
	v60 =	vor.u32 v26, v34;
	v61 =	vmul.f32 v62, v42;
	v35 =	vadd.f32 v57, v35  }
0x1d5: {  	v63 =	vor.u32 v27, v33;
	v62 =	vld.idx.msk [tilespmem:v52+s13+$0x0], $0xffff  }
0x1d6: {  	v38 =	vld.idx.msk [tilespmem:v55+s10+$0x0], $0xffff;
	v52 =	vor.u32 v27, v34;
	v53 =	vmul.f32 v54, v43;
	v35 =	vadd.f32 v61, v35  }
0x1d7: {  	v55 =	vor.u32 v29, v33;
	v54 =	vld.idx.msk [tilespmem:v56+s13+$0x0], $0xffff  }
0x1d8: {  	v40 =	vld.idx.msk [tilespmem:v59+s10+$0x0], $0xffff;
	v56 =	vor.u32 v29, v34;
	v57 =	vmul.f32 v58, v44;
	v35 =	vadd.f32 v53, v35  }
0x1d9: {  	v59 =	vor.u32 v30, v33;
	v58 =	vld.idx.msk [tilespmem:v60+s13+$0x0], $0xffff  }
0x1da: {  	v42 =	vld.idx.msk [tilespmem:v63+s10+$0x0], $0xffff;
	v60 =	vor.u32 v30, v34;
	v61 =	vmul.f32 v62, v46;
	v35 =	vadd.f32 v57, v35  }
0x1db: {  	v63 =	vor.u32 v31, v33;
	v62 =	vld.idx.msk [tilespmem:v52+s13+$0x0], $0xffff  }
0x1dc: {  	v43 =	vld.idx.msk [tilespmem:v55+s10+$0x0], $0xffff;
	v52 =	vor.u32 v31, v34;
	v53 =	vmul.f32 v54, v38;
	v35 =	vadd.f32 v61, v35  }
0x1dd: {  	v33 =	vor.u32 v32, v33;
	v54 =	vld.idx.msk [tilespmem:v56+s13+$0x0], $0xffff  }
0x1de: {  	v55 =	vld.idx.msk [tilespmem:v59+s10+$0x0], $0xffff;
	v34 =	vor.u32 v32, v34;
	v56 =	vmul.f32 v58, v40;
	v35 =	vadd.f32 v53, v35  }
0x1df: {  	v57 =	vld.idx.msk [tilespmem:v60+s13+$0x0], $0xffff  }
0x1e0: {  	v58 =	vld.idx.msk [tilespmem:v63+s10+$0x0], $0xffff;
	v59 =	vmul.f32 v62, v42;
	v35 =	vadd.f32 v56, v35  }
0x1e1: {  	v60 =	vld.idx.msk [tilespmem:v52+s13+$0x0], $0xffff  }
0x1e2: {  	v33 =	vld.idx.msk [tilespmem:v33+s10+$0x0], $0xffff;
	v61 =	vmul.f32 v54, v43;
	v35 =	vadd.f32 v59, v35  }
0x1e3: {  	v34 =	vld.idx.msk [tilespmem:v34+s13+$0x0], $0xffff  }
0x1e4: {  	v62 =	vmul.f32 v57, v55;
	v35 =	vadd.f32 v61, v35;
	_ =	sdelay $0x1  }
0x1e5: {  	v63 =	vmul.f32 v60, v58;
	v35 =	vadd.f32 v62, v35;
	_ =	sdelay $0x1  }
0x1e6: {  	v33 =	vmul.f32 v34, v33;
	v35 =	vadd.f32 v63, v35;
	_ =	sdelay $0x1  }
0x1e7: {  	v33 =	vadd.f32 v33, v35  }
0x1e8: {  	s26 =	simm.s32 $0x10900  }
0x1e9: {  	s28 =	simm.s32 $0x110;
	[tilespmem:s26+$0x0] =	vst v33  }
0x1ea: {  	v34 =	vld [tilespmem:s28+$0x0]  }
0x1eb: {  	s29 =	simm.s32 $0x310  }
0x1ec: {  	v33 =	vld [tilespmem:s29+$0x0]  }
0x1ed: {  	s30 =	simm.s32 $0x10;
	s31 =	simm.s32 $0x20  }
.LBB2_4:
0x1ee: {  	p0 =	sne.s32 s31, $0xF0;
	v35 =	vmov s30;
	s30 =	smov.u32 s31  }
0x1ef: {  	v35 =	vshll.u32 v35, $0x7;
	v34 =	vshll.u32 v34, $0x5  }
0x1f0: {  	v34 =	vand.u32 $0x60, v34;
	v35 =	vor.u32 v1, v35  }
0x1f1: {  	v36 =	vshll.u32 v33, $0x5;
	v33 =	vor.u32 v35, v34  }
0x1f2: {  	v34 =	vand.u32 $0x60, v36;
	v36 =	vor.u32 v0, v33  }
0x1f3: {  	v34 =	vor.u32 v35, v34;
	v35 =	vor.u32 v2, v33  }
0x1f4: {  	v37 =	vor.u32 v0, v34  }
0x1f5: {  	v38 =	vor.u32 v2, v34  }
0x1f6: {  	v39 =	vor.u32 v3, v33  }
0x1f7: {  	v40 =	vor.u32 v3, v34;
	v36 =	vld.idx.msk [tilespmem:v36+s10+$0x0], $0xffff  }
0x1f8: {  	v41 =	vor.u32 v4, v33;
	v35 =	vld.idx.msk [tilespmem:v35+s10+$0x0], $0xffff  }
0x1f9: {  	v42 =	vor.u32 v4, v34;
	v37 =	vld.idx.msk [tilespmem:v37+s13+$0x0], $0xffff  }
0x1fa: {  	v43 =	vor.u32 v5, v33;
	v38 =	vld.idx.msk [tilespmem:v38+s13+$0x0], $0xffff  }
0x1fb: {  	v44 =	vor.u32 v5, v34;
	v39 =	vld.idx.msk [tilespmem:v39+s10+$0x0], $0xffff  }
0x1fc: {  	v45 =	vor.u32 v6, v33;
	v40 =	vld.idx.msk [tilespmem:v40+s13+$0x0], $0xffff  }
0x1fd: {  	v46 =	vor.u32 v6, v34;
	v41 =	vld.idx.msk [tilespmem:v41+s10+$0x0], $0xffff  }
0x1fe: {  	v47 =	vor.u32 v7, v33;
	v42 =	vld.idx.msk [tilespmem:v42+s13+$0x0], $0xffff  }
0x1ff: {  	v48 =	vor.u32 v7, v34;
	v43 =	vld.idx.msk [tilespmem:v43+s10+$0x0], $0xffff  }
0x200: {  	v36 =	vmul.f32 v37, v36;
	v35 =	vmul.f32 v38, v35;
	v38 =	vor.u32 v8, v33;
	v37 =	vld.idx.msk [tilespmem:v44+s13+$0x0], $0xffff  }
0x201: {  	v44 =	vld.idx.msk [tilespmem:v45+s10+$0x0], $0xffff;
	v45 =	vor.u32 v8, v34  }
0x202: {  	v35 =	vadd.f32 v35, v36;
	v36 =	vmul.f32 v40, v39;
	v40 =	vor.u32 v9, v33;
	v39 =	vld.idx.msk [tilespmem:v46+s13+$0x0], $0xffff  }
0x203: {  	v46 =	vld.idx.msk [tilespmem:v47+s10+$0x0], $0xffff;
	v47 =	vor.u32 v9, v34  }
0x204: {  	v35 =	vadd.f32 v36, v35;
	v36 =	vmul.f32 v42, v41;
	v42 =	vor.u32 v10, v33;
	v41 =	vld.idx.msk [tilespmem:v48+s13+$0x0], $0xffff  }
0x205: {  	v48 =	vor.u32 v10, v34;
	v38 =	vld.idx.msk [tilespmem:v38+s10+$0x0], $0xffff  }
0x206: {  	v35 =	vadd.f32 v36, v35;
	v36 =	vmul.f32 v37, v43;
	v43 =	vor.u32 v11, v33;
	v37 =	vld.idx.msk [tilespmem:v45+s13+$0x0], $0xffff  }
0x207: {  	v45 =	vor.u32 v11, v34;
	v40 =	vld.idx.msk [tilespmem:v40+s10+$0x0], $0xffff  }
0x208: {  	v35 =	vadd.f32 v36, v35;
	v36 =	vmul.f32 v39, v44;
	v44 =	vor.u32 v12, v33;
	v39 =	vld.idx.msk [tilespmem:v47+s13+$0x0], $0xffff  }
0x209: {  	v47 =	vor.u32 v12, v34;
	v42 =	vld.idx.msk [tilespmem:v42+s10+$0x0], $0xffff  }
0x20a: {  	v35 =	vadd.f32 v36, v35;
	v36 =	vmul.f32 v41, v46;
	v46 =	vor.u32 v13, v33;
	v41 =	vld.idx.msk [tilespmem:v48+s13+$0x0], $0xffff  }
0x20b: {  	v48 =	vor.u32 v13, v34;
	v43 =	vld.idx.msk [tilespmem:v43+s10+$0x0], $0xffff  }
0x20c: {  	v35 =	vadd.f32 v36, v35;
	v36 =	vmul.f32 v37, v38;
	v38 =	vor.u32 v14, v33;
	v37 =	vld.idx.msk [tilespmem:v45+s13+$0x0], $0xffff  }
0x20d: {  	v45 =	vor.u32 v14, v34;
	v44 =	vld.idx.msk [tilespmem:v44+s10+$0x0], $0xffff  }
0x20e: {  	v35 =	vadd.f32 v36, v35;
	v36 =	vmul.f32 v39, v40;
	v40 =	vor.u32 v15, v33;
	v39 =	vld.idx.msk [tilespmem:v47+s13+$0x0], $0xffff  }
0x20f: {  	v47 =	vor.u32 v15, v34;
	v46 =	vld.idx.msk [tilespmem:v46+s10+$0x0], $0xffff  }
0x210: {  	v35 =	vadd.f32 v36, v35;
	v36 =	vmul.f32 v41, v42;
	v42 =	vor.u32 v16, v33;
	v41 =	vld.idx.msk [tilespmem:v48+s13+$0x0], $0xffff  }
0x211: {  	v48 =	vor.u32 v16, v34;
	v38 =	vld.idx.msk [tilespmem:v38+s10+$0x0], $0xffff  }
0x212: {  	v35 =	vadd.f32 v36, v35;
	v36 =	vmul.f32 v37, v43;
	v43 =	vor.u32 v28, v33;
	v37 =	vld.idx.msk [tilespmem:v45+s13+$0x0], $0xffff  }
0x213: {  	v45 =	vor.u32 v28, v34;
	v40 =	vld.idx.msk [tilespmem:v40+s10+$0x0], $0xffff  }
0x214: {  	v35 =	vadd.f32 v36, v35;
	v36 =	vmul.f32 v39, v44;
	v44 =	vor.u32 v17, v33;
	v39 =	vld.idx.msk [tilespmem:v47+s13+$0x0], $0xffff  }
0x215: {  	v47 =	vor.u32 v17, v34;
	v42 =	vld.idx.msk [tilespmem:v42+s10+$0x0], $0xffff  }
0x216: {  	v35 =	vadd.f32 v36, v35;
	v36 =	vmul.f32 v41, v46;
	v46 =	vor.u32 v19, v33;
	v41 =	vld.idx.msk [tilespmem:v48+s13+$0x0], $0xffff  }
0x217: {  	v48 =	vor.u32 v19, v34;
	v43 =	vld.idx.msk [tilespmem:v43+s10+$0x0], $0xffff  }
0x218: {  	v35 =	vadd.f32 v36, v35;
	v36 =	vmul.f32 v37, v38;
	v38 =	vor.u32 v20, v33;
	v37 =	vld.idx.msk [tilespmem:v45+s13+$0x0], $0xffff  }
0x219: {  	v45 =	vor.u32 v20, v34;
	v44 =	vld.idx.msk [tilespmem:v44+s10+$0x0], $0xffff  }
0x21a: {  	v35 =	vadd.f32 v36, v35;
	v36 =	vmul.f32 v39, v40;
	v40 =	vor.u32 v18, v33;
	v39 =	vld.idx.msk [tilespmem:v47+s13+$0x0], $0xffff  }
0x21b: {  	v47 =	vor.u32 v18, v34;
	v46 =	vld.idx.msk [tilespmem:v46+s10+$0x0], $0xffff  }
0x21c: {  	v35 =	vadd.f32 v36, v35;
	v36 =	vmul.f32 v41, v42;
	v42 =	vor.u32 v21, v33;
	v41 =	vld.idx.msk [tilespmem:v48+s13+$0x0], $0xffff  }
0x21d: {  	v48 =	vor.u32 v21, v34;
	v38 =	vld.idx.msk [tilespmem:v38+s10+$0x0], $0xffff  }
0x21e: {  	v35 =	vadd.f32 v36, v35;
	v36 =	vmul.f32 v37, v43;
	v43 =	vor.u32 v22, v33;
	v37 =	vld.idx.msk [tilespmem:v45+s13+$0x0], $0xffff  }
0x21f: {  	v45 =	vor.u32 v22, v34;
	v40 =	vld.idx.msk [tilespmem:v40+s10+$0x0], $0xffff  }
0x220: {  	v35 =	vadd.f32 v36, v35;
	v36 =	vmul.f32 v39, v44;
	v44 =	vor.u32 v23, v33;
	v39 =	vld.idx.msk [tilespmem:v47+s13+$0x0], $0xffff  }
0x221: {  	v47 =	vor.u32 v23, v34;
	v42 =	vld.idx.msk [tilespmem:v42+s10+$0x0], $0xffff  }
0x222: {  	v35 =	vadd.f32 v36, v35;
	v36 =	vmul.f32 v41, v46;
	v46 =	vor.u32 v24, v33;
	v41 =	vld.idx.msk [tilespmem:v48+s13+$0x0], $0xffff  }
0x223: {  	v48 =	vor.u32 v24, v34;
	v43 =	vld.idx.msk [tilespmem:v43+s10+$0x0], $0xffff  }
0x224: {  	v35 =	vadd.f32 v36, v35;
	v36 =	vmul.f32 v37, v38;
	v38 =	vor.u32 v25, v33;
	v37 =	vld.idx.msk [tilespmem:v45+s13+$0x0], $0xffff  }
0x225: {  	v45 =	vor.u32 v25, v34;
	v44 =	vld.idx.msk [tilespmem:v44+s10+$0x0], $0xffff  }
0x226: {  	v35 =	vadd.f32 v36, v35;
	v36 =	vmul.f32 v39, v40;
	v40 =	vor.u32 v26, v33;
	v39 =	vld.idx.msk [tilespmem:v47+s13+$0x0], $0xffff  }
0x227: {  	v47 =	vor.u32 v26, v34;
	v46 =	vld.idx.msk [tilespmem:v46+s10+$0x0], $0xffff  }
0x228: {  	v35 =	vadd.f32 v36, v35;
	v36 =	vmul.f32 v41, v42;
	v42 =	vor.u32 v27, v33;
	v41 =	vld.idx.msk [tilespmem:v48+s13+$0x0], $0xffff  }
0x229: {  	v48 =	vor.u32 v27, v34;
	v38 =	vld.idx.msk [tilespmem:v38+s10+$0x0], $0xffff  }
0x22a: {  	v35 =	vadd.f32 v36, v35;
	v36 =	vmul.f32 v37, v43;
	v43 =	vor.u32 v29, v33;
	v37 =	vld.idx.msk [tilespmem:v45+s13+$0x0], $0xffff  }
0x22b: {  	v45 =	vor.u32 v29, v34;
	v40 =	vld.idx.msk [tilespmem:v40+s10+$0x0], $0xffff  }
0x22c: {  	v35 =	vadd.f32 v36, v35;
	v36 =	vmul.f32 v39, v44;
	v44 =	vor.u32 v30, v33;
	v39 =	vld.idx.msk [tilespmem:v47+s13+$0x0], $0xffff  }
0x22d: {  	v47 =	vor.u32 v30, v34;
	v42 =	vld.idx.msk [tilespmem:v42+s10+$0x0], $0xffff  }
0x22e: {  	v35 =	vadd.f32 v36, v35;
	v36 =	vmul.f32 v41, v46;
	v46 =	vor.u32 v31, v33;
	v41 =	vld.idx.msk [tilespmem:v48+s13+$0x0], $0xffff  }
0x22f: {  	v48 =	vor.u32 v31, v34;
	v43 =	vld.idx.msk [tilespmem:v43+s10+$0x0], $0xffff  }
0x230: {  	v33 =	vor.u32 v32, v33;
	v35 =	vadd.f32 v36, v35;
	v36 =	vmul.f32 v37, v38;
	v37 =	vld.idx.msk [tilespmem:v45+s13+$0x0], $0xffff  }
0x231: {  	v34 =	vor.u32 v32, v34;
	v38 =	vld.idx.msk [tilespmem:v44+s10+$0x0], $0xffff  }
0x232: {  	v35 =	vadd.f32 v36, v35;
	v36 =	vmul.f32 v39, v40;
	v39 =	vld.idx.msk [tilespmem:v47+s13+$0x0], $0xffff  }
0x233: {  	v40 =	vld.idx.msk [tilespmem:v46+s10+$0x0], $0xffff  }
0x234: {  	v35 =	vadd.f32 v36, v35;
	v36 =	vmul.f32 v41, v42;
	v41 =	vld.idx.msk [tilespmem:v48+s13+$0x0], $0xffff  }
0x235: {  	v33 =	vld.idx.msk [tilespmem:v33+s10+$0x0], $0xffff  }
0x236: {  	v35 =	vadd.f32 v36, v35;
	v36 =	vmul.f32 v37, v43;
	v34 =	vld.idx.msk [tilespmem:v34+s13+$0x0], $0xffff;
	_ =	sdelay $0x1  }
0x237: {  	v35 =	vadd.f32 v36, v35;
	v36 =	vmul.f32 v39, v38;
	_ =	sdelay $0x1  }
0x238: {  	v35 =	vadd.f32 v36, v35;
	v36 =	vmul.f32 v41, v40;
	_ =	sdelay $0x1  }
0x239: {  	v35 =	vadd.f32 v36, v35;
	v33 =	vmul.f32 v34, v33;
	_ =	sdelay $0x1  }
0x23a: {  	v33 =	vadd.f32 v33, v35  }
0x23b: {  	s26 =	sadd.s32 $0x10, s26  }
.Ltmp1:
0x23c: {  	s28 =	sadd.s32 $0x10, s28;
	[tilespmem:s26+$0x0] =	vst v33;
	(pc) =	sbr.rel @p0 .LBB2_4-.Ltmp1, $4  }
0x23d: {  	v34 =	vld [tilespmem:s28+$0x0]  }
0x23e: {  	s29 =	sadd.s32 $0x10, s29  }
0x23f: {  	v33 =	vld [tilespmem:s29+$0x0]  }
0x240: {  	s31 =	sadd.s32 $0x10, s31  }
0x241: {  	v35 =	vmov s30  }
0x242: {  	v35 =	vshll.u32 v35, $0x7;
	v34 =	vshll.u32 v34, $0x5  }
0x243: {  	v34 =	vand.u32 $0x60, v34;
	v35 =	vor.u32 v1, v35  }
0x244: {  	v36 =	vshll.u32 v33, $0x5;
	v33 =	vor.u32 v35, v34  }
0x245: {  	v51 =	vand.u32 $0x60, v36;
	v52 =	vor.u32 v0, v33  }
0x246: {  	v53 =	vor.u32 v2, v33;
	v34 =	vor.u32 v35, v51  }
0x247: {  	v37 =	vor.u32 v0, v34  }
0x248: {  	v38 =	vor.u32 v2, v34  }
0x249: {  	v39 =	vor.u32 v3, v33  }
0x24a: {  	v40 =	vor.u32 v3, v34;
	v36 =	vld.idx.msk [tilespmem:v52+s10+$0x0], $0xffff  }
0x24b: {  	v41 =	vor.u32 v4, v33;
	v35 =	vld.idx.msk [tilespmem:v53+s10+$0x0], $0xffff  }
0x24c: {  	v42 =	vor.u32 v4, v34;
	v37 =	vld.idx.msk [tilespmem:v37+s13+$0x0], $0xffff  }
0x24d: {  	v43 =	vor.u32 v5, v33;
	v38 =	vld.idx.msk [tilespmem:v38+s13+$0x0], $0xffff  }
0x24e: {  	v44 =	vor.u32 v5, v34;
	v39 =	vld.idx.msk [tilespmem:v39+s10+$0x0], $0xffff  }
0x24f: {  	v45 =	vor.u32 v6, v33;
	v40 =	vld.idx.msk [tilespmem:v40+s13+$0x0], $0xffff  }
0x250: {  	v46 =	vor.u32 v6, v34;
	v41 =	vld.idx.msk [tilespmem:v41+s10+$0x0], $0xffff  }
0x251: {  	v47 =	vor.u32 v7, v33;
	v42 =	vld.idx.msk [tilespmem:v42+s13+$0x0], $0xffff  }
0x252: {  	v48 =	vor.u32 v7, v34;
	v43 =	vld.idx.msk [tilespmem:v43+s10+$0x0], $0xffff;
	v36 =	vmul.f32 v37, v36;
	v35 =	vmul.f32 v38, v35  }
0x253: {  	v55 =	vor.u32 v8, v33;
	v54 =	vld.idx.msk [tilespmem:v44+s13+$0x0], $0xffff  }
0x254: {  	v56 =	vor.u32 v8, v34;
	v44 =	vld.idx.msk [tilespmem:v45+s10+$0x0], $0xffff;
	v57 =	vmul.f32 v40, v39;
	v35 =	vadd.f32 v35, v36  }
0x255: {  	v59 =	vor.u32 v9, v33;
	v58 =	vld.idx.msk [tilespmem:v46+s13+$0x0], $0xffff  }
0x256: {  	v60 =	vor.u32 v9, v34;
	v46 =	vld.idx.msk [tilespmem:v47+s10+$0x0], $0xffff;
	v61 =	vmul.f32 v42, v41;
	v35 =	vadd.f32 v57, v35  }
0x257: {  	v63 =	vor.u32 v10, v33;
	v62 =	vld.idx.msk [tilespmem:v48+s13+$0x0], $0xffff  }
0x258: {  	v52 =	vor.u32 v10, v34;
	v38 =	vld.idx.msk [tilespmem:v55+s10+$0x0], $0xffff;
	v53 =	vmul.f32 v54, v43;
	v35 =	vadd.f32 v61, v35  }
0x259: {  	v54 =	vld.idx.msk [tilespmem:v56+s13+$0x0], $0xffff;
	v55 =	vor.u32 v11, v33  }
0x25a: {  	v40 =	vld.idx.msk [tilespmem:v59+s10+$0x0], $0xffff;
	v56 =	vor.u32 v11, v34;
	v57 =	vmul.f32 v58, v44;
	v35 =	vadd.f32 v53, v35  }
0x25b: {  	v59 =	vor.u32 v12, v33;
	v58 =	vld.idx.msk [tilespmem:v60+s13+$0x0], $0xffff  }
0x25c: {  	v42 =	vld.idx.msk [tilespmem:v63+s10+$0x0], $0xffff;
	v60 =	vor.u32 v12, v34;
	v61 =	vmul.f32 v62, v46;
	v35 =	vadd.f32 v57, v35  }
0x25d: {  	v63 =	vor.u32 v13, v33;
	v62 =	vld.idx.msk [tilespmem:v52+s13+$0x0], $0xffff  }
0x25e: {  	v43 =	vld.idx.msk [tilespmem:v55+s10+$0x0], $0xffff;
	v52 =	vor.u32 v13, v34;
	v53 =	vmul.f32 v54, v38;
	v35 =	vadd.f32 v61, v35  }
0x25f: {  	v55 =	vor.u32 v14, v33;
	v54 =	vld.idx.msk [tilespmem:v56+s13+$0x0], $0xffff  }
0x260: {  	v44 =	vld.idx.msk [tilespmem:v59+s10+$0x0], $0xffff;
	v56 =	vor.u32 v14, v34;
	v57 =	vmul.f32 v58, v40;
	v35 =	vadd.f32 v53, v35  }
0x261: {  	v59 =	vor.u32 v15, v33;
	v58 =	vld.idx.msk [tilespmem:v60+s13+$0x0], $0xffff  }
0x262: {  	v46 =	vld.idx.msk [tilespmem:v63+s10+$0x0], $0xffff;
	v60 =	vor.u32 v15, v34;
	v61 =	vmul.f32 v62, v42;
	v35 =	vadd.f32 v57, v35  }
0x263: {  	v63 =	vor.u32 v16, v33;
	v62 =	vld.idx.msk [tilespmem:v52+s13+$0x0], $0xffff  }
0x264: {  	v38 =	vld.idx.msk [tilespmem:v55+s10+$0x0], $0xffff;
	v52 =	vor.u32 v16, v34;
	v53 =	vmul.f32 v54, v43;
	v35 =	vadd.f32 v61, v35  }
0x265: {  	v55 =	vor.u32 v28, v33;
	v54 =	vld.idx.msk [tilespmem:v56+s13+$0x0], $0xffff  }
0x266: {  	v40 =	vld.idx.msk [tilespmem:v59+s10+$0x0], $0xffff;
	v56 =	vor.u32 v28, v34;
	v57 =	vmul.f32 v58, v44;
	v35 =	vadd.f32 v53, v35  }
0x267: {  	v59 =	vor.u32 v17, v33;
	v58 =	vld.idx.msk [tilespmem:v60+s13+$0x0], $0xffff  }
0x268: {  	v42 =	vld.idx.msk [tilespmem:v63+s10+$0x0], $0xffff;
	v60 =	vor.u32 v17, v34;
	v61 =	vmul.f32 v62, v46;
	v35 =	vadd.f32 v57, v35  }
0x269: {  	v63 =	vor.u32 v19, v33;
	v62 =	vld.idx.msk [tilespmem:v52+s13+$0x0], $0xffff  }
0x26a: {  	v43 =	vld.idx.msk [tilespmem:v55+s10+$0x0], $0xffff;
	v52 =	vor.u32 v19, v34;
	v53 =	vmul.f32 v54, v38;
	v35 =	vadd.f32 v61, v35  }
0x26b: {  	v55 =	vor.u32 v20, v33;
	v54 =	vld.idx.msk [tilespmem:v56+s13+$0x0], $0xffff  }
0x26c: {  	v44 =	vld.idx.msk [tilespmem:v59+s10+$0x0], $0xffff;
	v56 =	vor.u32 v20, v34;
	v57 =	vmul.f32 v58, v40;
	v35 =	vadd.f32 v53, v35  }
0x26d: {  	v59 =	vor.u32 v18, v33;
	v58 =	vld.idx.msk [tilespmem:v60+s13+$0x0], $0xffff  }
0x26e: {  	v46 =	vld.idx.msk [tilespmem:v63+s10+$0x0], $0xffff;
	v60 =	vor.u32 v18, v34;
	v61 =	vmul.f32 v62, v42;
	v35 =	vadd.f32 v57, v35  }
0x26f: {  	v63 =	vor.u32 v21, v33;
	v62 =	vld.idx.msk [tilespmem:v52+s13+$0x0], $0xffff  }
0x270: {  	v38 =	vld.idx.msk [tilespmem:v55+s10+$0x0], $0xffff;
	v52 =	vor.u32 v21, v34;
	v53 =	vmul.f32 v54, v43;
	v35 =	vadd.f32 v61, v35  }
0x271: {  	v55 =	vor.u32 v22, v33;
	v54 =	vld.idx.msk [tilespmem:v56+s13+$0x0], $0xffff  }
0x272: {  	v40 =	vld.idx.msk [tilespmem:v59+s10+$0x0], $0xffff;
	v56 =	vor.u32 v22, v34;
	v57 =	vmul.f32 v58, v44;
	v35 =	vadd.f32 v53, v35  }
0x273: {  	v59 =	vor.u32 v23, v33;
	v58 =	vld.idx.msk [tilespmem:v60+s13+$0x0], $0xffff  }
0x274: {  	v42 =	vld.idx.msk [tilespmem:v63+s10+$0x0], $0xffff;
	v60 =	vor.u32 v23, v34;
	v61 =	vmul.f32 v62, v46;
	v35 =	vadd.f32 v57, v35  }
0x275: {  	v63 =	vor.u32 v24, v33;
	v62 =	vld.idx.msk [tilespmem:v52+s13+$0x0], $0xffff  }
0x276: {  	v43 =	vld.idx.msk [tilespmem:v55+s10+$0x0], $0xffff;
	v52 =	vor.u32 v24, v34;
	v53 =	vmul.f32 v54, v38;
	v35 =	vadd.f32 v61, v35  }
0x277: {  	v55 =	vor.u32 v25, v33;
	v54 =	vld.idx.msk [tilespmem:v56+s13+$0x0], $0xffff  }
0x278: {  	v44 =	vld.idx.msk [tilespmem:v59+s10+$0x0], $0xffff;
	v56 =	vor.u32 v25, v34;
	v57 =	vmul.f32 v58, v40;
	v35 =	vadd.f32 v53, v35  }
0x279: {  	v59 =	vor.u32 v26, v33;
	v58 =	vld.idx.msk [tilespmem:v60+s13+$0x0], $0xffff  }
0x27a: {  	v46 =	vld.idx.msk [tilespmem:v63+s10+$0x0], $0xffff;
	v60 =	vor.u32 v26, v34;
	v61 =	vmul.f32 v62, v42;
	v35 =	vadd.f32 v57, v35  }
0x27b: {  	v63 =	vor.u32 v27, v33;
	v62 =	vld.idx.msk [tilespmem:v52+s13+$0x0], $0xffff  }
0x27c: {  	v38 =	vld.idx.msk [tilespmem:v55+s10+$0x0], $0xffff;
	v52 =	vor.u32 v27, v34;
	v53 =	vmul.f32 v54, v43;
	v35 =	vadd.f32 v61, v35  }
0x27d: {  	v55 =	vor.u32 v29, v33;
	v54 =	vld.idx.msk [tilespmem:v56+s13+$0x0], $0xffff  }
0x27e: {  	v40 =	vld.idx.msk [tilespmem:v59+s10+$0x0], $0xffff;
	v56 =	vor.u32 v29, v34;
	v57 =	vmul.f32 v58, v44;
	v35 =	vadd.f32 v53, v35  }
0x27f: {  	v59 =	vor.u32 v30, v33;
	v58 =	vld.idx.msk [tilespmem:v60+s13+$0x0], $0xffff  }
0x280: {  	v42 =	vld.idx.msk [tilespmem:v63+s10+$0x0], $0xffff;
	v60 =	vor.u32 v30, v34;
	v61 =	vmul.f32 v62, v46;
	v35 =	vadd.f32 v57, v35  }
0x281: {  	v63 =	vor.u32 v31, v33;
	v62 =	vld.idx.msk [tilespmem:v52+s13+$0x0], $0xffff  }
0x282: {  	v43 =	vld.idx.msk [tilespmem:v55+s10+$0x0], $0xffff;
	v52 =	vor.u32 v31, v34;
	v53 =	vmul.f32 v54, v38;
	v35 =	vadd.f32 v61, v35  }
0x283: {  	v33 =	vor.u32 v32, v33;
	v54 =	vld.idx.msk [tilespmem:v56+s13+$0x0], $0xffff  }
0x284: {  	v55 =	vld.idx.msk [tilespmem:v59+s10+$0x0], $0xffff;
	v34 =	vor.u32 v32, v34;
	v56 =	vmul.f32 v58, v40;
	v35 =	vadd.f32 v53, v35  }
0x285: {  	v57 =	vld.idx.msk [tilespmem:v60+s13+$0x0], $0xffff  }
0x286: {  	v58 =	vld.idx.msk [tilespmem:v63+s10+$0x0], $0xffff;
	v59 =	vmul.f32 v62, v42;
	v35 =	vadd.f32 v56, v35  }
0x287: {  	v60 =	vld.idx.msk [tilespmem:v52+s13+$0x0], $0xffff  }
0x288: {  	v33 =	vld.idx.msk [tilespmem:v33+s10+$0x0], $0xffff;
	v61 =	vmul.f32 v54, v43;
	v35 =	vadd.f32 v59, v35  }
0x289: {  	v34 =	vld.idx.msk [tilespmem:v34+s13+$0x0], $0xffff  }
0x28a: {  	v62 =	vmul.f32 v57, v55;
	v35 =	vadd.f32 v61, v35;
	_ =	sdelay $0x1  }
0x28b: {  	v63 =	vmul.f32 v60, v58;
	v35 =	vadd.f32 v62, v35;
	_ =	sdelay $0x1  }
0x28c: {  	v33 =	vmul.f32 v34, v33;
	v35 =	vadd.f32 v63, v35;
	_ =	sdelay $0x1  }
0x28d: {  	s25 =	sadd.s32 $0x1, s25;
	v33 =	vadd.f32 v33, v35  }
0x28e: {  	s26 =	sadd.s32 $0x10, s26;
	p0 =	sne.s32 s25, s8  }
.Ltmp2:
0x28f: {  	[tilespmem:s26+$0x0] =	vst v33;
	(pc) =	sbr.rel @p0 .LBB2_1-.Ltmp2, $4  }
0x290: {  	[hbm4b:s7+s1] =	stream.linear.scatter [tilespmem:s24], [sflag:$0x2], $0x200, $0x38;
	[tilespmem:$0x10A00] =	vst v63  }
0x291: {  	_ =	swait.ge [sflag:s11], $0x200  }
0x292: {  	[sflag:s11] =	ssyncset.done $0x0  }
0x293: {  	[sflag:s11] =	ssyncadd.s32 $0xFFFFFE00  }
0x294: {  	_ =	sfence.sel $0x180000  }
0x295: {  	[bflag:$0x0] =	sbarrier.arrive $0xFFFF  }
0x296: {  	p0 =	sne.s32 s2, $0x0;
	_ =	strace $0x90000047  }
0x297: {  	s0 =	sadd.s32 @!p0 $0x100000, s0;
	[bflag:$0x2] =	sbarrier.arrive $0xFFFF  }
0x298: {  	[sflag:s0] =	ssyncadd.tile.s32 @!p0 $0x1;
	_ =	shalt  }
.Lfunc_end2:
_tile_overlayer_lowered:
.L_overlay_start_2:
0x299: {  	(tag) =	ssettag $0x2  }
0x29a: {  	s0 =	rddreg [dreg:$0x0];
	s2 =	stileid.u32  }
0x29b: {  	s1 =	rddreg [dreg:$0x1];
	p0 =	sne.s32 s2, $0x0  }
0x29c: {  	s3 =	rddreg [dreg:$0x2];
	[bflag:$0x3] =	sbarrier.arrive $0xFFFF;
	s2 =	simm.s32 @!p0 $0x1C02  }
0x29d: {  	[timem:s3], [sflag:s2] =	dma.local @!p0 [hbm:s0], s1  }
0x29e: {  	s0 =	simm.s32 @!p0 $0x2  }
0x29f: {  	_ =	swait.ge @!p0 [sflag:s0], s1  }
0x2a0: {  	s1 =	ssub.s32 @!p0 $0x0, s1;
	[sflag:s0] =	ssyncset.done @!p0 $0x0  }
0x2a1: {  	[sflag:s0] =	ssyncadd.s32 @!p0 s1  }
0x2a2: {  	[bflag:$0x3] =	sbarrier.arrive $0xFFFF  }
0x2a3: {  	_ =	shalt  }

</sc_bundles>
